<compile_context>
chip_gen: v7x
topology: tpu7x:2x2x1
jax: 0.10.2.dev20260603
libtpu: 0.0.44.dev20260713+nightly
codegen_flags: <defaults>
</compile_context>

<pallas_src>
import jax
import jax.numpy as jnp
from jax import lax
from jax.experimental import pallas as pl
from jax.experimental.pallas import tpu as pltpu
from jax.experimental.pallas import tpu_sc as plsc

N_ATOMS = 1638400
N_MOL = 16384
W_FORCE = 0.999
W_ENERGY = 0.001

NC = 2
NS = 16
LANES = 16

NW = NC * NS
APW = N_ATOMS // NW
ROUNDS = 5
CPT = APW // ROUNDS
VPR = CPT // LANES
MPT = N_MOL // NS


def _vtake(x, idx):
    return x.at[idx].get(mode="promise_in_bounds")


def _sc_body(d_hbm, idx_hbm, out_hbm,
             d_buf, i_buf, acc, red, tmp, slab, sem):
    c = lax.axis_index("c")
    s = lax.axis_index("s")
    wid = c * NS + s
    wbase = wid * APW

    lanes = lax.iota(jnp.int32, LANES)
    zero16 = jnp.zeros((LANES,), jnp.float32)

    def _zero(j, carry):
        acc[pl.ds(j * LANES, LANES)] = zero16
        return carry
    lax.fori_loop(0, N_MOL // LANES, _zero, 0)

    DSZ = 3 * CPT
    ISZ = CPT
    iota_prev = jnp.maximum(lanes - 1, 0)
    iota_next = jnp.minimum(lanes + 1, LANES - 1)
    fifteen = jnp.full((LANES,), LANES - 1, jnp.int32)
    zeros_i = jnp.zeros((LANES,), jnp.int32)
    is_lane0 = lanes == 0

    def _issue(r, b):
        a0 = wbase + r * CPT
        return [
            pltpu.async_copy(
                d_hbm.at[pl.ds(3 * a0, 3 * CPT)],
                d_buf.at[pl.ds(b * DSZ, 3 * CPT)], sem),
            pltpu.async_copy(
                idx_hbm.at[pl.ds(a0, CPT)],
                i_buf.at[pl.ds(b * ISZ, CPT)], sem),
        ]

    def _vreg(m, m_next, dx, dy, dz, carry):
        e = dx * dx + dy * dy + dz * dz
        ctot = jnp.cumsum(e) + carry
        b = m != m_next
        u = jnp.where(b, ctot, 0.0)
        w = plsc.cummax(u)
        wsh = _vtake(w, iota_prev, )
        pb = jnp.where(is_lane0, 0.0, wsh)
        plsc.addupdate_scatter(acc, [m], ctot - pb, mask=b)
        t15 = _vtake(ctot, fifteen, )
        w15 = _vtake(w, fifteen, )
        return t15 - w15

    carry = zero16
    pend = _issue(0, 0)
    for r in range(ROUNDS):
        b = r % 2
        for d in pend:
            d.wait()
        pend = _issue(r + 1, (r + 1) % 2) if r + 1 < ROUNDS else []
        ib = b * ISZ
        db = b * DSZ

        def _body(j, carry, _ib=ib, _db=db):
            a = j * LANES
            g = jax.lax.shift_right_logical(a, 7)
            pd = _db + a + g * 256
            m = i_buf[pl.ds(_ib + a, LANES)]
            m_next = i_buf[pl.ds(_ib + a + 1, LANES)]
            dx = d_buf[pl.ds(pd, LANES)]
            dy = d_buf[pl.ds(pd + 128, LANES)]
            dz = d_buf[pl.ds(pd + 256, LANES)]
            return _vreg(m, m_next, dx, dy, dz, carry)

        carry = plsc.parallel_loop(
            0, VPR - 1, carry=carry)(_body)

        a = (VPR - 1) * LANES
        pd = db + a + ((a >> 7) << 8)
        m = i_buf[pl.ds(ib + a, LANES)]
        m_sh = _vtake(m, iota_next, )
        if r + 1 < ROUNDS:
            for d in pend:
                d.wait()
            pend = []
            mn0 = i_buf[pl.ds(((r + 1) % 2) * ISZ, LANES)]
            mn0s = _vtake(mn0, zeros_i, )
            m_next = jnp.where(lanes == LANES - 1, mn0s, m_sh)
        else:
            m_next = m_sh
        dx = d_buf[pl.ds(pd, LANES)]
        dy = d_buf[pl.ds(pd + 128, LANES)]
        dz = d_buf[pl.ds(pd + 256, LANES)]
        carry = _vreg(m, m_next, dx, dy, dz, carry)
        m_last = _vtake(m, fifteen, )

    plsc.addupdate_scatter(acc, [m_last], carry, mask=is_lane0)

    pltpu.sync_copy(acc, slab.at[pl.ds(s * N_MOL, N_MOL)])
    plsc.subcore_barrier()
    pltpu.sync_copy(slab.at[pl.ds(s * MPT, MPT)], red)
    for j in range(1, NS):
        pltpu.sync_copy(slab.at[pl.ds(j * N_MOL + s * MPT, MPT)], tmp)

        def _acc(q, carry):
            sl = pl.ds(q * LANES, LANES)
            red[sl] = red[sl] + tmp[sl]
            return carry
        lax.fori_loop(0, MPT // LANES, _acc, 0)
    pltpu.sync_copy(red, out_hbm.at[c, pl.ds(s * MPT, MPT)])


_sc_partial = pl.kernel(
    _sc_body,
    out_type=jax.ShapeDtypeStruct((NC, N_MOL), jnp.float32),
    mesh=plsc.VectorSubcoreMesh(core_axis_name="c", subcore_axis_name="s"),
    scratch_types=[
        pltpu.VMEM((2 * 3 * CPT,), jnp.float32),
        pltpu.VMEM((2 * CPT,), jnp.int32),
        pltpu.VMEM((N_MOL,), jnp.float32),
        pltpu.VMEM((MPT,), jnp.float32),
        pltpu.VMEM((MPT,), jnp.float32),
        pltpu.VMEM_SHARED((NS * N_MOL,), jnp.float32),
        pltpu.SemaphoreType.DMA,
    ],
    compiler_params=pltpu.CompilerParams(needs_layout_passes=False),
)



def _fin_body(pm0, pm1, cnt, ep, et, tot, lf, le):
    counts = cnt[...].astype(jnp.float32)
    force = (pm0[...] + pm1[...]) / (3.0 * counts)
    d = ep[...] - et[...]
    energy = (d * d) / counts
    tot[...] = W_FORCE * force + W_ENERGY * energy
    lf[...] = force
    le[...] = energy


_R = 128


def kernel(per_atom_force_predict, per_atom_force_true,
           per_molecule_energy_predict, per_molecule_energy_true,
           atomic_subsystem_indices, atomic_subsystem_counts):
    d_flat = ((per_atom_force_predict - per_atom_force_true)
              .T.reshape(3, N_ATOMS // 128, 128)
              .transpose(1, 0, 2).reshape(-1))
    partial = _sc_partial(d_flat, atomic_subsystem_indices)

    shp = jax.ShapeDtypeStruct((_R, N_MOL // _R), jnp.float32)
    tot, lf, le = pl.pallas_call(
        _fin_body,
        out_shape=(shp, shp, shp),
    )(
        partial[0].reshape(_R, -1),
        partial[1].reshape(_R, -1),
        atomic_subsystem_counts.reshape(_R, -1),
        per_molecule_energy_predict.reshape(_R, -1),
        per_molecule_energy_true.reshape(_R, -1),
    )
    out = (tot.reshape(N_MOL, 1), lf.reshape(N_MOL, 1), le.reshape(N_MOL, 1))
    return out

# --- scband reference (transcript-rebuilt; emitter-appended) ---
"""Pipeline reference for scband-loss-73486890434818 (READ-ONLY COPY).

The authoritative reference and input builder live on the scoring server;
editing this copy changes nothing except your own understanding.
"""

import jax, jax.numpy as jnp
import numpy as np

N = 1638400
M = 16384
D = 3
W_FORCE = 0.999
W_ENERGY = 0.001


def setup_inputs(seed: int = 0) -> dict:
    key = jax.random.key(seed)
    k1, k2, k3, k4, k5 = jax.random.split(key, 5)
    per_atom_force_predict = jax.random.normal(k1, (N, D), dtype=jnp.float32)
    per_atom_force_true = jax.random.normal(k2, (N, D), dtype=jnp.float32)
    per_molecule_energy_predict = jax.random.normal(k3, (M, 1), dtype=jnp.float32)
    per_molecule_energy_true = jax.random.normal(k4, (M, 1), dtype=jnp.float32)
    atomic_subsystem_indices = jnp.sort(
        jax.random.randint(k5, (N,), 0, M, dtype=jnp.int32)
    )
    # counts derived from indices so scaling matches the scatter segments;
    # guard against (vanishingly unlikely) empty segments
    atomic_subsystem_counts = jnp.maximum(
        jnp.bincount(atomic_subsystem_indices, length=M), 1
    ).astype(jnp.int32)
    return {
        "per_atom_force_predict": per_atom_force_predict,
        "per_atom_force_true": per_atom_force_true,
        "per_molecule_energy_predict": per_molecule_energy_predict,
        "per_molecule_energy_true": per_molecule_energy_true,
        "atomic_subsystem_indices": atomic_subsystem_indices,
        "atomic_subsystem_counts": atomic_subsystem_counts,
    }


def reference(per_atom_force_predict, per_atom_force_true,
              per_molecule_energy_predict, per_molecule_energy_true,
              atomic_subsystem_indices, atomic_subsystem_counts):
    counts = atomic_subsystem_counts[:, None].astype(jnp.float32)

    # FromPerAtomToPerMoleculeSquaredError (per_atom_force)
    sq_f = jnp.sum((per_atom_force_predict - per_atom_force_true) ** 2,
                   axis=1, keepdims=True)  # [N,1] per-atom squared error
    per_mol_f = jax.ops.segment_sum(sq_f, atomic_subsystem_indices,
                                    num_segments=M)  # scatter_add over molecules
    loss_force = per_mol_f / (D * counts)  # prefactor = force dim (3)

    # PerMoleculeSquaredError (per_molecule_energy)
    sq_e = jnp.sum((per_molecule_energy_predict - per_molecule_energy_true) ** 2,
                   axis=1, keepdims=True)  # [M,1]
    loss_energy = sq_e / counts

    total_loss = W_FORCE * loss_force + W_ENERGY * loss_energy
    return total_loss, loss_force, loss_energy

if __name__ == "__main__":
    import jax
    _d = setup_inputs()
    print(jax.jit(kernel)(*tuple(_d.values())))

</pallas_src>

<mosaic_0001>
#map = affine_map<(d0, d1) -> (0)>
#map1 = affine_map<(d0, d1) -> (0, 0)>
module attributes {stable_mosaic.version = 14 : i64} {
  func.func @_sc_body(%arg0: i32, %arg1: i32, %arg2: memref<4915200xf32, #tpu.memory_space<hbm>>, %arg3: memref<1638400xi32, #tpu.memory_space<hbm>>, %arg4: memref<2x16384xf32, #tpu.memory_space<hbm>>, %arg5: memref<61440xf32, #tpu.memory_space<vmem>>, %arg6: memref<20480xi32, #tpu.memory_space<vmem>>, %arg7: memref<16384xf32, #tpu.memory_space<vmem>>, %arg8: memref<1024xf32, #tpu.memory_space<vmem>>, %arg9: memref<1024xf32, #tpu.memory_space<vmem>>, %arg10: memref<262144xf32, #tpu.memory_space<vmem_shared>>, %arg11: memref<!tpu.dma_semaphore, #tpu.memory_space<semaphore_mem>>) attributes {dimension_semantics = [#tpu.dimension_semantics<core_parallel>, #tpu.dimension_semantics<subcore_parallel>], iteration_bounds = array<i64: 2, 16>, scalar_prefetch = 0 : i64, scratch_operands = 7 : i64, tpu.core_type = #tpu.core_type<sc_vector_subcore>, window_params = [{transform_indices = #map}, {transform_indices = #map}, {transform_indices = #map1}]} {
    %mul3A = arith.constant 16 : i32
    %mul3A_0 = arith.muli %arg0, %mul3A : i32
    %add3A = arith.addi %mul3A_0, %arg1 : i32
    %mul3A_1 = arith.constant 51200 : i32
    %mul3A_2 = arith.muli %add3A, %mul3A_1 : i32
    %iota3A = tpu.iota {dimensions = array<i32: 0>} : vector<16xi32>
    %broadcast_in_dim3A = arith.constant 0.000000e+00 : f32
    %broadcast_in_dim3A_3 = vector.broadcast %broadcast_in_dim3A : f32 to vector<16xf32>
    %scan3A = arith.constant 0 : i32
    %scan3A_4 = arith.constant 0 : i32
    %scan3A_5 = arith.constant 1024 : i32
    %scan3A_6 = arith.addi %scan3A_4, %scan3A_5 : i32
    %scan3A_7 = arith.constant 1 : i32
    scf.for %scan3A_788 = %scan3A_4 to %scan3A_6 step %scan3A_7  : i32 {
      %mul3A_789 = arith.constant 16 : i32
      %mul3A_790 = arith.muli %scan3A_788, %mul3A_789 : i32
      %swap3A = arith.index_cast %mul3A_790 : i32 to index
      %swap3A_791 = tpu.vector_load %arg7[%swap3A] {strides = array<i32>} : memref<16384xf32, #tpu.memory_space<vmem>>, vector<16xf32>,
      tpu.vector_store %arg7[%swap3A], %broadcast_in_dim3A_3 {strides = array<i32>} : memref<16384xf32, #tpu.memory_space<vmem>>, vector<16xf32>,
    }
    %scan3A_8 = arith.constant 1024 : i32
    %sub3A = arith.constant 1 : i32
    %sub3A_9 = vector.broadcast %sub3A : i32 to vector<16xi32>
    %sub3A_10 = arith.subi %iota3A, %sub3A_9 : vector<16xi32>
    %max3A = arith.constant 0 : i32
    %max3A_11 = vector.broadcast %max3A : i32 to vector<16xi32>
    %max3A_12 = arith.maxsi %sub3A_10, %max3A_11 : vector<16xi32>
    %add3A_13 = arith.constant 1 : i32
    %add3A_14 = vector.broadcast %add3A_13 : i32 to vector<16xi32>
    %add3A_15 = arith.addi %iota3A, %add3A_14 : vector<16xi32>
    %min3A = arith.constant 15 : i32
    %min3A_16 = vector.broadcast %min3A : i32 to vector<16xi32>
    %min3A_17 = arith.minsi %add3A_15, %min3A_16 : vector<16xi32>
    %broadcast_in_dim3A_18 = arith.constant 15 : i32
    %broadcast_in_dim3A_19 = vector.broadcast %broadcast_in_dim3A_18 : i32 to vector<16xi32>
    %broadcast_in_dim3A_20 = arith.constant 0 : i32
    %broadcast_in_dim3A_21 = vector.broadcast %broadcast_in_dim3A_20 : i32 to vector<16xi32>
    %eq3A = arith.constant 0 : i32
    %eq3A_22 = vector.broadcast %eq3A : i32 to vector<16xi32>
    %eq3A_23 = arith.cmpi eq, %iota3A, %eq3A_22 : vector<16xi32>
    %add3A_24 = arith.constant 0 : i32
    %add3A_25 = arith.addi %mul3A_2, %add3A_24 : i32
    %mul3A_26 = arith.constant 3 : i32
    %mul3A_27 = arith.muli %mul3A_26, %add3A_25 : i32
    %dma_start3A = arith.constant 0 : i32
    %dma_start3A_28 = tpu.memref_slice %arg5[%dma_start3A] : memref<61440xf32, #tpu.memory_space<vmem>> -> memref<30720xf32, #tpu.memory_space<vmem>>
    %dma_start3A_29 = tpu.memref_slice %arg2[%mul3A_27] : memref<4915200xf32, #tpu.memory_space<hbm>> -> memref<30720xf32, #tpu.memory_space<hbm>>
    %dma_start3A_30 = arith.constant 0 : i32
    %dma_start3A_31 = tpu.memref_slice %arg5[%dma_start3A_30] : memref<61440xf32, #tpu.memory_space<vmem>> -> memref<30720xf32, #tpu.memory_space<vmem>>
    %dma_start3A_32 = tpu.memref_slice %arg2[%mul3A_27] : memref<4915200xf32, #tpu.memory_space<hbm>> -> memref<30720xf32, #tpu.memory_space<hbm>>
    tpu.enqueue_dma source(%dma_start3A_32 : memref<30720xf32, #tpu.memory_space<hbm>>) target(%dma_start3A_31 : memref<30720xf32, #tpu.memory_space<vmem>>) target_semaphore(%arg11 : memref<!tpu.dma_semaphore, #tpu.memory_space<semaphore_mem>>)
    %dma_start3A_33 = arith.constant 0 : i32
    %dma_start3A_34 = tpu.memref_slice %arg6[%dma_start3A_33] : memref<20480xi32, #tpu.memory_space<vmem>> -> memref<10240xi32, #tpu.memory_space<vmem>>
    %dma_start3A_35 = tpu.memref_slice %arg3[%add3A_25] : memref<1638400xi32, #tpu.memory_space<hbm>> -> memref<10240xi32, #tpu.memory_space<hbm>>
    %dma_start3A_36 = arith.constant 0 : i32
    %dma_start3A_37 = tpu.memref_slice %arg6[%dma_start3A_36] : memref<20480xi32, #tpu.memory_space<vmem>> -> memref<10240xi32, #tpu.memory_space<vmem>>
    %dma_start3A_38 = tpu.memref_slice %arg3[%add3A_25] : memref<1638400xi32, #tpu.memory_space<hbm>> -> memref<10240xi32, #tpu.memory_space<hbm>>
    tpu.enqueue_dma source(%dma_start3A_38 : memref<10240xi32, #tpu.memory_space<hbm>>) target(%dma_start3A_37 : memref<10240xi32, #tpu.memory_space<vmem>>) target_semaphore(%arg11 : memref<!tpu.dma_semaphore, #tpu.memory_space<semaphore_mem>>)
    %dma_wait3A = arith.constant 0 : i32
    %dma_wait3A_39 = tpu.memref_slice %arg5[%dma_wait3A] : memref<61440xf32, #tpu.memory_space<vmem>> -> memref<30720xf32, #tpu.memory_space<vmem>>
    %dma_wait3A_40 = tpu.memref_slice %arg2[%mul3A_27] : memref<4915200xf32, #tpu.memory_space<hbm>> -> memref<30720xf32, #tpu.memory_space<hbm>>
    %dma_wait3A_41 = arith.constant 0 : i32
    %dma_wait3A_42 = tpu.memref_slice %arg5[%dma_wait3A_41] : memref<61440xf32, #tpu.memory_space<vmem>> -> memref<30720xf32, #tpu.memory_space<vmem>>
    %dma_wait3A_43 = tpu.memref_slice %arg2[%mul3A_27] : memref<4915200xf32, #tpu.memory_space<hbm>> -> memref<30720xf32, #tpu.memory_space<hbm>>
    tpu.wait_dma2 semaphore(%arg11 : memref<!tpu.dma_semaphore, #tpu.memory_space<semaphore_mem>>) src(%dma_wait3A_43 : memref<30720xf32, #tpu.memory_space<hbm>>) dst(%dma_wait3A_42 : memref<30720xf32, #tpu.memory_space<vmem>>)
    %dma_wait3A_44 = arith.constant 0 : i32
    %dma_wait3A_45 = tpu.memref_slice %arg6[%dma_wait3A_44] : memref<20480xi32, #tpu.memory_space<vmem>> -> memref<10240xi32, #tpu.memory_space<vmem>>
    %dma_wait3A_46 = tpu.memref_slice %arg3[%add3A_25] : memref<1638400xi32, #tpu.memory_space<hbm>> -> memref<10240xi32, #tpu.memory_space<hbm>>
    %dma_wait3A_47 = arith.constant 0 : i32
    %dma_wait3A_48 = tpu.memref_slice %arg6[%dma_wait3A_47] : memref<20480xi32, #tpu.memory_space<vmem>> -> memref<10240xi32, #tpu.memory_space<vmem>>
    %dma_wait3A_49 = tpu.memref_slice %arg3[%add3A_25] : memref<1638400xi32, #tpu.memory_space<hbm>> -> memref<10240xi32, #tpu.memory_space<hbm>>
    tpu.wait_dma2 semaphore(%arg11 : memref<!tpu.dma_semaphore, #tpu.memory_space<semaphore_mem>>) src(%dma_wait3A_49 : memref<10240xi32, #tpu.memory_space<hbm>>) dst(%dma_wait3A_48 : memref<10240xi32, #tpu.memory_space<vmem>>)
    %add3A_50 = arith.constant 10240 : i32
    %add3A_51 = arith.addi %mul3A_2, %add3A_50 : i32
    %mul3A_52 = arith.constant 3 : i32
    %mul3A_53 = arith.muli %mul3A_52, %add3A_51 : i32
    %dma_start3A_54 = arith.constant 30720 : i32
    %dma_start3A_55 = tpu.memref_slice %arg5[%dma_start3A_54] : memref<61440xf32, #tpu.memory_space<vmem>> -> memref<30720xf32, #tpu.memory_space<vmem>>
    %dma_start3A_56 = tpu.memref_slice %arg2[%mul3A_53] : memref<4915200xf32, #tpu.memory_space<hbm>> -> memref<30720xf32, #tpu.memory_space<hbm>>
    %dma_start3A_57 = arith.constant 30720 : i32
    %dma_start3A_58 = tpu.memref_slice %arg5[%dma_start3A_57] : memref<61440xf32, #tpu.memory_space<vmem>> -> memref<30720xf32, #tpu.memory_space<vmem>>
    %dma_start3A_59 = tpu.memref_slice %arg2[%mul3A_53] : memref<4915200xf32, #tpu.memory_space<hbm>> -> memref<30720xf32, #tpu.memory_space<hbm>>
    tpu.enqueue_dma source(%dma_start3A_59 : memref<30720xf32, #tpu.memory_space<hbm>>) target(%dma_start3A_58 : memref<30720xf32, #tpu.memory_space<vmem>>) target_semaphore(%arg11 : memref<!tpu.dma_semaphore, #tpu.memory_space<semaphore_mem>>)
    %dma_start3A_60 = arith.constant 10240 : i32
    %dma_start3A_61 = tpu.memref_slice %arg6[%dma_start3A_60] : memref<20480xi32, #tpu.memory_space<vmem>> -> memref<10240xi32, #tpu.memory_space<vmem>>
    %dma_start3A_62 = tpu.memref_slice %arg3[%add3A_51] : memref<1638400xi32, #tpu.memory_space<hbm>> -> memref<10240xi32, #tpu.memory_space<hbm>>
    %dma_start3A_63 = arith.constant 10240 : i32
    %dma_start3A_64 = tpu.memref_slice %arg6[%dma_start3A_63] : memref<20480xi32, #tpu.memory_space<vmem>> -> memref<10240xi32, #tpu.memory_space<vmem>>
    %dma_start3A_65 = tpu.memref_slice %arg3[%add3A_51] : memref<1638400xi32, #tpu.memory_space<hbm>> -> memref<10240xi32, #tpu.memory_space<hbm>>
    tpu.enqueue_dma source(%dma_start3A_65 : memref<10240xi32, #tpu.memory_space<hbm>>) target(%dma_start3A_64 : memref<10240xi32, #tpu.memory_space<vmem>>) target_semaphore(%arg11 : memref<!tpu.dma_semaphore, #tpu.memory_space<semaphore_mem>>)
    %parallel_loop3A = arith.constant 0 : i32
    %parallel_loop3A_66 = arith.constant 639 : i32
    %parallel_loop3A_67 = arith.constant 1 : i32
    %parallel_loop3A_68 = scf.for %parallel_loop3A_788 = %parallel_loop3A to %parallel_loop3A_66 step %parallel_loop3A_67 iter_args(%parallel_loop3A_789 = %broadcast_in_dim3A_3) -> (vector<16xf32>)  : i32 {
      %parallel_loop3A_790 = arith.constant 16 : i32
      %parallel_loop3A_791 = arith.muli %parallel_loop3A_788, %parallel_loop3A_790 : i32
      %parallel_loop3A_792 = arith.constant 7 : i32
      %parallel_loop3A_793 = arith.shrui %parallel_loop3A_791, %parallel_loop3A_792 : i32
      %parallel_loop3A_794 = arith.constant 0 : i32
      %parallel_loop3A_795 = arith.addi %parallel_loop3A_794, %parallel_loop3A_791 : i32
      %parallel_loop3A_796 = arith.constant 256 : i32
      %parallel_loop3A_797 = arith.muli %parallel_loop3A_793, %parallel_loop3A_796 : i32
      %parallel_loop3A_798 = arith.addi %parallel_loop3A_795, %parallel_loop3A_797 : i32
      %parallel_loop3A_799 = arith.constant 0 : i32
      %parallel_loop3A_800 = arith.addi %parallel_loop3A_799, %parallel_loop3A_791 : i32
      %parallel_loop3A_801 = arith.index_cast %parallel_loop3A_800 : i32 to index
      %parallel_loop3A_802 = tpu.vector_load %arg6[%parallel_loop3A_801] {strides = array<i32>} : memref<20480xi32, #tpu.memory_space<vmem>>, vector<16xi32>,
      %parallel_loop3A_803 = arith.constant 0 : i32
      %parallel_loop3A_804 = arith.addi %parallel_loop3A_803, %parallel_loop3A_791 : i32
      %parallel_loop3A_805 = arith.constant 1 : i32
      %parallel_loop3A_806 = arith.addi %parallel_loop3A_804, %parallel_loop3A_805 : i32
      %parallel_loop3A_807 = arith.index_cast %parallel_loop3A_806 : i32 to index
      %parallel_loop3A_808 = tpu.vector_load %arg6[%parallel_loop3A_807] {strides = array<i32>} : memref<20480xi32, #tpu.memory_space<vmem>>, vector<16xi32>,
      %parallel_loop3A_809 = arith.index_cast %parallel_loop3A_798 : i32 to index
      %parallel_loop3A_810 = tpu.vector_load %arg5[%parallel_loop3A_809] {strides = array<i32>} : memref<61440xf32, #tpu.memory_space<vmem>>, vector<16xf32>,
      %parallel_loop3A_811 = arith.constant 128 : i32
      %parallel_loop3A_812 = arith.addi %parallel_loop3A_798, %parallel_loop3A_811 : i32
      %parallel_loop3A_813 = arith.index_cast %parallel_loop3A_812 : i32 to index
      %parallel_loop3A_814 = tpu.vector_load %arg5[%parallel_loop3A_813] {strides = array<i32>} : memref<61440xf32, #tpu.memory_space<vmem>>, vector<16xf32>,
      %parallel_loop3A_815 = arith.constant 256 : i32
      %parallel_loop3A_816 = arith.addi %parallel_loop3A_798, %parallel_loop3A_815 : i32
      %parallel_loop3A_817 = arith.index_cast %parallel_loop3A_816 : i32 to index
      %parallel_loop3A_818 = tpu.vector_load %arg5[%parallel_loop3A_817] {strides = array<i32>} : memref<61440xf32, #tpu.memory_space<vmem>>, vector<16xf32>,
      %parallel_loop3A_819 = arith.mulf %parallel_loop3A_810, %parallel_loop3A_810 : vector<16xf32>
      %parallel_loop3A_820 = arith.mulf %parallel_loop3A_814, %parallel_loop3A_814 : vector<16xf32>
      %parallel_loop3A_821 = arith.addf %parallel_loop3A_819, %parallel_loop3A_820 : vector<16xf32>
      %parallel_loop3A_822 = arith.mulf %parallel_loop3A_818, %parallel_loop3A_818 : vector<16xf32>
      %parallel_loop3A_823 = arith.addf %parallel_loop3A_821, %parallel_loop3A_822 : vector<16xf32>
      %parallel_loop3A_824 = arith.constant true
      %parallel_loop3A_825 = vector.broadcast %parallel_loop3A_824 : i1 to vector<16xi1>
      %parallel_loop3A_826 = tpu.scan <sum>, %parallel_loop3A_823 masked %parallel_loop3A_825 : vector<16xf32>, vector<16xi1> -> vector<16xf32>
      %parallel_loop3A_827 = arith.addf %parallel_loop3A_826, %parallel_loop3A_789 : vector<16xf32>
      %parallel_loop3A_828 = arith.cmpi ne, %parallel_loop3A_802, %parallel_loop3A_808 : vector<16xi32>
      %parallel_loop3A_829 = arith.constant 0.000000e+00 : f32
      %parallel_loop3A_830 = vector.broadcast %parallel_loop3A_829 : f32 to vector<16xf32>
      %parallel_loop3A_831 = arith.select %parallel_loop3A_828, %parallel_loop3A_827, %parallel_loop3A_830 : vector<16xi1>, vector<16xf32>
      %parallel_loop3A_832 = arith.constant true
      %parallel_loop3A_833 = vector.broadcast %parallel_loop3A_832 : i1 to vector<16xi1>
      %parallel_loop3A_834 = tpu.scan <max>, %parallel_loop3A_831 masked %parallel_loop3A_833 : vector<16xf32>, vector<16xi1> -> vector<16xf32>
      %parallel_loop3A_835 = arith.constant 0 : i32
      %parallel_loop3A_836 = vector.broadcast %parallel_loop3A_835 : i32 to vector<16xi32>
      %parallel_loop3A_837 = arith.cmpi slt, %max3A_12, %parallel_loop3A_836 : vector<16xi32>
      %parallel_loop3A_838 = arith.constant 16 : i32
      %parallel_loop3A_839 = vector.broadcast %parallel_loop3A_838 : i32 to vector<16xi32>
      %parallel_loop3A_840 = arith.addi %max3A_12, %parallel_loop3A_839 : vector<16xi32>
      %parallel_loop3A_841 = arith.select %parallel_loop3A_837, %parallel_loop3A_840, %max3A_12 : vector<16xi1>, vector<16xi32>
      %parallel_loop3A_842 = vector.shape_cast %parallel_loop3A_841 : vector<16xi32> to vector<16x1xi32>
      %parallel_loop3A_843 = vector.shape_cast %parallel_loop3A_842 : vector<16x1xi32> to vector<16xi32>
      %parallel_loop3A_844 = tpu.dynamic_gather %parallel_loop3A_834[%parallel_loop3A_843] in [0] : vector<16xf32>, vector<16xi32> -> vector<16xf32>
      %parallel_loop3A_845 = arith.constant 0.000000e+00 : f32
      %parallel_loop3A_846 = vector.broadcast %parallel_loop3A_845 : f32 to vector<16xf32>
      %parallel_loop3A_847 = arith.select %eq3A_23, %parallel_loop3A_846, %parallel_loop3A_844 : vector<16xi1>, vector<16xf32>
      %parallel_loop3A_848 = arith.subf %parallel_loop3A_827, %parallel_loop3A_847 : vector<16xf32>
      tpu.vector_store_idx %arg7[%parallel_loop3A_802], %parallel_loop3A_848 masked %parallel_loop3A_828 {add = true} : memref<16384xf32, #tpu.memory_space<vmem>>[vector<16xi32>], vector<16xf32>, vector<16xi1>
      %parallel_loop3A_849 = arith.constant 0 : i32
      %parallel_loop3A_850 = vector.broadcast %parallel_loop3A_849 : i32 to vector<16xi32>
      %parallel_loop3A_851 = arith.cmpi slt, %broadcast_in_dim3A_19, %parallel_loop3A_850 : vector<16xi32>
      %parallel_loop3A_852 = arith.constant 16 : i32
      %parallel_loop3A_853 = vector.broadcast %parallel_loop3A_852 : i32 to vector<16xi32>
      %parallel_loop3A_854 = arith.addi %broadcast_in_dim3A_19, %parallel_loop3A_853 : vector<16xi32>
      %parallel_loop3A_855 = arith.select %parallel_loop3A_851, %parallel_loop3A_854, %broadcast_in_dim3A_19 : vector<16xi1>, vector<16xi32>
      %parallel_loop3A_856 = vector.shape_cast %parallel_loop3A_855 : vector<16xi32> to vector<16x1xi32>
      %parallel_loop3A_857 = vector.shape_cast %parallel_loop3A_856 : vector<16x1xi32> to vector<16xi32>
      %parallel_loop3A_858 = tpu.dynamic_gather %parallel_loop3A_827[%parallel_loop3A_857] in [0] : vector<16xf32>, vector<16xi32> -> vector<16xf32>
      %parallel_loop3A_859 = arith.constant 0 : i32
      %parallel_loop3A_860 = vector.broadcast %parallel_loop3A_859 : i32 to vector<16xi32>
      %parallel_loop3A_861 = arith.cmpi slt, %broadcast_in_dim3A_19, %parallel_loop3A_860 : vector<16xi32>
      %parallel_loop3A_862 = arith.constant 16 : i32
      %parallel_loop3A_863 = vector.broadcast %parallel_loop3A_862 : i32 to vector<16xi32>
      %parallel_loop3A_864 = arith.addi %broadcast_in_dim3A_19, %parallel_loop3A_863 : vector<16xi32>
      %parallel_loop3A_865 = arith.select %parallel_loop3A_861, %parallel_loop3A_864, %broadcast_in_dim3A_19 : vector<16xi1>, vector<16xi32>
      %parallel_loop3A_866 = vector.shape_cast %parallel_loop3A_865 : vector<16xi32> to vector<16x1xi32>
      %parallel_loop3A_867 = vector.shape_cast %parallel_loop3A_866 : vector<16x1xi32> to vector<16xi32>
      %parallel_loop3A_868 = tpu.dynamic_gather %parallel_loop3A_834[%parallel_loop3A_867] in [0] : vector<16xf32>, vector<16xi32> -> vector<16xf32>
      %parallel_loop3A_869 = arith.subf %parallel_loop3A_858, %parallel_loop3A_868 : vector<16xf32>
      scf.yield %parallel_loop3A_869 : vector<16xf32>
    } {sc.loop_unroll_factor = 1 : i64, sc.parallel_access}
    %get3A = arith.constant 10224 : index
    %get3A_69 = tpu.vector_load %arg6[%get3A] {strides = array<i32>} : memref<20480xi32, #tpu.memory_space<vmem>>, vector<16xi32>,
    %lt3A = arith.constant 0 : i32
    %lt3A_70 = vector.broadcast %lt3A : i32 to vector<16xi32>
    %lt3A_71 = arith.cmpi slt, %min3A_17, %lt3A_70 : vector<16xi32>
    %add3A_72 = arith.constant 16 : i32
    %add3A_73 = vector.broadcast %add3A_72 : i32 to vector<16xi32>
    %add3A_74 = arith.addi %min3A_17, %add3A_73 : vector<16xi32>
    %select_n3A = arith.select %lt3A_71, %add3A_74, %min3A_17 : vector<16xi1>, vector<16xi32>
    %broadcast_in_dim3A_75 = vector.shape_cast %select_n3A : vector<16xi32> to vector<16x1xi32>
    %gather3A = vector.shape_cast %broadcast_in_dim3A_75 : vector<16x1xi32> to vector<16xi32>
    %gather3A_76 = tpu.dynamic_gather %get3A_69[%gather3A] in [0] : vector<16xi32>, vector<16xi32> -> vector<16xi32>
    %dma_wait3A_77 = arith.constant 30720 : i32
    %dma_wait3A_78 = tpu.memref_slice %arg5[%dma_wait3A_77] : memref<61440xf32, #tpu.memory_space<vmem>> -> memref<30720xf32, #tpu.memory_space<vmem>>
    %dma_wait3A_79 = tpu.memref_slice %arg2[%mul3A_53] : memref<4915200xf32, #tpu.memory_space<hbm>> -> memref<30720xf32, #tpu.memory_space<hbm>>
    %dma_wait3A_80 = arith.constant 30720 : i32
    %dma_wait3A_81 = tpu.memref_slice %arg5[%dma_wait3A_80] : memref<61440xf32, #tpu.memory_space<vmem>> -> memref<30720xf32, #tpu.memory_space<vmem>>
    %dma_wait3A_82 = tpu.memref_slice %arg2[%mul3A_53] : memref<4915200xf32, #tpu.memory_space<hbm>> -> memref<30720xf32, #tpu.memory_space<hbm>>
    tpu.wait_dma2 semaphore(%arg11 : memref<!tpu.dma_semaphore, #tpu.memory_space<semaphore_mem>>) src(%dma_wait3A_82 : memref<30720xf32, #tpu.memory_space<hbm>>) dst(%dma_wait3A_81 : memref<30720xf32, #tpu.memory_space<vmem>>)
    %dma_wait3A_83 = arith.constant 10240 : i32
    %dma_wait3A_84 = tpu.memref_slice %arg6[%dma_wait3A_83] : memref<20480xi32, #tpu.memory_space<vmem>> -> memref<10240xi32, #tpu.memory_space<vmem>>
    %dma_wait3A_85 = tpu.memref_slice %arg3[%add3A_51] : memref<1638400xi32, #tpu.memory_space<hbm>> -> memref<10240xi32, #tpu.memory_space<hbm>>
    %dma_wait3A_86 = arith.constant 10240 : i32
    %dma_wait3A_87 = tpu.memref_slice %arg6[%dma_wait3A_86] : memref<20480xi32, #tpu.memory_space<vmem>> -> memref<10240xi32, #tpu.memory_space<vmem>>
    %dma_wait3A_88 = tpu.memref_slice %arg3[%add3A_51] : memref<1638400xi32, #tpu.memory_space<hbm>> -> memref<10240xi32, #tpu.memory_space<hbm>>
    tpu.wait_dma2 semaphore(%arg11 : memref<!tpu.dma_semaphore, #tpu.memory_space<semaphore_mem>>) src(%dma_wait3A_88 : memref<10240xi32, #tpu.memory_space<hbm>>) dst(%dma_wait3A_87 : memref<10240xi32, #tpu.memory_space<vmem>>)
    %get3A_89 = arith.constant 10240 : index
    %get3A_90 = tpu.vector_load %arg6[%get3A_89] {strides = array<i32>} : memref<20480xi32, #tpu.memory_space<vmem>>, vector<16xi32>,
    %lt3A_91 = arith.constant 0 : i32
    %lt3A_92 = vector.broadcast %lt3A_91 : i32 to vector<16xi32>
    %lt3A_93 = arith.cmpi slt, %broadcast_in_dim3A_21, %lt3A_92 : vector<16xi32>
    %add3A_94 = arith.constant 16 : i32
    %add3A_95 = vector.broadcast %add3A_94 : i32 to vector<16xi32>
    %add3A_96 = arith.addi %broadcast_in_dim3A_21, %add3A_95 : vector<16xi32>
    %select_n3A_97 = arith.select %lt3A_93, %add3A_96, %broadcast_in_dim3A_21 : vector<16xi1>, vector<16xi32>
    %broadcast_in_dim3A_98 = vector.shape_cast %select_n3A_97 : vector<16xi32> to vector<16x1xi32>
    %gather3A_99 = vector.shape_cast %broadcast_in_dim3A_98 : vector<16x1xi32> to vector<16xi32>
    %gather3A_100 = tpu.dynamic_gather %get3A_90[%gather3A_99] in [0] : vector<16xi32>, vector<16xi32> -> vector<16xi32>
    %eq3A_101 = arith.constant 15 : i32
    %eq3A_102 = vector.broadcast %eq3A_101 : i32 to vector<16xi32>
    %eq3A_103 = arith.cmpi eq, %iota3A, %eq3A_102 : vector<16xi32>
    %select_n3A_104 = arith.select %eq3A_103, %gather3A_100, %gather3A_76 : vector<16xi1>, vector<16xi32>
    %get3A_105 = arith.constant 30448 : index
    %get3A_106 = tpu.vector_load %arg5[%get3A_105] {strides = array<i32>} : memref<61440xf32, #tpu.memory_space<vmem>>, vector<16xf32>,
    %get3A_107 = arith.constant 30576 : index
    %get3A_108 = tpu.vector_load %arg5[%get3A_107] {strides = array<i32>} : memref<61440xf32, #tpu.memory_space<vmem>>, vector<16xf32>,
    %get3A_109 = arith.constant 30704 : index
    %get3A_110 = tpu.vector_load %arg5[%get3A_109] {strides = array<i32>} : memref<61440xf32, #tpu.memory_space<vmem>>, vector<16xf32>,
    %mul3A_111 = arith.mulf %get3A_106, %get3A_106 : vector<16xf32>
    %mul3A_112 = arith.mulf %get3A_108, %get3A_108 : vector<16xf32>
    %add3A_113 = arith.addf %mul3A_111, %mul3A_112 : vector<16xf32>
    %mul3A_114 = arith.mulf %get3A_110, %get3A_110 : vector<16xf32>
    %add3A_115 = arith.addf %add3A_113, %mul3A_114 : vector<16xf32>
    %cumsum3A = arith.constant true
    %cumsum3A_116 = vector.broadcast %cumsum3A : i1 to vector<16xi1>
    %cumsum3A_117 = tpu.scan <sum>, %add3A_115 masked %cumsum3A_116 : vector<16xf32>, vector<16xi1> -> vector<16xf32>
    %add3A_118 = arith.addf %cumsum3A_117, %parallel_loop3A_68 : vector<16xf32>
    %ne3A = arith.cmpi ne, %get3A_69, %select_n3A_104 : vector<16xi32>
    %jit3A = arith.constant 0.000000e+00 : f32
    %broadcast_in_dim3A_119 = vector.broadcast %jit3A : f32 to vector<16xf32>
    %select_n3A_120 = arith.select %ne3A, %add3A_118, %broadcast_in_dim3A_119 : vector<16xi1>, vector<16xf32>
    %broadcast_in_dim3A_121 = arith.constant true
    %broadcast_in_dim3A_122 = vector.broadcast %broadcast_in_dim3A_121 : i1 to vector<16xi1>
    %masked_cummax3A = tpu.scan <max>, %select_n3A_120 masked %broadcast_in_dim3A_122 : vector<16xf32>, vector<16xi1> -> vector<16xf32>
    %lt3A_123 = arith.constant 0 : i32
    %lt3A_124 = vector.broadcast %lt3A_123 : i32 to vector<16xi32>
    %lt3A_125 = arith.cmpi slt, %max3A_12, %lt3A_124 : vector<16xi32>
    %add3A_126 = arith.constant 16 : i32
    %add3A_127 = vector.broadcast %add3A_126 : i32 to vector<16xi32>
    %add3A_128 = arith.addi %max3A_12, %add3A_127 : vector<16xi32>
    %select_n3A_129 = arith.select %lt3A_125, %add3A_128, %max3A_12 : vector<16xi1>, vector<16xi32>
    %broadcast_in_dim3A_130 = vector.shape_cast %select_n3A_129 : vector<16xi32> to vector<16x1xi32>
    %gather3A_131 = vector.shape_cast %broadcast_in_dim3A_130 : vector<16x1xi32> to vector<16xi32>
    %gather3A_132 = tpu.dynamic_gather %masked_cummax3A[%gather3A_131] in [0] : vector<16xf32>, vector<16xi32> -> vector<16xf32>
    %jit3A_133 = arith.constant 0.000000e+00 : f32
    %broadcast_in_dim3A_134 = vector.broadcast %jit3A_133 : f32 to vector<16xf32>
    %select_n3A_135 = arith.select %eq3A_23, %broadcast_in_dim3A_134, %gather3A_132 : vector<16xi1>, vector<16xf32>
    %sub3A_136 = arith.subf %add3A_118, %select_n3A_135 : vector<16xf32>
    tpu.vector_store_idx %arg7[%get3A_69], %sub3A_136 masked %ne3A {add = true} : memref<16384xf32, #tpu.memory_space<vmem>>[vector<16xi32>], vector<16xf32>, vector<16xi1>
    %lt3A_137 = arith.constant 0 : i32
    %lt3A_138 = vector.broadcast %lt3A_137 : i32 to vector<16xi32>
    %lt3A_139 = arith.cmpi slt, %broadcast_in_dim3A_19, %lt3A_138 : vector<16xi32>
    %add3A_140 = arith.constant 16 : i32
    %add3A_141 = vector.broadcast %add3A_140 : i32 to vector<16xi32>
    %add3A_142 = arith.addi %broadcast_in_dim3A_19, %add3A_141 : vector<16xi32>
    %select_n3A_143 = arith.select %lt3A_139, %add3A_142, %broadcast_in_dim3A_19 : vector<16xi1>, vector<16xi32>
    %broadcast_in_dim3A_144 = vector.shape_cast %select_n3A_143 : vector<16xi32> to vector<16x1xi32>
    %gather3A_145 = vector.shape_cast %broadcast_in_dim3A_144 : vector<16x1xi32> to vector<16xi32>
    %gather3A_146 = tpu.dynamic_gather %add3A_118[%gather3A_145] in [0] : vector<16xf32>, vector<16xi32> -> vector<16xf32>
    %lt3A_147 = arith.constant 0 : i32
    %lt3A_148 = vector.broadcast %lt3A_147 : i32 to vector<16xi32>
    %lt3A_149 = arith.cmpi slt, %broadcast_in_dim3A_19, %lt3A_148 : vector<16xi32>
    %add3A_150 = arith.constant 16 : i32
    %add3A_151 = vector.broadcast %add3A_150 : i32 to vector<16xi32>
    %add3A_152 = arith.addi %broadcast_in_dim3A_19, %add3A_151 : vector<16xi32>
    %select_n3A_153 = arith.select %lt3A_149, %add3A_152, %broadcast_in_dim3A_19 : vector<16xi1>, vector<16xi32>
    %broadcast_in_dim3A_154 = vector.shape_cast %select_n3A_153 : vector<16xi32> to vector<16x1xi32>
    %gather3A_155 = vector.shape_cast %broadcast_in_dim3A_154 : vector<16x1xi32> to vector<16xi32>
    %gather3A_156 = tpu.dynamic_gather %masked_cummax3A[%gather3A_155] in [0] : vector<16xf32>, vector<16xi32> -> vector<16xf32>
    %sub3A_157 = arith.subf %gather3A_146, %gather3A_156 : vector<16xf32>
    %lt3A_158 = arith.constant 0 : i32
    %lt3A_159 = vector.broadcast %lt3A_158 : i32 to vector<16xi32>
    %lt3A_160 = arith.cmpi slt, %broadcast_in_dim3A_19, %lt3A_159 : vector<16xi32>
    %add3A_161 = arith.constant 16 : i32
    %add3A_162 = vector.broadcast %add3A_161 : i32 to vector<16xi32>
    %add3A_163 = arith.addi %broadcast_in_dim3A_19, %add3A_162 : vector<16xi32>
    %select_n3A_164 = arith.select %lt3A_160, %add3A_163, %broadcast_in_dim3A_19 : vector<16xi1>, vector<16xi32>
    %broadcast_in_dim3A_165 = vector.shape_cast %select_n3A_164 : vector<16xi32> to vector<16x1xi32>
    %gather3A_166 = vector.shape_cast %broadcast_in_dim3A_165 : vector<16x1xi32> to vector<16xi32>
    %gather3A_167 = tpu.dynamic_gather %get3A_69[%gather3A_166] in [0] : vector<16xi32>, vector<16xi32> -> vector<16xi32>
    %add3A_168 = arith.constant 20480 : i32
    %add3A_169 = arith.addi %mul3A_2, %add3A_168 : i32
    %mul3A_170 = arith.constant 3 : i32
    %mul3A_171 = arith.muli %mul3A_170, %add3A_169 : i32
    %dma_start3A_172 = arith.constant 0 : i32
    %dma_start3A_173 = tpu.memref_slice %arg5[%dma_start3A_172] : memref<61440xf32, #tpu.memory_space<vmem>> -> memref<30720xf32, #tpu.memory_space<vmem>>
    %dma_start3A_174 = tpu.memref_slice %arg2[%mul3A_171] : memref<4915200xf32, #tpu.memory_space<hbm>> -> memref<30720xf32, #tpu.memory_space<hbm>>
    %dma_start3A_175 = arith.constant 0 : i32
    %dma_start3A_176 = tpu.memref_slice %arg5[%dma_start3A_175] : memref<61440xf32, #tpu.memory_space<vmem>> -> memref<30720xf32, #tpu.memory_space<vmem>>
    %dma_start3A_177 = tpu.memref_slice %arg2[%mul3A_171] : memref<4915200xf32, #tpu.memory_space<hbm>> -> memref<30720xf32, #tpu.memory_space<hbm>>
    tpu.enqueue_dma source(%dma_start3A_177 : memref<30720xf32, #tpu.memory_space<hbm>>) target(%dma_start3A_176 : memref<30720xf32, #tpu.memory_space<vmem>>) target_semaphore(%arg11 : memref<!tpu.dma_semaphore, #tpu.memory_space<semaphore_mem>>)
    %dma_start3A_178 = arith.constant 0 : i32
    %dma_start3A_179 = tpu.memref_slice %arg6[%dma_start3A_178] : memref<20480xi32, #tpu.memory_space<vmem>> -> memref<10240xi32, #tpu.memory_space<vmem>>
    %dma_start3A_180 = tpu.memref_slice %arg3[%add3A_169] : memref<1638400xi32, #tpu.memory_space<hbm>> -> memref<10240xi32, #tpu.memory_space<hbm>>
    %dma_start3A_181 = arith.constant 0 : i32
    %dma_start3A_182 = tpu.memref_slice %arg6[%dma_start3A_181] : memref<20480xi32, #tpu.memory_space<vmem>> -> memref<10240xi32, #tpu.memory_space<vmem>>
    %dma_start3A_183 = tpu.memref_slice %arg3[%add3A_169] : memref<1638400xi32, #tpu.memory_space<hbm>> -> memref<10240xi32, #tpu.memory_space<hbm>>
    tpu.enqueue_dma source(%dma_start3A_183 : memref<10240xi32, #tpu.memory_space<hbm>>) target(%dma_start3A_182 : memref<10240xi32, #tpu.memory_space<vmem>>) target_semaphore(%arg11 : memref<!tpu.dma_semaphore, #tpu.memory_space<semaphore_mem>>)
    %parallel_loop3A_184 = arith.constant 0 : i32
    %parallel_loop3A_185 = arith.constant 639 : i32
    %parallel_loop3A_186 = arith.constant 1 : i32
    %parallel_loop3A_187 = scf.for %parallel_loop3A_788 = %parallel_loop3A_184 to %parallel_loop3A_185 step %parallel_loop3A_186 iter_args(%parallel_loop3A_789 = %sub3A_157) -> (vector<16xf32>)  : i32 {
      %parallel_loop3A_790 = arith.constant 16 : i32
      %parallel_loop3A_791 = arith.muli %parallel_loop3A_788, %parallel_loop3A_790 : i32
      %parallel_loop3A_792 = arith.constant 7 : i32
      %parallel_loop3A_793 = arith.shrui %parallel_loop3A_791, %parallel_loop3A_792 : i32
      %parallel_loop3A_794 = arith.constant 30720 : i32
      %parallel_loop3A_795 = arith.addi %parallel_loop3A_794, %parallel_loop3A_791 : i32
      %parallel_loop3A_796 = arith.constant 256 : i32
      %parallel_loop3A_797 = arith.muli %parallel_loop3A_793, %parallel_loop3A_796 : i32
      %parallel_loop3A_798 = arith.addi %parallel_loop3A_795, %parallel_loop3A_797 : i32
      %parallel_loop3A_799 = arith.constant 10240 : i32
      %parallel_loop3A_800 = arith.addi %parallel_loop3A_799, %parallel_loop3A_791 : i32
      %parallel_loop3A_801 = arith.index_cast %parallel_loop3A_800 : i32 to index
      %parallel_loop3A_802 = tpu.vector_load %arg6[%parallel_loop3A_801] {strides = array<i32>} : memref<20480xi32, #tpu.memory_space<vmem>>, vector<16xi32>,
      %parallel_loop3A_803 = arith.constant 10240 : i32
      %parallel_loop3A_804 = arith.addi %parallel_loop3A_803, %parallel_loop3A_791 : i32
      %parallel_loop3A_805 = arith.constant 1 : i32
      %parallel_loop3A_806 = arith.addi %parallel_loop3A_804, %parallel_loop3A_805 : i32
      %parallel_loop3A_807 = arith.index_cast %parallel_loop3A_806 : i32 to index
      %parallel_loop3A_808 = tpu.vector_load %arg6[%parallel_loop3A_807] {strides = array<i32>} : memref<20480xi32, #tpu.memory_space<vmem>>, vector<16xi32>,
      %parallel_loop3A_809 = arith.index_cast %parallel_loop3A_798 : i32 to index
      %parallel_loop3A_810 = tpu.vector_load %arg5[%parallel_loop3A_809] {strides = array<i32>} : memref<61440xf32, #tpu.memory_space<vmem>>, vector<16xf32>,
      %parallel_loop3A_811 = arith.constant 128 : i32
      %parallel_loop3A_812 = arith.addi %parallel_loop3A_798, %parallel_loop3A_811 : i32
      %parallel_loop3A_813 = arith.index_cast %parallel_loop3A_812 : i32 to index
      %parallel_loop3A_814 = tpu.vector_load %arg5[%parallel_loop3A_813] {strides = array<i32>} : memref<61440xf32, #tpu.memory_space<vmem>>, vector<16xf32>,
      %parallel_loop3A_815 = arith.constant 256 : i32
      %parallel_loop3A_816 = arith.addi %parallel_loop3A_798, %parallel_loop3A_815 : i32
      %parallel_loop3A_817 = arith.index_cast %parallel_loop3A_816 : i32 to index
      %parallel_loop3A_818 = tpu.vector_load %arg5[%parallel_loop3A_817] {strides = array<i32>} : memref<61440xf32, #tpu.memory_space<vmem>>, vector<16xf32>,
      %parallel_loop3A_819 = arith.mulf %parallel_loop3A_810, %parallel_loop3A_810 : vector<16xf32>
      %parallel_loop3A_820 = arith.mulf %parallel_loop3A_814, %parallel_loop3A_814 : vector<16xf32>
      %parallel_loop3A_821 = arith.addf %parallel_loop3A_819, %parallel_loop3A_820 : vector<16xf32>
      %parallel_loop3A_822 = arith.mulf %parallel_loop3A_818, %parallel_loop3A_818 : vector<16xf32>
      %parallel_loop3A_823 = arith.addf %parallel_loop3A_821, %parallel_loop3A_822 : vector<16xf32>
      %parallel_loop3A_824 = arith.constant true
      %parallel_loop3A_825 = vector.broadcast %parallel_loop3A_824 : i1 to vector<16xi1>
      %parallel_loop3A_826 = tpu.scan <sum>, %parallel_loop3A_823 masked %parallel_loop3A_825 : vector<16xf32>, vector<16xi1> -> vector<16xf32>
      %parallel_loop3A_827 = arith.addf %parallel_loop3A_826, %parallel_loop3A_789 : vector<16xf32>
      %parallel_loop3A_828 = arith.cmpi ne, %parallel_loop3A_802, %parallel_loop3A_808 : vector<16xi32>
      %parallel_loop3A_829 = arith.constant 0.000000e+00 : f32
      %parallel_loop3A_830 = vector.broadcast %parallel_loop3A_829 : f32 to vector<16xf32>
      %parallel_loop3A_831 = arith.select %parallel_loop3A_828, %parallel_loop3A_827, %parallel_loop3A_830 : vector<16xi1>, vector<16xf32>
      %parallel_loop3A_832 = arith.constant true
      %parallel_loop3A_833 = vector.broadcast %parallel_loop3A_832 : i1 to vector<16xi1>
      %parallel_loop3A_834 = tpu.scan <max>, %parallel_loop3A_831 masked %parallel_loop3A_833 : vector<16xf32>, vector<16xi1> -> vector<16xf32>
      %parallel_loop3A_835 = arith.constant 0 : i32
      %parallel_loop3A_836 = vector.broadcast %parallel_loop3A_835 : i32 to vector<16xi32>
      %parallel_loop3A_837 = arith.cmpi slt, %max3A_12, %parallel_loop3A_836 : vector<16xi32>
      %parallel_loop3A_838 = arith.constant 16 : i32
      %parallel_loop3A_839 = vector.broadcast %parallel_loop3A_838 : i32 to vector<16xi32>
      %parallel_loop3A_840 = arith.addi %max3A_12, %parallel_loop3A_839 : vector<16xi32>
      %parallel_loop3A_841 = arith.select %parallel_loop3A_837, %parallel_loop3A_840, %max3A_12 : vector<16xi1>, vector<16xi32>
      %parallel_loop3A_842 = vector.shape_cast %parallel_loop3A_841 : vector<16xi32> to vector<16x1xi32>
      %parallel_loop3A_843 = vector.shape_cast %parallel_loop3A_842 : vector<16x1xi32> to vector<16xi32>
      %parallel_loop3A_844 = tpu.dynamic_gather %parallel_loop3A_834[%parallel_loop3A_843] in [0] : vector<16xf32>, vector<16xi32> -> vector<16xf32>
      %parallel_loop3A_845 = arith.constant 0.000000e+00 : f32
      %parallel_loop3A_846 = vector.broadcast %parallel_loop3A_845 : f32 to vector<16xf32>
      %parallel_loop3A_847 = arith.select %eq3A_23, %parallel_loop3A_846, %parallel_loop3A_844 : vector<16xi1>, vector<16xf32>
      %parallel_loop3A_848 = arith.subf %parallel_loop3A_827, %parallel_loop3A_847 : vector<16xf32>
      tpu.vector_store_idx %arg7[%parallel_loop3A_802], %parallel_loop3A_848 masked %parallel_loop3A_828 {add = true} : memref<16384xf32, #tpu.memory_space<vmem>>[vector<16xi32>], vector<16xf32>, vector<16xi1>
      %parallel_loop3A_849 = arith.constant 0 : i32
      %parallel_loop3A_850 = vector.broadcast %parallel_loop3A_849 : i32 to vector<16xi32>
      %parallel_loop3A_851 = arith.cmpi slt, %broadcast_in_dim3A_19, %parallel_loop3A_850 : vector<16xi32>
      %parallel_loop3A_852 = arith.constant 16 : i32
      %parallel_loop3A_853 = vector.broadcast %parallel_loop3A_852 : i32 to vector<16xi32>
      %parallel_loop3A_854 = arith.addi %broadcast_in_dim3A_19, %parallel_loop3A_853 : vector<16xi32>
      %parallel_loop3A_855 = arith.select %parallel_loop3A_851, %parallel_loop3A_854, %broadcast_in_dim3A_19 : vector<16xi1>, vector<16xi32>
      %parallel_loop3A_856 = vector.shape_cast %parallel_loop3A_855 : vector<16xi32> to vector<16x1xi32>
      %parallel_loop3A_857 = vector.shape_cast %parallel_loop3A_856 : vector<16x1xi32> to vector<16xi32>
      %parallel_loop3A_858 = tpu.dynamic_gather %parallel_loop3A_827[%parallel_loop3A_857] in [0] : vector<16xf32>, vector<16xi32> -> vector<16xf32>
      %parallel_loop3A_859 = arith.constant 0 : i32
      %parallel_loop3A_860 = vector.broadcast %parallel_loop3A_859 : i32 to vector<16xi32>
      %parallel_loop3A_861 = arith.cmpi slt, %broadcast_in_dim3A_19, %parallel_loop3A_860 : vector<16xi32>
      %parallel_loop3A_862 = arith.constant 16 : i32
      %parallel_loop3A_863 = vector.broadcast %parallel_loop3A_862 : i32 to vector<16xi32>
      %parallel_loop3A_864 = arith.addi %broadcast_in_dim3A_19, %parallel_loop3A_863 : vector<16xi32>
      %parallel_loop3A_865 = arith.select %parallel_loop3A_861, %parallel_loop3A_864, %broadcast_in_dim3A_19 : vector<16xi1>, vector<16xi32>
      %parallel_loop3A_866 = vector.shape_cast %parallel_loop3A_865 : vector<16xi32> to vector<16x1xi32>
      %parallel_loop3A_867 = vector.shape_cast %parallel_loop3A_866 : vector<16x1xi32> to vector<16xi32>
      %parallel_loop3A_868 = tpu.dynamic_gather %parallel_loop3A_834[%parallel_loop3A_867] in [0] : vector<16xf32>, vector<16xi32> -> vector<16xf32>
      %parallel_loop3A_869 = arith.subf %parallel_loop3A_858, %parallel_loop3A_868 : vector<16xf32>
      scf.yield %parallel_loop3A_869 : vector<16xf32>
    } {sc.loop_unroll_factor = 1 : i64, sc.parallel_access}
    %get3A_188 = arith.constant 20464 : index
    %get3A_189 = tpu.vector_load %arg6[%get3A_188] {strides = array<i32>} : memref<20480xi32, #tpu.memory_space<vmem>>, vector<16xi32>,
    %lt3A_190 = arith.constant 0 : i32
    %lt3A_191 = vector.broadcast %lt3A_190 : i32 to vector<16xi32>
    %lt3A_192 = arith.cmpi slt, %min3A_17, %lt3A_191 : vector<16xi32>
    %add3A_193 = arith.constant 16 : i32
    %add3A_194 = vector.broadcast %add3A_193 : i32 to vector<16xi32>
    %add3A_195 = arith.addi %min3A_17, %add3A_194 : vector<16xi32>
    %select_n3A_196 = arith.select %lt3A_192, %add3A_195, %min3A_17 : vector<16xi1>, vector<16xi32>
    %broadcast_in_dim3A_197 = vector.shape_cast %select_n3A_196 : vector<16xi32> to vector<16x1xi32>
    %gather3A_198 = vector.shape_cast %broadcast_in_dim3A_197 : vector<16x1xi32> to vector<16xi32>
    %gather3A_199 = tpu.dynamic_gather %get3A_189[%gather3A_198] in [0] : vector<16xi32>, vector<16xi32> -> vector<16xi32>
    %dma_wait3A_200 = arith.constant 0 : i32
    %dma_wait3A_201 = tpu.memref_slice %arg5[%dma_wait3A_200] : memref<61440xf32, #tpu.memory_space<vmem>> -> memref<30720xf32, #tpu.memory_space<vmem>>
    %dma_wait3A_202 = tpu.memref_slice %arg2[%mul3A_171] : memref<4915200xf32, #tpu.memory_space<hbm>> -> memref<30720xf32, #tpu.memory_space<hbm>>
    %dma_wait3A_203 = arith.constant 0 : i32
    %dma_wait3A_204 = tpu.memref_slice %arg5[%dma_wait3A_203] : memref<61440xf32, #tpu.memory_space<vmem>> -> memref<30720xf32, #tpu.memory_space<vmem>>
    %dma_wait3A_205 = tpu.memref_slice %arg2[%mul3A_171] : memref<4915200xf32, #tpu.memory_space<hbm>> -> memref<30720xf32, #tpu.memory_space<hbm>>
    tpu.wait_dma2 semaphore(%arg11 : memref<!tpu.dma_semaphore, #tpu.memory_space<semaphore_mem>>) src(%dma_wait3A_205 : memref<30720xf32, #tpu.memory_space<hbm>>) dst(%dma_wait3A_204 : memref<30720xf32, #tpu.memory_space<vmem>>)
    %dma_wait3A_206 = arith.constant 0 : i32
    %dma_wait3A_207 = tpu.memref_slice %arg6[%dma_wait3A_206] : memref<20480xi32, #tpu.memory_space<vmem>> -> memref<10240xi32, #tpu.memory_space<vmem>>
    %dma_wait3A_208 = tpu.memref_slice %arg3[%add3A_169] : memref<1638400xi32, #tpu.memory_space<hbm>> -> memref<10240xi32, #tpu.memory_space<hbm>>
    %dma_wait3A_209 = arith.constant 0 : i32
    %dma_wait3A_210 = tpu.memref_slice %arg6[%dma_wait3A_209] : memref<20480xi32, #tpu.memory_space<vmem>> -> memref<10240xi32, #tpu.memory_space<vmem>>
    %dma_wait3A_211 = tpu.memref_slice %arg3[%add3A_169] : memref<1638400xi32, #tpu.memory_space<hbm>> -> memref<10240xi32, #tpu.memory_space<hbm>>
    tpu.wait_dma2 semaphore(%arg11 : memref<!tpu.dma_semaphore, #tpu.memory_space<semaphore_mem>>) src(%dma_wait3A_211 : memref<10240xi32, #tpu.memory_space<hbm>>) dst(%dma_wait3A_210 : memref<10240xi32, #tpu.memory_space<vmem>>)
    %get3A_212 = arith.constant 0 : index
    %get3A_213 = tpu.vector_load %arg6[%get3A_212] {strides = array<i32>} : memref<20480xi32, #tpu.memory_space<vmem>>, vector<16xi32>,
    %lt3A_214 = arith.constant 0 : i32
    %lt3A_215 = vector.broadcast %lt3A_214 : i32 to vector<16xi32>
    %lt3A_216 = arith.cmpi slt, %broadcast_in_dim3A_21, %lt3A_215 : vector<16xi32>
    %add3A_217 = arith.constant 16 : i32
    %add3A_218 = vector.broadcast %add3A_217 : i32 to vector<16xi32>
    %add3A_219 = arith.addi %broadcast_in_dim3A_21, %add3A_218 : vector<16xi32>
    %select_n3A_220 = arith.select %lt3A_216, %add3A_219, %broadcast_in_dim3A_21 : vector<16xi1>, vector<16xi32>
    %broadcast_in_dim3A_221 = vector.shape_cast %select_n3A_220 : vector<16xi32> to vector<16x1xi32>
    %gather3A_222 = vector.shape_cast %broadcast_in_dim3A_221 : vector<16x1xi32> to vector<16xi32>
    %gather3A_223 = tpu.dynamic_gather %get3A_213[%gather3A_222] in [0] : vector<16xi32>, vector<16xi32> -> vector<16xi32>
    %eq3A_224 = arith.constant 15 : i32
    %eq3A_225 = vector.broadcast %eq3A_224 : i32 to vector<16xi32>
    %eq3A_226 = arith.cmpi eq, %iota3A, %eq3A_225 : vector<16xi32>
    %select_n3A_227 = arith.select %eq3A_226, %gather3A_223, %gather3A_199 : vector<16xi1>, vector<16xi32>
    %get3A_228 = arith.constant 61168 : index
    %get3A_229 = tpu.vector_load %arg5[%get3A_228] {strides = array<i32>} : memref<61440xf32, #tpu.memory_space<vmem>>, vector<16xf32>,
    %get3A_230 = arith.constant 61296 : index
    %get3A_231 = tpu.vector_load %arg5[%get3A_230] {strides = array<i32>} : memref<61440xf32, #tpu.memory_space<vmem>>, vector<16xf32>,
    %get3A_232 = arith.constant 61424 : index
    %get3A_233 = tpu.vector_load %arg5[%get3A_232] {strides = array<i32>} : memref<61440xf32, #tpu.memory_space<vmem>>, vector<16xf32>,
    %mul3A_234 = arith.mulf %get3A_229, %get3A_229 : vector<16xf32>
    %mul3A_235 = arith.mulf %get3A_231, %get3A_231 : vector<16xf32>
    %add3A_236 = arith.addf %mul3A_234, %mul3A_235 : vector<16xf32>
    %mul3A_237 = arith.mulf %get3A_233, %get3A_233 : vector<16xf32>
    %add3A_238 = arith.addf %add3A_236, %mul3A_237 : vector<16xf32>
    %cumsum3A_239 = arith.constant true
    %cumsum3A_240 = vector.broadcast %cumsum3A_239 : i1 to vector<16xi1>
    %cumsum3A_241 = tpu.scan <sum>, %add3A_238 masked %cumsum3A_240 : vector<16xf32>, vector<16xi1> -> vector<16xf32>
    %add3A_242 = arith.addf %cumsum3A_241, %parallel_loop3A_187 : vector<16xf32>
    %ne3A_243 = arith.cmpi ne, %get3A_189, %select_n3A_227 : vector<16xi32>
    %jit3A_244 = arith.constant 0.000000e+00 : f32
    %broadcast_in_dim3A_245 = vector.broadcast %jit3A_244 : f32 to vector<16xf32>
    %select_n3A_246 = arith.select %ne3A_243, %add3A_242, %broadcast_in_dim3A_245 : vector<16xi1>, vector<16xf32>
    %broadcast_in_dim3A_247 = arith.constant true
    %broadcast_in_dim3A_248 = vector.broadcast %broadcast_in_dim3A_247 : i1 to vector<16xi1>
    %masked_cummax3A_249 = tpu.scan <max>, %select_n3A_246 masked %broadcast_in_dim3A_248 : vector<16xf32>, vector<16xi1> -> vector<16xf32>
    %lt3A_250 = arith.constant 0 : i32
    %lt3A_251 = vector.broadcast %lt3A_250 : i32 to vector<16xi32>
    %lt3A_252 = arith.cmpi slt, %max3A_12, %lt3A_251 : vector<16xi32>
    %add3A_253 = arith.constant 16 : i32
    %add3A_254 = vector.broadcast %add3A_253 : i32 to vector<16xi32>
    %add3A_255 = arith.addi %max3A_12, %add3A_254 : vector<16xi32>
    %select_n3A_256 = arith.select %lt3A_252, %add3A_255, %max3A_12 : vector<16xi1>, vector<16xi32>
    %broadcast_in_dim3A_257 = vector.shape_cast %select_n3A_256 : vector<16xi32> to vector<16x1xi32>
    %gather3A_258 = vector.shape_cast %broadcast_in_dim3A_257 : vector<16x1xi32> to vector<16xi32>
    %gather3A_259 = tpu.dynamic_gather %masked_cummax3A_249[%gather3A_258] in [0] : vector<16xf32>, vector<16xi32> -> vector<16xf32>
    %jit3A_260 = arith.constant 0.000000e+00 : f32
    %broadcast_in_dim3A_261 = vector.broadcast %jit3A_260 : f32 to vector<16xf32>
    %select_n3A_262 = arith.select %eq3A_23, %broadcast_in_dim3A_261, %gather3A_259 : vector<16xi1>, vector<16xf32>
    %sub3A_263 = arith.subf %add3A_242, %select_n3A_262 : vector<16xf32>
    tpu.vector_store_idx %arg7[%get3A_189], %sub3A_263 masked %ne3A_243 {add = true} : memref<16384xf32, #tpu.memory_space<vmem>>[vector<16xi32>], vector<16xf32>, vector<16xi1>
    %lt3A_264 = arith.constant 0 : i32
    %lt3A_265 = vector.broadcast %lt3A_264 : i32 to vector<16xi32>
    %lt3A_266 = arith.cmpi slt, %broadcast_in_dim3A_19, %lt3A_265 : vector<16xi32>
    %add3A_267 = arith.constant 16 : i32
    %add3A_268 = vector.broadcast %add3A_267 : i32 to vector<16xi32>
    %add3A_269 = arith.addi %broadcast_in_dim3A_19, %add3A_268 : vector<16xi32>
    %select_n3A_270 = arith.select %lt3A_266, %add3A_269, %broadcast_in_dim3A_19 : vector<16xi1>, vector<16xi32>
    %broadcast_in_dim3A_271 = vector.shape_cast %select_n3A_270 : vector<16xi32> to vector<16x1xi32>
    %gather3A_272 = vector.shape_cast %broadcast_in_dim3A_271 : vector<16x1xi32> to vector<16xi32>
    %gather3A_273 = tpu.dynamic_gather %add3A_242[%gather3A_272] in [0] : vector<16xf32>, vector<16xi32> -> vector<16xf32>
    %lt3A_274 = arith.constant 0 : i32
    %lt3A_275 = vector.broadcast %lt3A_274 : i32 to vector<16xi32>
    %lt3A_276 = arith.cmpi slt, %broadcast_in_dim3A_19, %lt3A_275 : vector<16xi32>
    %add3A_277 = arith.constant 16 : i32
    %add3A_278 = vector.broadcast %add3A_277 : i32 to vector<16xi32>
    %add3A_279 = arith.addi %broadcast_in_dim3A_19, %add3A_278 : vector<16xi32>
    %select_n3A_280 = arith.select %lt3A_276, %add3A_279, %broadcast_in_dim3A_19 : vector<16xi1>, vector<16xi32>
    %broadcast_in_dim3A_281 = vector.shape_cast %select_n3A_280 : vector<16xi32> to vector<16x1xi32>
    %gather3A_282 = vector.shape_cast %broadcast_in_dim3A_281 : vector<16x1xi32> to vector<16xi32>
    %gather3A_283 = tpu.dynamic_gather %masked_cummax3A_249[%gather3A_282] in [0] : vector<16xf32>, vector<16xi32> -> vector<16xf32>
    %sub3A_284 = arith.subf %gather3A_273, %gather3A_283 : vector<16xf32>
    %lt3A_285 = arith.constant 0 : i32
    %lt3A_286 = vector.broadcast %lt3A_285 : i32 to vector<16xi32>
    %lt3A_287 = arith.cmpi slt, %broadcast_in_dim3A_19, %lt3A_286 : vector<16xi32>
    %add3A_288 = arith.constant 16 : i32
    %add3A_289 = vector.broadcast %add3A_288 : i32 to vector<16xi32>
    %add3A_290 = arith.addi %broadcast_in_dim3A_19, %add3A_289 : vector<16xi32>
    %select_n3A_291 = arith.select %lt3A_287, %add3A_290, %broadcast_in_dim3A_19 : vector<16xi1>, vector<16xi32>
    %broadcast_in_dim3A_292 = vector.shape_cast %select_n3A_291 : vector<16xi32> to vector<16x1xi32>
    %gather3A_293 = vector.shape_cast %broadcast_in_dim3A_292 : vector<16x1xi32> to vector<16xi32>
    %gather3A_294 = tpu.dynamic_gather %get3A_189[%gather3A_293] in [0] : vector<16xi32>, vector<16xi32> -> vector<16xi32>
    %add3A_295 = arith.constant 30720 : i32
    %add3A_296 = arith.addi %mul3A_2, %add3A_295 : i32
    %mul3A_297 = arith.constant 3 : i32
    %mul3A_298 = arith.muli %mul3A_297, %add3A_296 : i32
    %dma_start3A_299 = arith.constant 30720 : i32
    %dma_start3A_300 = tpu.memref_slice %arg5[%dma_start3A_299] : memref<61440xf32, #tpu.memory_space<vmem>> -> memref<30720xf32, #tpu.memory_space<vmem>>
    %dma_start3A_301 = tpu.memref_slice %arg2[%mul3A_298] : memref<4915200xf32, #tpu.memory_space<hbm>> -> memref<30720xf32, #tpu.memory_space<hbm>>
    %dma_start3A_302 = arith.constant 30720 : i32
    %dma_start3A_303 = tpu.memref_slice %arg5[%dma_start3A_302] : memref<61440xf32, #tpu.memory_space<vmem>> -> memref<30720xf32, #tpu.memory_space<vmem>>
    %dma_start3A_304 = tpu.memref_slice %arg2[%mul3A_298] : memref<4915200xf32, #tpu.memory_space<hbm>> -> memref<30720xf32, #tpu.memory_space<hbm>>
    tpu.enqueue_dma source(%dma_start3A_304 : memref<30720xf32, #tpu.memory_space<hbm>>) target(%dma_start3A_303 : memref<30720xf32, #tpu.memory_space<vmem>>) target_semaphore(%arg11 : memref<!tpu.dma_semaphore, #tpu.memory_space<semaphore_mem>>)
    %dma_start3A_305 = arith.constant 10240 : i32
    %dma_start3A_306 = tpu.memref_slice %arg6[%dma_start3A_305] : memref<20480xi32, #tpu.memory_space<vmem>> -> memref<10240xi32, #tpu.memory_space<vmem>>
    %dma_start3A_307 = tpu.memref_slice %arg3[%add3A_296] : memref<1638400xi32, #tpu.memory_space<hbm>> -> memref<10240xi32, #tpu.memory_space<hbm>>
    %dma_start3A_308 = arith.constant 10240 : i32
    %dma_start3A_309 = tpu.memref_slice %arg6[%dma_start3A_308] : memref<20480xi32, #tpu.memory_space<vmem>> -> memref<10240xi32, #tpu.memory_space<vmem>>
    %dma_start3A_310 = tpu.memref_slice %arg3[%add3A_296] : memref<1638400xi32, #tpu.memory_space<hbm>> -> memref<10240xi32, #tpu.memory_space<hbm>>
    tpu.enqueue_dma source(%dma_start3A_310 : memref<10240xi32, #tpu.memory_space<hbm>>) target(%dma_start3A_309 : memref<10240xi32, #tpu.memory_space<vmem>>) target_semaphore(%arg11 : memref<!tpu.dma_semaphore, #tpu.memory_space<semaphore_mem>>)
    %parallel_loop3A_311 = arith.constant 0 : i32
    %parallel_loop3A_312 = arith.constant 639 : i32
    %parallel_loop3A_313 = arith.constant 1 : i32
    %parallel_loop3A_314 = scf.for %parallel_loop3A_788 = %parallel_loop3A_311 to %parallel_loop3A_312 step %parallel_loop3A_313 iter_args(%parallel_loop3A_789 = %sub3A_284) -> (vector<16xf32>)  : i32 {
      %parallel_loop3A_790 = arith.constant 16 : i32
      %parallel_loop3A_791 = arith.muli %parallel_loop3A_788, %parallel_loop3A_790 : i32
      %parallel_loop3A_792 = arith.constant 7 : i32
      %parallel_loop3A_793 = arith.shrui %parallel_loop3A_791, %parallel_loop3A_792 : i32
      %parallel_loop3A_794 = arith.constant 0 : i32
      %parallel_loop3A_795 = arith.addi %parallel_loop3A_794, %parallel_loop3A_791 : i32
      %parallel_loop3A_796 = arith.constant 256 : i32
      %parallel_loop3A_797 = arith.muli %parallel_loop3A_793, %parallel_loop3A_796 : i32
      %parallel_loop3A_798 = arith.addi %parallel_loop3A_795, %parallel_loop3A_797 : i32
      %parallel_loop3A_799 = arith.constant 0 : i32
      %parallel_loop3A_800 = arith.addi %parallel_loop3A_799, %parallel_loop3A_791 : i32
      %parallel_loop3A_801 = arith.index_cast %parallel_loop3A_800 : i32 to index
      %parallel_loop3A_802 = tpu.vector_load %arg6[%parallel_loop3A_801] {strides = array<i32>} : memref<20480xi32, #tpu.memory_space<vmem>>, vector<16xi32>,
      %parallel_loop3A_803 = arith.constant 0 : i32
      %parallel_loop3A_804 = arith.addi %parallel_loop3A_803, %parallel_loop3A_791 : i32
      %parallel_loop3A_805 = arith.constant 1 : i32
      %parallel_loop3A_806 = arith.addi %parallel_loop3A_804, %parallel_loop3A_805 : i32
      %parallel_loop3A_807 = arith.index_cast %parallel_loop3A_806 : i32 to index
      %parallel_loop3A_808 = tpu.vector_load %arg6[%parallel_loop3A_807] {strides = array<i32>} : memref<20480xi32, #tpu.memory_space<vmem>>, vector<16xi32>,
      %parallel_loop3A_809 = arith.index_cast %parallel_loop3A_798 : i32 to index
      %parallel_loop3A_810 = tpu.vector_load %arg5[%parallel_loop3A_809] {strides = array<i32>} : memref<61440xf32, #tpu.memory_space<vmem>>, vector<16xf32>,
      %parallel_loop3A_811 = arith.constant 128 : i32
      %parallel_loop3A_812 = arith.addi %parallel_loop3A_798, %parallel_loop3A_811 : i32
      %parallel_loop3A_813 = arith.index_cast %parallel_loop3A_812 : i32 to index
      %parallel_loop3A_814 = tpu.vector_load %arg5[%parallel_loop3A_813] {strides = array<i32>} : memref<61440xf32, #tpu.memory_space<vmem>>, vector<16xf32>,
      %parallel_loop3A_815 = arith.constant 256 : i32
      %parallel_loop3A_816 = arith.addi %parallel_loop3A_798, %parallel_loop3A_815 : i32
      %parallel_loop3A_817 = arith.index_cast %parallel_loop3A_816 : i32 to index
      %parallel_loop3A_818 = tpu.vector_load %arg5[%parallel_loop3A_817] {strides = array<i32>} : memref<61440xf32, #tpu.memory_space<vmem>>, vector<16xf32>,
      %parallel_loop3A_819 = arith.mulf %parallel_loop3A_810, %parallel_loop3A_810 : vector<16xf32>
      %parallel_loop3A_820 = arith.mulf %parallel_loop3A_814, %parallel_loop3A_814 : vector<16xf32>
      %parallel_loop3A_821 = arith.addf %parallel_loop3A_819, %parallel_loop3A_820 : vector<16xf32>
      %parallel_loop3A_822 = arith.mulf %parallel_loop3A_818, %parallel_loop3A_818 : vector<16xf32>
      %parallel_loop3A_823 = arith.addf %parallel_loop3A_821, %parallel_loop3A_822 : vector<16xf32>
      %parallel_loop3A_824 = arith.constant true
      %parallel_loop3A_825 = vector.broadcast %parallel_loop3A_824 : i1 to vector<16xi1>
      %parallel_loop3A_826 = tpu.scan <sum>, %parallel_loop3A_823 masked %parallel_loop3A_825 : vector<16xf32>, vector<16xi1> -> vector<16xf32>
      %parallel_loop3A_827 = arith.addf %parallel_loop3A_826, %parallel_loop3A_789 : vector<16xf32>
      %parallel_loop3A_828 = arith.cmpi ne, %parallel_loop3A_802, %parallel_loop3A_808 : vector<16xi32>
      %parallel_loop3A_829 = arith.constant 0.000000e+00 : f32
      %parallel_loop3A_830 = vector.broadcast %parallel_loop3A_829 : f32 to vector<16xf32>
      %parallel_loop3A_831 = arith.select %parallel_loop3A_828, %parallel_loop3A_827, %parallel_loop3A_830 : vector<16xi1>, vector<16xf32>
      %parallel_loop3A_832 = arith.constant true
      %parallel_loop3A_833 = vector.broadcast %parallel_loop3A_832 : i1 to vector<16xi1>
      %parallel_loop3A_834 = tpu.scan <max>, %parallel_loop3A_831 masked %parallel_loop3A_833 : vector<16xf32>, vector<16xi1> -> vector<16xf32>
      %parallel_loop3A_835 = arith.constant 0 : i32
      %parallel_loop3A_836 = vector.broadcast %parallel_loop3A_835 : i32 to vector<16xi32>
      %parallel_loop3A_837 = arith.cmpi slt, %max3A_12, %parallel_loop3A_836 : vector<16xi32>
      %parallel_loop3A_838 = arith.constant 16 : i32
      %parallel_loop3A_839 = vector.broadcast %parallel_loop3A_838 : i32 to vector<16xi32>
      %parallel_loop3A_840 = arith.addi %max3A_12, %parallel_loop3A_839 : vector<16xi32>
      %parallel_loop3A_841 = arith.select %parallel_loop3A_837, %parallel_loop3A_840, %max3A_12 : vector<16xi1>, vector<16xi32>
      %parallel_loop3A_842 = vector.shape_cast %parallel_loop3A_841 : vector<16xi32> to vector<16x1xi32>
      %parallel_loop3A_843 = vector.shape_cast %parallel_loop3A_842 : vector<16x1xi32> to vector<16xi32>
      %parallel_loop3A_844 = tpu.dynamic_gather %parallel_loop3A_834[%parallel_loop3A_843] in [0] : vector<16xf32>, vector<16xi32> -> vector<16xf32>
      %parallel_loop3A_845 = arith.constant 0.000000e+00 : f32
      %parallel_loop3A_846 = vector.broadcast %parallel_loop3A_845 : f32 to vector<16xf32>
      %parallel_loop3A_847 = arith.select %eq3A_23, %parallel_loop3A_846, %parallel_loop3A_844 : vector<16xi1>, vector<16xf32>
      %parallel_loop3A_848 = arith.subf %parallel_loop3A_827, %parallel_loop3A_847 : vector<16xf32>
      tpu.vector_store_idx %arg7[%parallel_loop3A_802], %parallel_loop3A_848 masked %parallel_loop3A_828 {add = true} : memref<16384xf32, #tpu.memory_space<vmem>>[vector<16xi32>], vector<16xf32>, vector<16xi1>
      %parallel_loop3A_849 = arith.constant 0 : i32
      %parallel_loop3A_850 = vector.broadcast %parallel_loop3A_849 : i32 to vector<16xi32>
      %parallel_loop3A_851 = arith.cmpi slt, %broadcast_in_dim3A_19, %parallel_loop3A_850 : vector<16xi32>
      %parallel_loop3A_852 = arith.constant 16 : i32
      %parallel_loop3A_853 = vector.broadcast %parallel_loop3A_852 : i32 to vector<16xi32>
      %parallel_loop3A_854 = arith.addi %broadcast_in_dim3A_19, %parallel_loop3A_853 : vector<16xi32>
      %parallel_loop3A_855 = arith.select %parallel_loop3A_851, %parallel_loop3A_854, %broadcast_in_dim3A_19 : vector<16xi1>, vector<16xi32>
      %parallel_loop3A_856 = vector.shape_cast %parallel_loop3A_855 : vector<16xi32> to vector<16x1xi32>
      %parallel_loop3A_857 = vector.shape_cast %parallel_loop3A_856 : vector<16x1xi32> to vector<16xi32>
      %parallel_loop3A_858 = tpu.dynamic_gather %parallel_loop3A_827[%parallel_loop3A_857] in [0] : vector<16xf32>, vector<16xi32> -> vector<16xf32>
      %parallel_loop3A_859 = arith.constant 0 : i32
      %parallel_loop3A_860 = vector.broadcast %parallel_loop3A_859 : i32 to vector<16xi32>
      %parallel_loop3A_861 = arith.cmpi slt, %broadcast_in_dim3A_19, %parallel_loop3A_860 : vector<16xi32>
      %parallel_loop3A_862 = arith.constant 16 : i32
      %parallel_loop3A_863 = vector.broadcast %parallel_loop3A_862 : i32 to vector<16xi32>
      %parallel_loop3A_864 = arith.addi %broadcast_in_dim3A_19, %parallel_loop3A_863 : vector<16xi32>
      %parallel_loop3A_865 = arith.select %parallel_loop3A_861, %parallel_loop3A_864, %broadcast_in_dim3A_19 : vector<16xi1>, vector<16xi32>
      %parallel_loop3A_866 = vector.shape_cast %parallel_loop3A_865 : vector<16xi32> to vector<16x1xi32>
      %parallel_loop3A_867 = vector.shape_cast %parallel_loop3A_866 : vector<16x1xi32> to vector<16xi32>
      %parallel_loop3A_868 = tpu.dynamic_gather %parallel_loop3A_834[%parallel_loop3A_867] in [0] : vector<16xf32>, vector<16xi32> -> vector<16xf32>
      %parallel_loop3A_869 = arith.subf %parallel_loop3A_858, %parallel_loop3A_868 : vector<16xf32>
      scf.yield %parallel_loop3A_869 : vector<16xf32>
    } {sc.loop_unroll_factor = 1 : i64, sc.parallel_access}
    %get3A_315 = arith.constant 10224 : index
    %get3A_316 = tpu.vector_load %arg6[%get3A_315] {strides = array<i32>} : memref<20480xi32, #tpu.memory_space<vmem>>, vector<16xi32>,
    %lt3A_317 = arith.constant 0 : i32
    %lt3A_318 = vector.broadcast %lt3A_317 : i32 to vector<16xi32>
    %lt3A_319 = arith.cmpi slt, %min3A_17, %lt3A_318 : vector<16xi32>
    %add3A_320 = arith.constant 16 : i32
    %add3A_321 = vector.broadcast %add3A_320 : i32 to vector<16xi32>
    %add3A_322 = arith.addi %min3A_17, %add3A_321 : vector<16xi32>
    %select_n3A_323 = arith.select %lt3A_319, %add3A_322, %min3A_17 : vector<16xi1>, vector<16xi32>
    %broadcast_in_dim3A_324 = vector.shape_cast %select_n3A_323 : vector<16xi32> to vector<16x1xi32>
    %gather3A_325 = vector.shape_cast %broadcast_in_dim3A_324 : vector<16x1xi32> to vector<16xi32>
    %gather3A_326 = tpu.dynamic_gather %get3A_316[%gather3A_325] in [0] : vector<16xi32>, vector<16xi32> -> vector<16xi32>
    %dma_wait3A_327 = arith.constant 30720 : i32
    %dma_wait3A_328 = tpu.memref_slice %arg5[%dma_wait3A_327] : memref<61440xf32, #tpu.memory_space<vmem>> -> memref<30720xf32, #tpu.memory_space<vmem>>
    %dma_wait3A_329 = tpu.memref_slice %arg2[%mul3A_298] : memref<4915200xf32, #tpu.memory_space<hbm>> -> memref<30720xf32, #tpu.memory_space<hbm>>
    %dma_wait3A_330 = arith.constant 30720 : i32
    %dma_wait3A_331 = tpu.memref_slice %arg5[%dma_wait3A_330] : memref<61440xf32, #tpu.memory_space<vmem>> -> memref<30720xf32, #tpu.memory_space<vmem>>
    %dma_wait3A_332 = tpu.memref_slice %arg2[%mul3A_298] : memref<4915200xf32, #tpu.memory_space<hbm>> -> memref<30720xf32, #tpu.memory_space<hbm>>
    tpu.wait_dma2 semaphore(%arg11 : memref<!tpu.dma_semaphore, #tpu.memory_space<semaphore_mem>>) src(%dma_wait3A_332 : memref<30720xf32, #tpu.memory_space<hbm>>) dst(%dma_wait3A_331 : memref<30720xf32, #tpu.memory_space<vmem>>)
    %dma_wait3A_333 = arith.constant 10240 : i32
    %dma_wait3A_334 = tpu.memref_slice %arg6[%dma_wait3A_333] : memref<20480xi32, #tpu.memory_space<vmem>> -> memref<10240xi32, #tpu.memory_space<vmem>>
    %dma_wait3A_335 = tpu.memref_slice %arg3[%add3A_296] : memref<1638400xi32, #tpu.memory_space<hbm>> -> memref<10240xi32, #tpu.memory_space<hbm>>
    %dma_wait3A_336 = arith.constant 10240 : i32
    %dma_wait3A_337 = tpu.memref_slice %arg6[%dma_wait3A_336] : memref<20480xi32, #tpu.memory_space<vmem>> -> memref<10240xi32, #tpu.memory_space<vmem>>
    %dma_wait3A_338 = tpu.memref_slice %arg3[%add3A_296] : memref<1638400xi32, #tpu.memory_space<hbm>> -> memref<10240xi32, #tpu.memory_space<hbm>>
    tpu.wait_dma2 semaphore(%arg11 : memref<!tpu.dma_semaphore, #tpu.memory_space<semaphore_mem>>) src(%dma_wait3A_338 : memref<10240xi32, #tpu.memory_space<hbm>>) dst(%dma_wait3A_337 : memref<10240xi32, #tpu.memory_space<vmem>>)
    %get3A_339 = arith.constant 10240 : index
    %get3A_340 = tpu.vector_load %arg6[%get3A_339] {strides = array<i32>} : memref<20480xi32, #tpu.memory_space<vmem>>, vector<16xi32>,
    %lt3A_341 = arith.constant 0 : i32
    %lt3A_342 = vector.broadcast %lt3A_341 : i32 to vector<16xi32>
    %lt3A_343 = arith.cmpi slt, %broadcast_in_dim3A_21, %lt3A_342 : vector<16xi32>
    %add3A_344 = arith.constant 16 : i32
    %add3A_345 = vector.broadcast %add3A_344 : i32 to vector<16xi32>
    %add3A_346 = arith.addi %broadcast_in_dim3A_21, %add3A_345 : vector<16xi32>
    %select_n3A_347 = arith.select %lt3A_343, %add3A_346, %broadcast_in_dim3A_21 : vector<16xi1>, vector<16xi32>
    %broadcast_in_dim3A_348 = vector.shape_cast %select_n3A_347 : vector<16xi32> to vector<16x1xi32>
    %gather3A_349 = vector.shape_cast %broadcast_in_dim3A_348 : vector<16x1xi32> to vector<16xi32>
    %gather3A_350 = tpu.dynamic_gather %get3A_340[%gather3A_349] in [0] : vector<16xi32>, vector<16xi32> -> vector<16xi32>
    %eq3A_351 = arith.constant 15 : i32
    %eq3A_352 = vector.broadcast %eq3A_351 : i32 to vector<16xi32>
    %eq3A_353 = arith.cmpi eq, %iota3A, %eq3A_352 : vector<16xi32>
    %select_n3A_354 = arith.select %eq3A_353, %gather3A_350, %gather3A_326 : vector<16xi1>, vector<16xi32>
    %get3A_355 = arith.constant 30448 : index
    %get3A_356 = tpu.vector_load %arg5[%get3A_355] {strides = array<i32>} : memref<61440xf32, #tpu.memory_space<vmem>>, vector<16xf32>,
    %get3A_357 = arith.constant 30576 : index
    %get3A_358 = tpu.vector_load %arg5[%get3A_357] {strides = array<i32>} : memref<61440xf32, #tpu.memory_space<vmem>>, vector<16xf32>,
    %get3A_359 = arith.constant 30704 : index
    %get3A_360 = tpu.vector_load %arg5[%get3A_359] {strides = array<i32>} : memref<61440xf32, #tpu.memory_space<vmem>>, vector<16xf32>,
    %mul3A_361 = arith.mulf %get3A_356, %get3A_356 : vector<16xf32>
    %mul3A_362 = arith.mulf %get3A_358, %get3A_358 : vector<16xf32>
    %add3A_363 = arith.addf %mul3A_361, %mul3A_362 : vector<16xf32>
    %mul3A_364 = arith.mulf %get3A_360, %get3A_360 : vector<16xf32>
    %add3A_365 = arith.addf %add3A_363, %mul3A_364 : vector<16xf32>
    %cumsum3A_366 = arith.constant true
    %cumsum3A_367 = vector.broadcast %cumsum3A_366 : i1 to vector<16xi1>
    %cumsum3A_368 = tpu.scan <sum>, %add3A_365 masked %cumsum3A_367 : vector<16xf32>, vector<16xi1> -> vector<16xf32>
    %add3A_369 = arith.addf %cumsum3A_368, %parallel_loop3A_314 : vector<16xf32>
    %ne3A_370 = arith.cmpi ne, %get3A_316, %select_n3A_354 : vector<16xi32>
    %jit3A_371 = arith.constant 0.000000e+00 : f32
    %broadcast_in_dim3A_372 = vector.broadcast %jit3A_371 : f32 to vector<16xf32>
    %select_n3A_373 = arith.select %ne3A_370, %add3A_369, %broadcast_in_dim3A_372 : vector<16xi1>, vector<16xf32>
    %broadcast_in_dim3A_374 = arith.constant true
    %broadcast_in_dim3A_375 = vector.broadcast %broadcast_in_dim3A_374 : i1 to vector<16xi1>
    %masked_cummax3A_376 = tpu.scan <max>, %select_n3A_373 masked %broadcast_in_dim3A_375 : vector<16xf32>, vector<16xi1> -> vector<16xf32>
    %lt3A_377 = arith.constant 0 : i32
    %lt3A_378 = vector.broadcast %lt3A_377 : i32 to vector<16xi32>
    %lt3A_379 = arith.cmpi slt, %max3A_12, %lt3A_378 : vector<16xi32>
    %add3A_380 = arith.constant 16 : i32
    %add3A_381 = vector.broadcast %add3A_380 : i32 to vector<16xi32>
    %add3A_382 = arith.addi %max3A_12, %add3A_381 : vector<16xi32>
    %select_n3A_383 = arith.select %lt3A_379, %add3A_382, %max3A_12 : vector<16xi1>, vector<16xi32>
    %broadcast_in_dim3A_384 = vector.shape_cast %select_n3A_383 : vector<16xi32> to vector<16x1xi32>
    %gather3A_385 = vector.shape_cast %broadcast_in_dim3A_384 : vector<16x1xi32> to vector<16xi32>
    %gather3A_386 = tpu.dynamic_gather %masked_cummax3A_376[%gather3A_385] in [0] : vector<16xf32>, vector<16xi32> -> vector<16xf32>
    %jit3A_387 = arith.constant 0.000000e+00 : f32
    %broadcast_in_dim3A_388 = vector.broadcast %jit3A_387 : f32 to vector<16xf32>
    %select_n3A_389 = arith.select %eq3A_23, %broadcast_in_dim3A_388, %gather3A_386 : vector<16xi1>, vector<16xf32>
    %sub3A_390 = arith.subf %add3A_369, %select_n3A_389 : vector<16xf32>
    tpu.vector_store_idx %arg7[%get3A_316], %sub3A_390 masked %ne3A_370 {add = true} : memref<16384xf32, #tpu.memory_space<vmem>>[vector<16xi32>], vector<16xf32>, vector<16xi1>
    %lt3A_391 = arith.constant 0 : i32
    %lt3A_392 = vector.broadcast %lt3A_391 : i32 to vector<16xi32>
    %lt3A_393 = arith.cmpi slt, %broadcast_in_dim3A_19, %lt3A_392 : vector<16xi32>
    %add3A_394 = arith.constant 16 : i32
    %add3A_395 = vector.broadcast %add3A_394 : i32 to vector<16xi32>
    %add3A_396 = arith.addi %broadcast_in_dim3A_19, %add3A_395 : vector<16xi32>
    %select_n3A_397 = arith.select %lt3A_393, %add3A_396, %broadcast_in_dim3A_19 : vector<16xi1>, vector<16xi32>
    %broadcast_in_dim3A_398 = vector.shape_cast %select_n3A_397 : vector<16xi32> to vector<16x1xi32>
    %gather3A_399 = vector.shape_cast %broadcast_in_dim3A_398 : vector<16x1xi32> to vector<16xi32>
    %gather3A_400 = tpu.dynamic_gather %add3A_369[%gather3A_399] in [0] : vector<16xf32>, vector<16xi32> -> vector<16xf32>
    %lt3A_401 = arith.constant 0 : i32
    %lt3A_402 = vector.broadcast %lt3A_401 : i32 to vector<16xi32>
    %lt3A_403 = arith.cmpi slt, %broadcast_in_dim3A_19, %lt3A_402 : vector<16xi32>
    %add3A_404 = arith.constant 16 : i32
    %add3A_405 = vector.broadcast %add3A_404 : i32 to vector<16xi32>
    %add3A_406 = arith.addi %broadcast_in_dim3A_19, %add3A_405 : vector<16xi32>
    %select_n3A_407 = arith.select %lt3A_403, %add3A_406, %broadcast_in_dim3A_19 : vector<16xi1>, vector<16xi32>
    %broadcast_in_dim3A_408 = vector.shape_cast %select_n3A_407 : vector<16xi32> to vector<16x1xi32>
    %gather3A_409 = vector.shape_cast %broadcast_in_dim3A_408 : vector<16x1xi32> to vector<16xi32>
    %gather3A_410 = tpu.dynamic_gather %masked_cummax3A_376[%gather3A_409] in [0] : vector<16xf32>, vector<16xi32> -> vector<16xf32>
    %sub3A_411 = arith.subf %gather3A_400, %gather3A_410 : vector<16xf32>
    %lt3A_412 = arith.constant 0 : i32
    %lt3A_413 = vector.broadcast %lt3A_412 : i32 to vector<16xi32>
    %lt3A_414 = arith.cmpi slt, %broadcast_in_dim3A_19, %lt3A_413 : vector<16xi32>
    %add3A_415 = arith.constant 16 : i32
    %add3A_416 = vector.broadcast %add3A_415 : i32 to vector<16xi32>
    %add3A_417 = arith.addi %broadcast_in_dim3A_19, %add3A_416 : vector<16xi32>
    %select_n3A_418 = arith.select %lt3A_414, %add3A_417, %broadcast_in_dim3A_19 : vector<16xi1>, vector<16xi32>
    %broadcast_in_dim3A_419 = vector.shape_cast %select_n3A_418 : vector<16xi32> to vector<16x1xi32>
    %gather3A_420 = vector.shape_cast %broadcast_in_dim3A_419 : vector<16x1xi32> to vector<16xi32>
    %gather3A_421 = tpu.dynamic_gather %get3A_316[%gather3A_420] in [0] : vector<16xi32>, vector<16xi32> -> vector<16xi32>
    %add3A_422 = arith.constant 40960 : i32
    %add3A_423 = arith.addi %mul3A_2, %add3A_422 : i32
    %mul3A_424 = arith.constant 3 : i32
    %mul3A_425 = arith.muli %mul3A_424, %add3A_423 : i32
    %dma_start3A_426 = arith.constant 0 : i32
    %dma_start3A_427 = tpu.memref_slice %arg5[%dma_start3A_426] : memref<61440xf32, #tpu.memory_space<vmem>> -> memref<30720xf32, #tpu.memory_space<vmem>>
    %dma_start3A_428 = tpu.memref_slice %arg2[%mul3A_425] : memref<4915200xf32, #tpu.memory_space<hbm>> -> memref<30720xf32, #tpu.memory_space<hbm>>
    %dma_start3A_429 = arith.constant 0 : i32
    %dma_start3A_430 = tpu.memref_slice %arg5[%dma_start3A_429] : memref<61440xf32, #tpu.memory_space<vmem>> -> memref<30720xf32, #tpu.memory_space<vmem>>
    %dma_start3A_431 = tpu.memref_slice %arg2[%mul3A_425] : memref<4915200xf32, #tpu.memory_space<hbm>> -> memref<30720xf32, #tpu.memory_space<hbm>>
    tpu.enqueue_dma source(%dma_start3A_431 : memref<30720xf32, #tpu.memory_space<hbm>>) target(%dma_start3A_430 : memref<30720xf32, #tpu.memory_space<vmem>>) target_semaphore(%arg11 : memref<!tpu.dma_semaphore, #tpu.memory_space<semaphore_mem>>)
    %dma_start3A_432 = arith.constant 0 : i32
    %dma_start3A_433 = tpu.memref_slice %arg6[%dma_start3A_432] : memref<20480xi32, #tpu.memory_space<vmem>> -> memref<10240xi32, #tpu.memory_space<vmem>>
    %dma_start3A_434 = tpu.memref_slice %arg3[%add3A_423] : memref<1638400xi32, #tpu.memory_space<hbm>> -> memref<10240xi32, #tpu.memory_space<hbm>>
    %dma_start3A_435 = arith.constant 0 : i32
    %dma_start3A_436 = tpu.memref_slice %arg6[%dma_start3A_435] : memref<20480xi32, #tpu.memory_space<vmem>> -> memref<10240xi32, #tpu.memory_space<vmem>>
    %dma_start3A_437 = tpu.memref_slice %arg3[%add3A_423] : memref<1638400xi32, #tpu.memory_space<hbm>> -> memref<10240xi32, #tpu.memory_space<hbm>>
    tpu.enqueue_dma source(%dma_start3A_437 : memref<10240xi32, #tpu.memory_space<hbm>>) target(%dma_start3A_436 : memref<10240xi32, #tpu.memory_space<vmem>>) target_semaphore(%arg11 : memref<!tpu.dma_semaphore, #tpu.memory_space<semaphore_mem>>)
    %parallel_loop3A_438 = arith.constant 0 : i32
    %parallel_loop3A_439 = arith.constant 639 : i32
    %parallel_loop3A_440 = arith.constant 1 : i32
    %parallel_loop3A_441 = scf.for %parallel_loop3A_788 = %parallel_loop3A_438 to %parallel_loop3A_439 step %parallel_loop3A_440 iter_args(%parallel_loop3A_789 = %sub3A_411) -> (vector<16xf32>)  : i32 {
      %parallel_loop3A_790 = arith.constant 16 : i32
      %parallel_loop3A_791 = arith.muli %parallel_loop3A_788, %parallel_loop3A_790 : i32
      %parallel_loop3A_792 = arith.constant 7 : i32
      %parallel_loop3A_793 = arith.shrui %parallel_loop3A_791, %parallel_loop3A_792 : i32
      %parallel_loop3A_794 = arith.constant 30720 : i32
      %parallel_loop3A_795 = arith.addi %parallel_loop3A_794, %parallel_loop3A_791 : i32
      %parallel_loop3A_796 = arith.constant 256 : i32
      %parallel_loop3A_797 = arith.muli %parallel_loop3A_793, %parallel_loop3A_796 : i32
      %parallel_loop3A_798 = arith.addi %parallel_loop3A_795, %parallel_loop3A_797 : i32
      %parallel_loop3A_799 = arith.constant 10240 : i32
      %parallel_loop3A_800 = arith.addi %parallel_loop3A_799, %parallel_loop3A_791 : i32
      %parallel_loop3A_801 = arith.index_cast %parallel_loop3A_800 : i32 to index
      %parallel_loop3A_802 = tpu.vector_load %arg6[%parallel_loop3A_801] {strides = array<i32>} : memref<20480xi32, #tpu.memory_space<vmem>>, vector<16xi32>,
      %parallel_loop3A_803 = arith.constant 10240 : i32
      %parallel_loop3A_804 = arith.addi %parallel_loop3A_803, %parallel_loop3A_791 : i32
      %parallel_loop3A_805 = arith.constant 1 : i32
      %parallel_loop3A_806 = arith.addi %parallel_loop3A_804, %parallel_loop3A_805 : i32
      %parallel_loop3A_807 = arith.index_cast %parallel_loop3A_806 : i32 to index
      %parallel_loop3A_808 = tpu.vector_load %arg6[%parallel_loop3A_807] {strides = array<i32>} : memref<20480xi32, #tpu.memory_space<vmem>>, vector<16xi32>,
      %parallel_loop3A_809 = arith.index_cast %parallel_loop3A_798 : i32 to index
      %parallel_loop3A_810 = tpu.vector_load %arg5[%parallel_loop3A_809] {strides = array<i32>} : memref<61440xf32, #tpu.memory_space<vmem>>, vector<16xf32>,
      %parallel_loop3A_811 = arith.constant 128 : i32
      %parallel_loop3A_812 = arith.addi %parallel_loop3A_798, %parallel_loop3A_811 : i32
      %parallel_loop3A_813 = arith.index_cast %parallel_loop3A_812 : i32 to index
      %parallel_loop3A_814 = tpu.vector_load %arg5[%parallel_loop3A_813] {strides = array<i32>} : memref<61440xf32, #tpu.memory_space<vmem>>, vector<16xf32>,
      %parallel_loop3A_815 = arith.constant 256 : i32
      %parallel_loop3A_816 = arith.addi %parallel_loop3A_798, %parallel_loop3A_815 : i32
      %parallel_loop3A_817 = arith.index_cast %parallel_loop3A_816 : i32 to index
      %parallel_loop3A_818 = tpu.vector_load %arg5[%parallel_loop3A_817] {strides = array<i32>} : memref<61440xf32, #tpu.memory_space<vmem>>, vector<16xf32>,
      %parallel_loop3A_819 = arith.mulf %parallel_loop3A_810, %parallel_loop3A_810 : vector<16xf32>
      %parallel_loop3A_820 = arith.mulf %parallel_loop3A_814, %parallel_loop3A_814 : vector<16xf32>
      %parallel_loop3A_821 = arith.addf %parallel_loop3A_819, %parallel_loop3A_820 : vector<16xf32>
      %parallel_loop3A_822 = arith.mulf %parallel_loop3A_818, %parallel_loop3A_818 : vector<16xf32>
      %parallel_loop3A_823 = arith.addf %parallel_loop3A_821, %parallel_loop3A_822 : vector<16xf32>
      %parallel_loop3A_824 = arith.constant true
      %parallel_loop3A_825 = vector.broadcast %parallel_loop3A_824 : i1 to vector<16xi1>
      %parallel_loop3A_826 = tpu.scan <sum>, %parallel_loop3A_823 masked %parallel_loop3A_825 : vector<16xf32>, vector<16xi1> -> vector<16xf32>
      %parallel_loop3A_827 = arith.addf %parallel_loop3A_826, %parallel_loop3A_789 : vector<16xf32>
      %parallel_loop3A_828 = arith.cmpi ne, %parallel_loop3A_802, %parallel_loop3A_808 : vector<16xi32>
      %parallel_loop3A_829 = arith.constant 0.000000e+00 : f32
      %parallel_loop3A_830 = vector.broadcast %parallel_loop3A_829 : f32 to vector<16xf32>
      %parallel_loop3A_831 = arith.select %parallel_loop3A_828, %parallel_loop3A_827, %parallel_loop3A_830 : vector<16xi1>, vector<16xf32>
      %parallel_loop3A_832 = arith.constant true
      %parallel_loop3A_833 = vector.broadcast %parallel_loop3A_832 : i1 to vector<16xi1>
      %parallel_loop3A_834 = tpu.scan <max>, %parallel_loop3A_831 masked %parallel_loop3A_833 : vector<16xf32>, vector<16xi1> -> vector<16xf32>
      %parallel_loop3A_835 = arith.constant 0 : i32
      %parallel_loop3A_836 = vector.broadcast %parallel_loop3A_835 : i32 to vector<16xi32>
      %parallel_loop3A_837 = arith.cmpi slt, %max3A_12, %parallel_loop3A_836 : vector<16xi32>
      %parallel_loop3A_838 = arith.constant 16 : i32
      %parallel_loop3A_839 = vector.broadcast %parallel_loop3A_838 : i32 to vector<16xi32>
      %parallel_loop3A_840 = arith.addi %max3A_12, %parallel_loop3A_839 : vector<16xi32>
      %parallel_loop3A_841 = arith.select %parallel_loop3A_837, %parallel_loop3A_840, %max3A_12 : vector<16xi1>, vector<16xi32>
      %parallel_loop3A_842 = vector.shape_cast %parallel_loop3A_841 : vector<16xi32> to vector<16x1xi32>
      %parallel_loop3A_843 = vector.shape_cast %parallel_loop3A_842 : vector<16x1xi32> to vector<16xi32>
      %parallel_loop3A_844 = tpu.dynamic_gather %parallel_loop3A_834[%parallel_loop3A_843] in [0] : vector<16xf32>, vector<16xi32> -> vector<16xf32>
      %parallel_loop3A_845 = arith.constant 0.000000e+00 : f32
      %parallel_loop3A_846 = vector.broadcast %parallel_loop3A_845 : f32 to vector<16xf32>
      %parallel_loop3A_847 = arith.select %eq3A_23, %parallel_loop3A_846, %parallel_loop3A_844 : vector<16xi1>, vector<16xf32>
      %parallel_loop3A_848 = arith.subf %parallel_loop3A_827, %parallel_loop3A_847 : vector<16xf32>
      tpu.vector_store_idx %arg7[%parallel_loop3A_802], %parallel_loop3A_848 masked %parallel_loop3A_828 {add = true} : memref<16384xf32, #tpu.memory_space<vmem>>[vector<16xi32>], vector<16xf32>, vector<16xi1>
      %parallel_loop3A_849 = arith.constant 0 : i32
      %parallel_loop3A_850 = vector.broadcast %parallel_loop3A_849 : i32 to vector<16xi32>
      %parallel_loop3A_851 = arith.cmpi slt, %broadcast_in_dim3A_19, %parallel_loop3A_850 : vector<16xi32>
      %parallel_loop3A_852 = arith.constant 16 : i32
      %parallel_loop3A_853 = vector.broadcast %parallel_loop3A_852 : i32 to vector<16xi32>
      %parallel_loop3A_854 = arith.addi %broadcast_in_dim3A_19, %parallel_loop3A_853 : vector<16xi32>
      %parallel_loop3A_855 = arith.select %parallel_loop3A_851, %parallel_loop3A_854, %broadcast_in_dim3A_19 : vector<16xi1>, vector<16xi32>
      %parallel_loop3A_856 = vector.shape_cast %parallel_loop3A_855 : vector<16xi32> to vector<16x1xi32>
      %parallel_loop3A_857 = vector.shape_cast %parallel_loop3A_856 : vector<16x1xi32> to vector<16xi32>
      %parallel_loop3A_858 = tpu.dynamic_gather %parallel_loop3A_827[%parallel_loop3A_857] in [0] : vector<16xf32>, vector<16xi32> -> vector<16xf32>
      %parallel_loop3A_859 = arith.constant 0 : i32
      %parallel_loop3A_860 = vector.broadcast %parallel_loop3A_859 : i32 to vector<16xi32>
      %parallel_loop3A_861 = arith.cmpi slt, %broadcast_in_dim3A_19, %parallel_loop3A_860 : vector<16xi32>
      %parallel_loop3A_862 = arith.constant 16 : i32
      %parallel_loop3A_863 = vector.broadcast %parallel_loop3A_862 : i32 to vector<16xi32>
      %parallel_loop3A_864 = arith.addi %broadcast_in_dim3A_19, %parallel_loop3A_863 : vector<16xi32>
      %parallel_loop3A_865 = arith.select %parallel_loop3A_861, %parallel_loop3A_864, %broadcast_in_dim3A_19 : vector<16xi1>, vector<16xi32>
      %parallel_loop3A_866 = vector.shape_cast %parallel_loop3A_865 : vector<16xi32> to vector<16x1xi32>
      %parallel_loop3A_867 = vector.shape_cast %parallel_loop3A_866 : vector<16x1xi32> to vector<16xi32>
      %parallel_loop3A_868 = tpu.dynamic_gather %parallel_loop3A_834[%parallel_loop3A_867] in [0] : vector<16xf32>, vector<16xi32> -> vector<16xf32>
      %parallel_loop3A_869 = arith.subf %parallel_loop3A_858, %parallel_loop3A_868 : vector<16xf32>
      scf.yield %parallel_loop3A_869 : vector<16xf32>
    } {sc.loop_unroll_factor = 1 : i64, sc.parallel_access}
    %get3A_442 = arith.constant 20464 : index
    %get3A_443 = tpu.vector_load %arg6[%get3A_442] {strides = array<i32>} : memref<20480xi32, #tpu.memory_space<vmem>>, vector<16xi32>,
    %lt3A_444 = arith.constant 0 : i32
    %lt3A_445 = vector.broadcast %lt3A_444 : i32 to vector<16xi32>
    %lt3A_446 = arith.cmpi slt, %min3A_17, %lt3A_445 : vector<16xi32>
    %add3A_447 = arith.constant 16 : i32
    %add3A_448 = vector.broadcast %add3A_447 : i32 to vector<16xi32>
    %add3A_449 = arith.addi %min3A_17, %add3A_448 : vector<16xi32>
    %select_n3A_450 = arith.select %lt3A_446, %add3A_449, %min3A_17 : vector<16xi1>, vector<16xi32>
    %broadcast_in_dim3A_451 = vector.shape_cast %select_n3A_450 : vector<16xi32> to vector<16x1xi32>
    %gather3A_452 = vector.shape_cast %broadcast_in_dim3A_451 : vector<16x1xi32> to vector<16xi32>
    %gather3A_453 = tpu.dynamic_gather %get3A_443[%gather3A_452] in [0] : vector<16xi32>, vector<16xi32> -> vector<16xi32>
    %dma_wait3A_454 = arith.constant 0 : i32
    %dma_wait3A_455 = tpu.memref_slice %arg5[%dma_wait3A_454] : memref<61440xf32, #tpu.memory_space<vmem>> -> memref<30720xf32, #tpu.memory_space<vmem>>
    %dma_wait3A_456 = tpu.memref_slice %arg2[%mul3A_425] : memref<4915200xf32, #tpu.memory_space<hbm>> -> memref<30720xf32, #tpu.memory_space<hbm>>
    %dma_wait3A_457 = arith.constant 0 : i32
    %dma_wait3A_458 = tpu.memref_slice %arg5[%dma_wait3A_457] : memref<61440xf32, #tpu.memory_space<vmem>> -> memref<30720xf32, #tpu.memory_space<vmem>>
    %dma_wait3A_459 = tpu.memref_slice %arg2[%mul3A_425] : memref<4915200xf32, #tpu.memory_space<hbm>> -> memref<30720xf32, #tpu.memory_space<hbm>>
    tpu.wait_dma2 semaphore(%arg11 : memref<!tpu.dma_semaphore, #tpu.memory_space<semaphore_mem>>) src(%dma_wait3A_459 : memref<30720xf32, #tpu.memory_space<hbm>>) dst(%dma_wait3A_458 : memref<30720xf32, #tpu.memory_space<vmem>>)
    %dma_wait3A_460 = arith.constant 0 : i32
    %dma_wait3A_461 = tpu.memref_slice %arg6[%dma_wait3A_460] : memref<20480xi32, #tpu.memory_space<vmem>> -> memref<10240xi32, #tpu.memory_space<vmem>>
    %dma_wait3A_462 = tpu.memref_slice %arg3[%add3A_423] : memref<1638400xi32, #tpu.memory_space<hbm>> -> memref<10240xi32, #tpu.memory_space<hbm>>
    %dma_wait3A_463 = arith.constant 0 : i32
    %dma_wait3A_464 = tpu.memref_slice %arg6[%dma_wait3A_463] : memref<20480xi32, #tpu.memory_space<vmem>> -> memref<10240xi32, #tpu.memory_space<vmem>>
    %dma_wait3A_465 = tpu.memref_slice %arg3[%add3A_423] : memref<1638400xi32, #tpu.memory_space<hbm>> -> memref<10240xi32, #tpu.memory_space<hbm>>
    tpu.wait_dma2 semaphore(%arg11 : memref<!tpu.dma_semaphore, #tpu.memory_space<semaphore_mem>>) src(%dma_wait3A_465 : memref<10240xi32, #tpu.memory_space<hbm>>) dst(%dma_wait3A_464 : memref<10240xi32, #tpu.memory_space<vmem>>)
    %get3A_466 = arith.constant 0 : index
    %get3A_467 = tpu.vector_load %arg6[%get3A_466] {strides = array<i32>} : memref<20480xi32, #tpu.memory_space<vmem>>, vector<16xi32>,
    %lt3A_468 = arith.constant 0 : i32
    %lt3A_469 = vector.broadcast %lt3A_468 : i32 to vector<16xi32>
    %lt3A_470 = arith.cmpi slt, %broadcast_in_dim3A_21, %lt3A_469 : vector<16xi32>
    %add3A_471 = arith.constant 16 : i32
    %add3A_472 = vector.broadcast %add3A_471 : i32 to vector<16xi32>
    %add3A_473 = arith.addi %broadcast_in_dim3A_21, %add3A_472 : vector<16xi32>
    %select_n3A_474 = arith.select %lt3A_470, %add3A_473, %broadcast_in_dim3A_21 : vector<16xi1>, vector<16xi32>
    %broadcast_in_dim3A_475 = vector.shape_cast %select_n3A_474 : vector<16xi32> to vector<16x1xi32>
    %gather3A_476 = vector.shape_cast %broadcast_in_dim3A_475 : vector<16x1xi32> to vector<16xi32>
    %gather3A_477 = tpu.dynamic_gather %get3A_467[%gather3A_476] in [0] : vector<16xi32>, vector<16xi32> -> vector<16xi32>
    %eq3A_478 = arith.constant 15 : i32
    %eq3A_479 = vector.broadcast %eq3A_478 : i32 to vector<16xi32>
    %eq3A_480 = arith.cmpi eq, %iota3A, %eq3A_479 : vector<16xi32>
    %select_n3A_481 = arith.select %eq3A_480, %gather3A_477, %gather3A_453 : vector<16xi1>, vector<16xi32>
    %get3A_482 = arith.constant 61168 : index
    %get3A_483 = tpu.vector_load %arg5[%get3A_482] {strides = array<i32>} : memref<61440xf32, #tpu.memory_space<vmem>>, vector<16xf32>,
    %get3A_484 = arith.constant 61296 : index
    %get3A_485 = tpu.vector_load %arg5[%get3A_484] {strides = array<i32>} : memref<61440xf32, #tpu.memory_space<vmem>>, vector<16xf32>,
    %get3A_486 = arith.constant 61424 : index
    %get3A_487 = tpu.vector_load %arg5[%get3A_486] {strides = array<i32>} : memref<61440xf32, #tpu.memory_space<vmem>>, vector<16xf32>,
    %mul3A_488 = arith.mulf %get3A_483, %get3A_483 : vector<16xf32>
    %mul3A_489 = arith.mulf %get3A_485, %get3A_485 : vector<16xf32>
    %add3A_490 = arith.addf %mul3A_488, %mul3A_489 : vector<16xf32>
    %mul3A_491 = arith.mulf %get3A_487, %get3A_487 : vector<16xf32>
    %add3A_492 = arith.addf %add3A_490, %mul3A_491 : vector<16xf32>
    %cumsum3A_493 = arith.constant true
    %cumsum3A_494 = vector.broadcast %cumsum3A_493 : i1 to vector<16xi1>
    %cumsum3A_495 = tpu.scan <sum>, %add3A_492 masked %cumsum3A_494 : vector<16xf32>, vector<16xi1> -> vector<16xf32>
    %add3A_496 = arith.addf %cumsum3A_495, %parallel_loop3A_441 : vector<16xf32>
    %ne3A_497 = arith.cmpi ne, %get3A_443, %select_n3A_481 : vector<16xi32>
    %jit3A_498 = arith.constant 0.000000e+00 : f32
    %broadcast_in_dim3A_499 = vector.broadcast %jit3A_498 : f32 to vector<16xf32>
    %select_n3A_500 = arith.select %ne3A_497, %add3A_496, %broadcast_in_dim3A_499 : vector<16xi1>, vector<16xf32>
    %broadcast_in_dim3A_501 = arith.constant true
    %broadcast_in_dim3A_502 = vector.broadcast %broadcast_in_dim3A_501 : i1 to vector<16xi1>
    %masked_cummax3A_503 = tpu.scan <max>, %select_n3A_500 masked %broadcast_in_dim3A_502 : vector<16xf32>, vector<16xi1> -> vector<16xf32>
    %lt3A_504 = arith.constant 0 : i32
    %lt3A_505 = vector.broadcast %lt3A_504 : i32 to vector<16xi32>
    %lt3A_506 = arith.cmpi slt, %max3A_12, %lt3A_505 : vector<16xi32>
    %add3A_507 = arith.constant 16 : i32
    %add3A_508 = vector.broadcast %add3A_507 : i32 to vector<16xi32>
    %add3A_509 = arith.addi %max3A_12, %add3A_508 : vector<16xi32>
    %select_n3A_510 = arith.select %lt3A_506, %add3A_509, %max3A_12 : vector<16xi1>, vector<16xi32>
    %broadcast_in_dim3A_511 = vector.shape_cast %select_n3A_510 : vector<16xi32> to vector<16x1xi32>
    %gather3A_512 = vector.shape_cast %broadcast_in_dim3A_511 : vector<16x1xi32> to vector<16xi32>
    %gather3A_513 = tpu.dynamic_gather %masked_cummax3A_503[%gather3A_512] in [0] : vector<16xf32>, vector<16xi32> -> vector<16xf32>
    %jit3A_514 = arith.constant 0.000000e+00 : f32
    %broadcast_in_dim3A_515 = vector.broadcast %jit3A_514 : f32 to vector<16xf32>
    %select_n3A_516 = arith.select %eq3A_23, %broadcast_in_dim3A_515, %gather3A_513 : vector<16xi1>, vector<16xf32>
    %sub3A_517 = arith.subf %add3A_496, %select_n3A_516 : vector<16xf32>
    tpu.vector_store_idx %arg7[%get3A_443], %sub3A_517 masked %ne3A_497 {add = true} : memref<16384xf32, #tpu.memory_space<vmem>>[vector<16xi32>], vector<16xf32>, vector<16xi1>
    %lt3A_518 = arith.constant 0 : i32
    %lt3A_519 = vector.broadcast %lt3A_518 : i32 to vector<16xi32>
    %lt3A_520 = arith.cmpi slt, %broadcast_in_dim3A_19, %lt3A_519 : vector<16xi32>
    %add3A_521 = arith.constant 16 : i32
    %add3A_522 = vector.broadcast %add3A_521 : i32 to vector<16xi32>
    %add3A_523 = arith.addi %broadcast_in_dim3A_19, %add3A_522 : vector<16xi32>
    %select_n3A_524 = arith.select %lt3A_520, %add3A_523, %broadcast_in_dim3A_19 : vector<16xi1>, vector<16xi32>
    %broadcast_in_dim3A_525 = vector.shape_cast %select_n3A_524 : vector<16xi32> to vector<16x1xi32>
    %gather3A_526 = vector.shape_cast %broadcast_in_dim3A_525 : vector<16x1xi32> to vector<16xi32>
    %gather3A_527 = tpu.dynamic_gather %add3A_496[%gather3A_526] in [0] : vector<16xf32>, vector<16xi32> -> vector<16xf32>
    %lt3A_528 = arith.constant 0 : i32
    %lt3A_529 = vector.broadcast %lt3A_528 : i32 to vector<16xi32>
    %lt3A_530 = arith.cmpi slt, %broadcast_in_dim3A_19, %lt3A_529 : vector<16xi32>
    %add3A_531 = arith.constant 16 : i32
    %add3A_532 = vector.broadcast %add3A_531 : i32 to vector<16xi32>
    %add3A_533 = arith.addi %broadcast_in_dim3A_19, %add3A_532 : vector<16xi32>
    %select_n3A_534 = arith.select %lt3A_530, %add3A_533, %broadcast_in_dim3A_19 : vector<16xi1>, vector<16xi32>
    %broadcast_in_dim3A_535 = vector.shape_cast %select_n3A_534 : vector<16xi32> to vector<16x1xi32>
    %gather3A_536 = vector.shape_cast %broadcast_in_dim3A_535 : vector<16x1xi32> to vector<16xi32>
    %gather3A_537 = tpu.dynamic_gather %masked_cummax3A_503[%gather3A_536] in [0] : vector<16xf32>, vector<16xi32> -> vector<16xf32>
    %sub3A_538 = arith.subf %gather3A_527, %gather3A_537 : vector<16xf32>
    %lt3A_539 = arith.constant 0 : i32
    %lt3A_540 = vector.broadcast %lt3A_539 : i32 to vector<16xi32>
    %lt3A_541 = arith.cmpi slt, %broadcast_in_dim3A_19, %lt3A_540 : vector<16xi32>
    %add3A_542 = arith.constant 16 : i32
    %add3A_543 = vector.broadcast %add3A_542 : i32 to vector<16xi32>
    %add3A_544 = arith.addi %broadcast_in_dim3A_19, %add3A_543 : vector<16xi32>
    %select_n3A_545 = arith.select %lt3A_541, %add3A_544, %broadcast_in_dim3A_19 : vector<16xi1>, vector<16xi32>
    %broadcast_in_dim3A_546 = vector.shape_cast %select_n3A_545 : vector<16xi32> to vector<16x1xi32>
    %gather3A_547 = vector.shape_cast %broadcast_in_dim3A_546 : vector<16x1xi32> to vector<16xi32>
    %gather3A_548 = tpu.dynamic_gather %get3A_443[%gather3A_547] in [0] : vector<16xi32>, vector<16xi32> -> vector<16xi32>
    %parallel_loop3A_549 = arith.constant 0 : i32
    %parallel_loop3A_550 = arith.constant 639 : i32
    %parallel_loop3A_551 = arith.constant 1 : i32
    %parallel_loop3A_552 = scf.for %parallel_loop3A_788 = %parallel_loop3A_549 to %parallel_loop3A_550 step %parallel_loop3A_551 iter_args(%parallel_loop3A_789 = %sub3A_538) -> (vector<16xf32>)  : i32 {
      %parallel_loop3A_790 = arith.constant 16 : i32
      %parallel_loop3A_791 = arith.muli %parallel_loop3A_788, %parallel_loop3A_790 : i32
      %parallel_loop3A_792 = arith.constant 7 : i32
      %parallel_loop3A_793 = arith.shrui %parallel_loop3A_791, %parallel_loop3A_792 : i32
      %parallel_loop3A_794 = arith.constant 0 : i32
      %parallel_loop3A_795 = arith.addi %parallel_loop3A_794, %parallel_loop3A_791 : i32
      %parallel_loop3A_796 = arith.constant 256 : i32
      %parallel_loop3A_797 = arith.muli %parallel_loop3A_793, %parallel_loop3A_796 : i32
      %parallel_loop3A_798 = arith.addi %parallel_loop3A_795, %parallel_loop3A_797 : i32
      %parallel_loop3A_799 = arith.constant 0 : i32
      %parallel_loop3A_800 = arith.addi %parallel_loop3A_799, %parallel_loop3A_791 : i32
      %parallel_loop3A_801 = arith.index_cast %parallel_loop3A_800 : i32 to index
      %parallel_loop3A_802 = tpu.vector_load %arg6[%parallel_loop3A_801] {strides = array<i32>} : memref<20480xi32, #tpu.memory_space<vmem>>, vector<16xi32>,
      %parallel_loop3A_803 = arith.constant 0 : i32
      %parallel_loop3A_804 = arith.addi %parallel_loop3A_803, %parallel_loop3A_791 : i32
      %parallel_loop3A_805 = arith.constant 1 : i32
      %parallel_loop3A_806 = arith.addi %parallel_loop3A_804, %parallel_loop3A_805 : i32
      %parallel_loop3A_807 = arith.index_cast %parallel_loop3A_806 : i32 to index
      %parallel_loop3A_808 = tpu.vector_load %arg6[%parallel_loop3A_807] {strides = array<i32>} : memref<20480xi32, #tpu.memory_space<vmem>>, vector<16xi32>,
      %parallel_loop3A_809 = arith.index_cast %parallel_loop3A_798 : i32 to index
      %parallel_loop3A_810 = tpu.vector_load %arg5[%parallel_loop3A_809] {strides = array<i32>} : memref<61440xf32, #tpu.memory_space<vmem>>, vector<16xf32>,
      %parallel_loop3A_811 = arith.constant 128 : i32
      %parallel_loop3A_812 = arith.addi %parallel_loop3A_798, %parallel_loop3A_811 : i32
      %parallel_loop3A_813 = arith.index_cast %parallel_loop3A_812 : i32 to index
      %parallel_loop3A_814 = tpu.vector_load %arg5[%parallel_loop3A_813] {strides = array<i32>} : memref<61440xf32, #tpu.memory_space<vmem>>, vector<16xf32>,
      %parallel_loop3A_815 = arith.constant 256 : i32
      %parallel_loop3A_816 = arith.addi %parallel_loop3A_798, %parallel_loop3A_815 : i32
      %parallel_loop3A_817 = arith.index_cast %parallel_loop3A_816 : i32 to index
      %parallel_loop3A_818 = tpu.vector_load %arg5[%parallel_loop3A_817] {strides = array<i32>} : memref<61440xf32, #tpu.memory_space<vmem>>, vector<16xf32>,
      %parallel_loop3A_819 = arith.mulf %parallel_loop3A_810, %parallel_loop3A_810 : vector<16xf32>
      %parallel_loop3A_820 = arith.mulf %parallel_loop3A_814, %parallel_loop3A_814 : vector<16xf32>
      %parallel_loop3A_821 = arith.addf %parallel_loop3A_819, %parallel_loop3A_820 : vector<16xf32>
      %parallel_loop3A_822 = arith.mulf %parallel_loop3A_818, %parallel_loop3A_818 : vector<16xf32>
      %parallel_loop3A_823 = arith.addf %parallel_loop3A_821, %parallel_loop3A_822 : vector<16xf32>
      %parallel_loop3A_824 = arith.constant true
      %parallel_loop3A_825 = vector.broadcast %parallel_loop3A_824 : i1 to vector<16xi1>
      %parallel_loop3A_826 = tpu.scan <sum>, %parallel_loop3A_823 masked %parallel_loop3A_825 : vector<16xf32>, vector<16xi1> -> vector<16xf32>
      %parallel_loop3A_827 = arith.addf %parallel_loop3A_826, %parallel_loop3A_789 : vector<16xf32>
      %parallel_loop3A_828 = arith.cmpi ne, %parallel_loop3A_802, %parallel_loop3A_808 : vector<16xi32>
      %parallel_loop3A_829 = arith.constant 0.000000e+00 : f32
      %parallel_loop3A_830 = vector.broadcast %parallel_loop3A_829 : f32 to vector<16xf32>
      %parallel_loop3A_831 = arith.select %parallel_loop3A_828, %parallel_loop3A_827, %parallel_loop3A_830 : vector<16xi1>, vector<16xf32>
      %parallel_loop3A_832 = arith.constant true
      %parallel_loop3A_833 = vector.broadcast %parallel_loop3A_832 : i1 to vector<16xi1>
      %parallel_loop3A_834 = tpu.scan <max>, %parallel_loop3A_831 masked %parallel_loop3A_833 : vector<16xf32>, vector<16xi1> -> vector<16xf32>
      %parallel_loop3A_835 = arith.constant 0 : i32
      %parallel_loop3A_836 = vector.broadcast %parallel_loop3A_835 : i32 to vector<16xi32>
      %parallel_loop3A_837 = arith.cmpi slt, %max3A_12, %parallel_loop3A_836 : vector<16xi32>
      %parallel_loop3A_838 = arith.constant 16 : i32
      %parallel_loop3A_839 = vector.broadcast %parallel_loop3A_838 : i32 to vector<16xi32>
      %parallel_loop3A_840 = arith.addi %max3A_12, %parallel_loop3A_839 : vector<16xi32>
      %parallel_loop3A_841 = arith.select %parallel_loop3A_837, %parallel_loop3A_840, %max3A_12 : vector<16xi1>, vector<16xi32>
      %parallel_loop3A_842 = vector.shape_cast %parallel_loop3A_841 : vector<16xi32> to vector<16x1xi32>
      %parallel_loop3A_843 = vector.shape_cast %parallel_loop3A_842 : vector<16x1xi32> to vector<16xi32>
      %parallel_loop3A_844 = tpu.dynamic_gather %parallel_loop3A_834[%parallel_loop3A_843] in [0] : vector<16xf32>, vector<16xi32> -> vector<16xf32>
      %parallel_loop3A_845 = arith.constant 0.000000e+00 : f32
      %parallel_loop3A_846 = vector.broadcast %parallel_loop3A_845 : f32 to vector<16xf32>
      %parallel_loop3A_847 = arith.select %eq3A_23, %parallel_loop3A_846, %parallel_loop3A_844 : vector<16xi1>, vector<16xf32>
      %parallel_loop3A_848 = arith.subf %parallel_loop3A_827, %parallel_loop3A_847 : vector<16xf32>
      tpu.vector_store_idx %arg7[%parallel_loop3A_802], %parallel_loop3A_848 masked %parallel_loop3A_828 {add = true} : memref<16384xf32, #tpu.memory_space<vmem>>[vector<16xi32>], vector<16xf32>, vector<16xi1>
      %parallel_loop3A_849 = arith.constant 0 : i32
      %parallel_loop3A_850 = vector.broadcast %parallel_loop3A_849 : i32 to vector<16xi32>
      %parallel_loop3A_851 = arith.cmpi slt, %broadcast_in_dim3A_19, %parallel_loop3A_850 : vector<16xi32>
      %parallel_loop3A_852 = arith.constant 16 : i32
      %parallel_loop3A_853 = vector.broadcast %parallel_loop3A_852 : i32 to vector<16xi32>
      %parallel_loop3A_854 = arith.addi %broadcast_in_dim3A_19, %parallel_loop3A_853 : vector<16xi32>
      %parallel_loop3A_855 = arith.select %parallel_loop3A_851, %parallel_loop3A_854, %broadcast_in_dim3A_19 : vector<16xi1>, vector<16xi32>
      %parallel_loop3A_856 = vector.shape_cast %parallel_loop3A_855 : vector<16xi32> to vector<16x1xi32>
      %parallel_loop3A_857 = vector.shape_cast %parallel_loop3A_856 : vector<16x1xi32> to vector<16xi32>
      %parallel_loop3A_858 = tpu.dynamic_gather %parallel_loop3A_827[%parallel_loop3A_857] in [0] : vector<16xf32>, vector<16xi32> -> vector<16xf32>
      %parallel_loop3A_859 = arith.constant 0 : i32
      %parallel_loop3A_860 = vector.broadcast %parallel_loop3A_859 : i32 to vector<16xi32>
      %parallel_loop3A_861 = arith.cmpi slt, %broadcast_in_dim3A_19, %parallel_loop3A_860 : vector<16xi32>
      %parallel_loop3A_862 = arith.constant 16 : i32
      %parallel_loop3A_863 = vector.broadcast %parallel_loop3A_862 : i32 to vector<16xi32>
      %parallel_loop3A_864 = arith.addi %broadcast_in_dim3A_19, %parallel_loop3A_863 : vector<16xi32>
      %parallel_loop3A_865 = arith.select %parallel_loop3A_861, %parallel_loop3A_864, %broadcast_in_dim3A_19 : vector<16xi1>, vector<16xi32>
      %parallel_loop3A_866 = vector.shape_cast %parallel_loop3A_865 : vector<16xi32> to vector<16x1xi32>
      %parallel_loop3A_867 = vector.shape_cast %parallel_loop3A_866 : vector<16x1xi32> to vector<16xi32>
      %parallel_loop3A_868 = tpu.dynamic_gather %parallel_loop3A_834[%parallel_loop3A_867] in [0] : vector<16xf32>, vector<16xi32> -> vector<16xf32>
      %parallel_loop3A_869 = arith.subf %parallel_loop3A_858, %parallel_loop3A_868 : vector<16xf32>
      scf.yield %parallel_loop3A_869 : vector<16xf32>
    } {sc.loop_unroll_factor = 1 : i64, sc.parallel_access}
    %get3A_553 = arith.constant 10224 : index
    %get3A_554 = tpu.vector_load %arg6[%get3A_553] {strides = array<i32>} : memref<20480xi32, #tpu.memory_space<vmem>>, vector<16xi32>,
    %lt3A_555 = arith.constant 0 : i32
    %lt3A_556 = vector.broadcast %lt3A_555 : i32 to vector<16xi32>
    %lt3A_557 = arith.cmpi slt, %min3A_17, %lt3A_556 : vector<16xi32>
    %add3A_558 = arith.constant 16 : i32
    %add3A_559 = vector.broadcast %add3A_558 : i32 to vector<16xi32>
    %add3A_560 = arith.addi %min3A_17, %add3A_559 : vector<16xi32>
    %select_n3A_561 = arith.select %lt3A_557, %add3A_560, %min3A_17 : vector<16xi1>, vector<16xi32>
    %broadcast_in_dim3A_562 = vector.shape_cast %select_n3A_561 : vector<16xi32> to vector<16x1xi32>
    %gather3A_563 = vector.shape_cast %broadcast_in_dim3A_562 : vector<16x1xi32> to vector<16xi32>
    %gather3A_564 = tpu.dynamic_gather %get3A_554[%gather3A_563] in [0] : vector<16xi32>, vector<16xi32> -> vector<16xi32>
    %get3A_565 = arith.constant 30448 : index
    %get3A_566 = tpu.vector_load %arg5[%get3A_565] {strides = array<i32>} : memref<61440xf32, #tpu.memory_space<vmem>>, vector<16xf32>,
    %get3A_567 = arith.constant 30576 : index
    %get3A_568 = tpu.vector_load %arg5[%get3A_567] {strides = array<i32>} : memref<61440xf32, #tpu.memory_space<vmem>>, vector<16xf32>,
    %get3A_569 = arith.constant 30704 : index
    %get3A_570 = tpu.vector_load %arg5[%get3A_569] {strides = array<i32>} : memref<61440xf32, #tpu.memory_space<vmem>>, vector<16xf32>,
    %mul3A_571 = arith.mulf %get3A_566, %get3A_566 : vector<16xf32>
    %mul3A_572 = arith.mulf %get3A_568, %get3A_568 : vector<16xf32>
    %add3A_573 = arith.addf %mul3A_571, %mul3A_572 : vector<16xf32>
    %mul3A_574 = arith.mulf %get3A_570, %get3A_570 : vector<16xf32>
    %add3A_575 = arith.addf %add3A_573, %mul3A_574 : vector<16xf32>
    %cumsum3A_576 = arith.constant true
    %cumsum3A_577 = vector.broadcast %cumsum3A_576 : i1 to vector<16xi1>
    %cumsum3A_578 = tpu.scan <sum>, %add3A_575 masked %cumsum3A_577 : vector<16xf32>, vector<16xi1> -> vector<16xf32>
    %add3A_579 = arith.addf %cumsum3A_578, %parallel_loop3A_552 : vector<16xf32>
    %ne3A_580 = arith.cmpi ne, %get3A_554, %gather3A_564 : vector<16xi32>
    %jit3A_581 = arith.constant 0.000000e+00 : f32
    %broadcast_in_dim3A_582 = vector.broadcast %jit3A_581 : f32 to vector<16xf32>
    %select_n3A_583 = arith.select %ne3A_580, %add3A_579, %broadcast_in_dim3A_582 : vector<16xi1>, vector<16xf32>
    %broadcast_in_dim3A_584 = arith.constant true
    %broadcast_in_dim3A_585 = vector.broadcast %broadcast_in_dim3A_584 : i1 to vector<16xi1>
    %masked_cummax3A_586 = tpu.scan <max>, %select_n3A_583 masked %broadcast_in_dim3A_585 : vector<16xf32>, vector<16xi1> -> vector<16xf32>
    %lt3A_587 = arith.constant 0 : i32
    %lt3A_588 = vector.broadcast %lt3A_587 : i32 to vector<16xi32>
    %lt3A_589 = arith.cmpi slt, %max3A_12, %lt3A_588 : vector<16xi32>
    %add3A_590 = arith.constant 16 : i32
    %add3A_591 = vector.broadcast %add3A_590 : i32 to vector<16xi32>
    %add3A_592 = arith.addi %max3A_12, %add3A_591 : vector<16xi32>
    %select_n3A_593 = arith.select %lt3A_589, %add3A_592, %max3A_12 : vector<16xi1>, vector<16xi32>
    %broadcast_in_dim3A_594 = vector.shape_cast %select_n3A_593 : vector<16xi32> to vector<16x1xi32>
    %gather3A_595 = vector.shape_cast %broadcast_in_dim3A_594 : vector<16x1xi32> to vector<16xi32>
    %gather3A_596 = tpu.dynamic_gather %masked_cummax3A_586[%gather3A_595] in [0] : vector<16xf32>, vector<16xi32> -> vector<16xf32>
    %jit3A_597 = arith.constant 0.000000e+00 : f32
    %broadcast_in_dim3A_598 = vector.broadcast %jit3A_597 : f32 to vector<16xf32>
    %select_n3A_599 = arith.select %eq3A_23, %broadcast_in_dim3A_598, %gather3A_596 : vector<16xi1>, vector<16xf32>
    %sub3A_600 = arith.subf %add3A_579, %select_n3A_599 : vector<16xf32>
    tpu.vector_store_idx %arg7[%get3A_554], %sub3A_600 masked %ne3A_580 {add = true} : memref<16384xf32, #tpu.memory_space<vmem>>[vector<16xi32>], vector<16xf32>, vector<16xi1>
    %lt3A_601 = arith.constant 0 : i32
    %lt3A_602 = vector.broadcast %lt3A_601 : i32 to vector<16xi32>
    %lt3A_603 = arith.cmpi slt, %broadcast_in_dim3A_19, %lt3A_602 : vector<16xi32>
    %add3A_604 = arith.constant 16 : i32
    %add3A_605 = vector.broadcast %add3A_604 : i32 to vector<16xi32>
    %add3A_606 = arith.addi %broadcast_in_dim3A_19, %add3A_605 : vector<16xi32>
    %select_n3A_607 = arith.select %lt3A_603, %add3A_606, %broadcast_in_dim3A_19 : vector<16xi1>, vector<16xi32>
    %broadcast_in_dim3A_608 = vector.shape_cast %select_n3A_607 : vector<16xi32> to vector<16x1xi32>
    %gather3A_609 = vector.shape_cast %broadcast_in_dim3A_608 : vector<16x1xi32> to vector<16xi32>
    %gather3A_610 = tpu.dynamic_gather %add3A_579[%gather3A_609] in [0] : vector<16xf32>, vector<16xi32> -> vector<16xf32>
    %lt3A_611 = arith.constant 0 : i32
    %lt3A_612 = vector.broadcast %lt3A_611 : i32 to vector<16xi32>
    %lt3A_613 = arith.cmpi slt, %broadcast_in_dim3A_19, %lt3A_612 : vector<16xi32>
    %add3A_614 = arith.constant 16 : i32
    %add3A_615 = vector.broadcast %add3A_614 : i32 to vector<16xi32>
    %add3A_616 = arith.addi %broadcast_in_dim3A_19, %add3A_615 : vector<16xi32>
    %select_n3A_617 = arith.select %lt3A_613, %add3A_616, %broadcast_in_dim3A_19 : vector<16xi1>, vector<16xi32>
    %broadcast_in_dim3A_618 = vector.shape_cast %select_n3A_617 : vector<16xi32> to vector<16x1xi32>
    %gather3A_619 = vector.shape_cast %broadcast_in_dim3A_618 : vector<16x1xi32> to vector<16xi32>
    %gather3A_620 = tpu.dynamic_gather %masked_cummax3A_586[%gather3A_619] in [0] : vector<16xf32>, vector<16xi32> -> vector<16xf32>
    %sub3A_621 = arith.subf %gather3A_610, %gather3A_620 : vector<16xf32>
    %lt3A_622 = arith.constant 0 : i32
    %lt3A_623 = vector.broadcast %lt3A_622 : i32 to vector<16xi32>
    %lt3A_624 = arith.cmpi slt, %broadcast_in_dim3A_19, %lt3A_623 : vector<16xi32>
    %add3A_625 = arith.constant 16 : i32
    %add3A_626 = vector.broadcast %add3A_625 : i32 to vector<16xi32>
    %add3A_627 = arith.addi %broadcast_in_dim3A_19, %add3A_626 : vector<16xi32>
    %select_n3A_628 = arith.select %lt3A_624, %add3A_627, %broadcast_in_dim3A_19 : vector<16xi1>, vector<16xi32>
    %broadcast_in_dim3A_629 = vector.shape_cast %select_n3A_628 : vector<16xi32> to vector<16x1xi32>
    %gather3A_630 = vector.shape_cast %broadcast_in_dim3A_629 : vector<16x1xi32> to vector<16xi32>
    %gather3A_631 = tpu.dynamic_gather %get3A_554[%gather3A_630] in [0] : vector<16xi32>, vector<16xi32> -> vector<16xi32>
    tpu.vector_store_idx %arg7[%gather3A_631], %sub3A_621 masked %eq3A_23 {add = true} : memref<16384xf32, #tpu.memory_space<vmem>>[vector<16xi32>], vector<16xf32>, vector<16xi1>
    %mul3A_632 = arith.constant 16384 : i32
    %mul3A_633 = arith.muli %arg1, %mul3A_632 : i32
    "tpu.region"() ({
      %run_scoped3A = tpu.sem_alloc : memref<!tpu.dma_semaphore, #tpu.memory_space<semaphore_mem>>
      %dma_start3A_788 = tpu.memref_slice %arg10[%mul3A_633] : memref<262144xf32, #tpu.memory_space<vmem_shared>> -> memref<16384xf32, #tpu.memory_space<vmem_shared>>
      %dma_start3A_789 = tpu.memref_slice %arg10[%mul3A_633] : memref<262144xf32, #tpu.memory_space<vmem_shared>> -> memref<16384xf32, #tpu.memory_space<vmem_shared>>
      tpu.enqueue_dma source(%arg7 : memref<16384xf32, #tpu.memory_space<vmem>>) target(%dma_start3A_789 : memref<16384xf32, #tpu.memory_space<vmem_shared>>) target_semaphore(%run_scoped3A : memref<!tpu.dma_semaphore, #tpu.memory_space<semaphore_mem>>)
      %dma_wait3A_790 = tpu.memref_slice %arg10[%mul3A_633] : memref<262144xf32, #tpu.memory_space<vmem_shared>> -> memref<16384xf32, #tpu.memory_space<vmem_shared>>
      %dma_wait3A_791 = tpu.memref_slice %arg10[%mul3A_633] : memref<262144xf32, #tpu.memory_space<vmem_shared>> -> memref<16384xf32, #tpu.memory_space<vmem_shared>>
      tpu.wait_dma2 semaphore(%run_scoped3A : memref<!tpu.dma_semaphore, #tpu.memory_space<semaphore_mem>>) src(%arg7 : memref<16384xf32, #tpu.memory_space<vmem>>) dst(%dma_wait3A_791 : memref<16384xf32, #tpu.memory_space<vmem_shared>>)
      tpu.yield
    }) : () -> ()
    %barrier3A = arith.constant 0 : index
    tpu.barrier barrier_id(%barrier3A)
    %mul3A_634 = arith.constant 1024 : i32
    %mul3A_635 = arith.muli %arg1, %mul3A_634 : i32
    "tpu.region"() ({
      %run_scoped3A = tpu.sem_alloc : memref<!tpu.dma_semaphore, #tpu.memory_space<semaphore_mem>>
      %dma_start3A_788 = tpu.memref_slice %arg10[%mul3A_635] : memref<262144xf32, #tpu.memory_space<vmem_shared>> -> memref<1024xf32, #tpu.memory_space<vmem_shared>>
      %dma_start3A_789 = tpu.memref_slice %arg10[%mul3A_635] : memref<262144xf32, #tpu.memory_space<vmem_shared>> -> memref<1024xf32, #tpu.memory_space<vmem_shared>>
      tpu.enqueue_dma source(%dma_start3A_789 : memref<1024xf32, #tpu.memory_space<vmem_shared>>) target(%arg8 : memref<1024xf32, #tpu.memory_space<vmem>>) target_semaphore(%run_scoped3A : memref<!tpu.dma_semaphore, #tpu.memory_space<semaphore_mem>>)
      %dma_wait3A_790 = tpu.memref_slice %arg10[%mul3A_635] : memref<262144xf32, #tpu.memory_space<vmem_shared>> -> memref<1024xf32, #tpu.memory_space<vmem_shared>>
      %dma_wait3A_791 = tpu.memref_slice %arg10[%mul3A_635] : memref<262144xf32, #tpu.memory_space<vmem_shared>> -> memref<1024xf32, #tpu.memory_space<vmem_shared>>
      tpu.wait_dma2 semaphore(%run_scoped3A : memref<!tpu.dma_semaphore, #tpu.memory_space<semaphore_mem>>) src(%dma_wait3A_791 : memref<1024xf32, #tpu.memory_space<vmem_shared>>) dst(%arg8 : memref<1024xf32, #tpu.memory_space<vmem>>)
      tpu.yield
    }) : () -> ()
    %mul3A_636 = arith.constant 1024 : i32
    %mul3A_637 = arith.muli %arg1, %mul3A_636 : i32
    %add3A_638 = arith.constant 16384 : i32
    %add3A_639 = arith.addi %add3A_638, %mul3A_637 : i32
    "tpu.region"() ({
      %run_scoped3A = tpu.sem_alloc : memref<!tpu.dma_semaphore, #tpu.memory_space<semaphore_mem>>
      %dma_start3A_788 = tpu.memref_slice %arg10[%add3A_639] : memref<262144xf32, #tpu.memory_space<vmem_shared>> -> memref<1024xf32, #tpu.memory_space<vmem_shared>>
      %dma_start3A_789 = tpu.memref_slice %arg10[%add3A_639] : memref<262144xf32, #tpu.memory_space<vmem_shared>> -> memref<1024xf32, #tpu.memory_space<vmem_shared>>
      tpu.enqueue_dma source(%dma_start3A_789 : memref<1024xf32, #tpu.memory_space<vmem_shared>>) target(%arg9 : memref<1024xf32, #tpu.memory_space<vmem>>) target_semaphore(%run_scoped3A : memref<!tpu.dma_semaphore, #tpu.memory_space<semaphore_mem>>)
      %dma_wait3A_790 = tpu.memref_slice %arg10[%add3A_639] : memref<262144xf32, #tpu.memory_space<vmem_shared>> -> memref<1024xf32, #tpu.memory_space<vmem_shared>>
      %dma_wait3A_791 = tpu.memref_slice %arg10[%add3A_639] : memref<262144xf32, #tpu.memory_space<vmem_shared>> -> memref<1024xf32, #tpu.memory_space<vmem_shared>>
      tpu.wait_dma2 semaphore(%run_scoped3A : memref<!tpu.dma_semaphore, #tpu.memory_space<semaphore_mem>>) src(%dma_wait3A_791 : memref<1024xf32, #tpu.memory_space<vmem_shared>>) dst(%arg9 : memref<1024xf32, #tpu.memory_space<vmem>>)
      tpu.yield
    }) : () -> ()
    %scan3A_640 = arith.constant 0 : i32
    %scan3A_641 = arith.constant 0 : i32
    %scan3A_642 = arith.constant 64 : i32
    %scan3A_643 = arith.addi %scan3A_641, %scan3A_642 : i32
    %scan3A_644 = arith.constant 1 : i32
    scf.for %scan3A_788 = %scan3A_641 to %scan3A_643 step %scan3A_644  : i32 {
      %mul3A_789 = arith.constant 16 : i32
      %mul3A_790 = arith.muli %scan3A_788, %mul3A_789 : i32
      %get3A_791 = arith.index_cast %mul3A_790 : i32 to index
      %get3A_792 = tpu.vector_load %arg8[%get3A_791] {strides = array<i32>} : memref<1024xf32, #tpu.memory_space<vmem>>, vector<16xf32>,
      %get3A_793 = arith.index_cast %mul3A_790 : i32 to index
      %get3A_794 = tpu.vector_load %arg9[%get3A_793] {strides = array<i32>} : memref<1024xf32, #tpu.memory_space<vmem>>, vector<16xf32>,
      %add3A_795 = arith.addf %get3A_792, %get3A_794 : vector<16xf32>
      %swap3A = arith.index_cast %mul3A_790 : i32 to index
      %swap3A_796 = tpu.vector_load %arg8[%swap3A] {strides = array<i32>} : memref<1024xf32, #tpu.memory_space<vmem>>, vector<16xf32>,
      tpu.vector_store %arg8[%swap3A], %add3A_795 {strides = array<i32>} : memref<1024xf32, #tpu.memory_space<vmem>>, vector<16xf32>,
    }
    %scan3A_645 = arith.constant 64 : i32
    %mul3A_646 = arith.constant 1024 : i32
    %mul3A_647 = arith.muli %arg1, %mul3A_646 : i32
    %add3A_648 = arith.constant 32768 : i32
    %add3A_649 = arith.addi %add3A_648, %mul3A_647 : i32
    "tpu.region"() ({
      %run_scoped3A = tpu.sem_alloc : memref<!tpu.dma_semaphore, #tpu.memory_space<semaphore_mem>>
      %dma_start3A_788 = tpu.memref_slice %arg10[%add3A_649] : memref<262144xf32, #tpu.memory_space<vmem_shared>> -> memref<1024xf32, #tpu.memory_space<vmem_shared>>
      %dma_start3A_789 = tpu.memref_slice %arg10[%add3A_649] : memref<262144xf32, #tpu.memory_space<vmem_shared>> -> memref<1024xf32, #tpu.memory_space<vmem_shared>>
      tpu.enqueue_dma source(%dma_start3A_789 : memref<1024xf32, #tpu.memory_space<vmem_shared>>) target(%arg9 : memref<1024xf32, #tpu.memory_space<vmem>>) target_semaphore(%run_scoped3A : memref<!tpu.dma_semaphore, #tpu.memory_space<semaphore_mem>>)
      %dma_wait3A_790 = tpu.memref_slice %arg10[%add3A_649] : memref<262144xf32, #tpu.memory_space<vmem_shared>> -> memref<1024xf32, #tpu.memory_space<vmem_shared>>
      %dma_wait3A_791 = tpu.memref_slice %arg10[%add3A_649] : memref<262144xf32, #tpu.memory_space<vmem_shared>> -> memref<1024xf32, #tpu.memory_space<vmem_shared>>
      tpu.wait_dma2 semaphore(%run_scoped3A : memref<!tpu.dma_semaphore, #tpu.memory_space<semaphore_mem>>) src(%dma_wait3A_791 : memref<1024xf32, #tpu.memory_space<vmem_shared>>) dst(%arg9 : memref<1024xf32, #tpu.memory_space<vmem>>)
      tpu.yield
    }) : () -> ()
    %scan3A_650 = arith.constant 0 : i32
    %scan3A_651 = arith.constant 0 : i32
    %scan3A_652 = arith.constant 64 : i32
    %scan3A_653 = arith.addi %scan3A_651, %scan3A_652 : i32
    %scan3A_654 = arith.constant 1 : i32
    scf.for %scan3A_788 = %scan3A_651 to %scan3A_653 step %scan3A_654  : i32 {
      %mul3A_789 = arith.constant 16 : i32
      %mul3A_790 = arith.muli %scan3A_788, %mul3A_789 : i32
      %get3A_791 = arith.index_cast %mul3A_790 : i32 to index
      %get3A_792 = tpu.vector_load %arg8[%get3A_791] {strides = array<i32>} : memref<1024xf32, #tpu.memory_space<vmem>>, vector<16xf32>,
      %get3A_793 = arith.index_cast %mul3A_790 : i32 to index
      %get3A_794 = tpu.vector_load %arg9[%get3A_793] {strides = array<i32>} : memref<1024xf32, #tpu.memory_space<vmem>>, vector<16xf32>,
      %add3A_795 = arith.addf %get3A_792, %get3A_794 : vector<16xf32>
      %swap3A = arith.index_cast %mul3A_790 : i32 to index
      %swap3A_796 = tpu.vector_load %arg8[%swap3A] {strides = array<i32>} : memref<1024xf32, #tpu.memory_space<vmem>>, vector<16xf32>,
      tpu.vector_store %arg8[%swap3A], %add3A_795 {strides = array<i32>} : memref<1024xf32, #tpu.memory_space<vmem>>, vector<16xf32>,
    }
    %scan3A_655 = arith.constant 64 : i32
    %mul3A_656 = arith.constant 1024 : i32
    %mul3A_657 = arith.muli %arg1, %mul3A_656 : i32
    %add3A_658 = arith.constant 49152 : i32
    %add3A_659 = arith.addi %add3A_658, %mul3A_657 : i32
    "tpu.region"() ({
      %run_scoped3A = tpu.sem_alloc : memref<!tpu.dma_semaphore, #tpu.memory_space<semaphore_mem>>
      %dma_start3A_788 = tpu.memref_slice %arg10[%add3A_659] : memref<262144xf32, #tpu.memory_space<vmem_shared>> -> memref<1024xf32, #tpu.memory_space<vmem_shared>>
      %dma_start3A_789 = tpu.memref_slice %arg10[%add3A_659] : memref<262144xf32, #tpu.memory_space<vmem_shared>> -> memref<1024xf32, #tpu.memory_space<vmem_shared>>
      tpu.enqueue_dma source(%dma_start3A_789 : memref<1024xf32, #tpu.memory_space<vmem_shared>>) target(%arg9 : memref<1024xf32, #tpu.memory_space<vmem>>) target_semaphore(%run_scoped3A : memref<!tpu.dma_semaphore, #tpu.memory_space<semaphore_mem>>)
      %dma_wait3A_790 = tpu.memref_slice %arg10[%add3A_659] : memref<262144xf32, #tpu.memory_space<vmem_shared>> -> memref<1024xf32, #tpu.memory_space<vmem_shared>>
      %dma_wait3A_791 = tpu.memref_slice %arg10[%add3A_659] : memref<262144xf32, #tpu.memory_space<vmem_shared>> -> memref<1024xf32, #tpu.memory_space<vmem_shared>>
      tpu.wait_dma2 semaphore(%run_scoped3A : memref<!tpu.dma_semaphore, #tpu.memory_space<semaphore_mem>>) src(%dma_wait3A_791 : memref<1024xf32, #tpu.memory_space<vmem_shared>>) dst(%arg9 : memref<1024xf32, #tpu.memory_space<vmem>>)
      tpu.yield
    }) : () -> ()
    %scan3A_660 = arith.constant 0 : i32
    %scan3A_661 = arith.constant 0 : i32
    %scan3A_662 = arith.constant 64 : i32
    %scan3A_663 = arith.addi %scan3A_661, %scan3A_662 : i32
    %scan3A_664 = arith.constant 1 : i32
    scf.for %scan3A_788 = %scan3A_661 to %scan3A_663 step %scan3A_664  : i32 {
      %mul3A_789 = arith.constant 16 : i32
      %mul3A_790 = arith.muli %scan3A_788, %mul3A_789 : i32
      %get3A_791 = arith.index_cast %mul3A_790 : i32 to index
      %get3A_792 = tpu.vector_load %arg8[%get3A_791] {strides = array<i32>} : memref<1024xf32, #tpu.memory_space<vmem>>, vector<16xf32>,
      %get3A_793 = arith.index_cast %mul3A_790 : i32 to index
      %get3A_794 = tpu.vector_load %arg9[%get3A_793] {strides = array<i32>} : memref<1024xf32, #tpu.memory_space<vmem>>, vector<16xf32>,
      %add3A_795 = arith.addf %get3A_792, %get3A_794 : vector<16xf32>
      %swap3A = arith.index_cast %mul3A_790 : i32 to index
      %swap3A_796 = tpu.vector_load %arg8[%swap3A] {strides = array<i32>} : memref<1024xf32, #tpu.memory_space<vmem>>, vector<16xf32>,
      tpu.vector_store %arg8[%swap3A], %add3A_795 {strides = array<i32>} : memref<1024xf32, #tpu.memory_space<vmem>>, vector<16xf32>,
    }
    %scan3A_665 = arith.constant 64 : i32
    %mul3A_666 = arith.constant 1024 : i32
    %mul3A_667 = arith.muli %arg1, %mul3A_666 : i32
    %add3A_668 = arith.constant 65536 : i32
    %add3A_669 = arith.addi %add3A_668, %mul3A_667 : i32
    "tpu.region"() ({
      %run_scoped3A = tpu.sem_alloc : memref<!tpu.dma_semaphore, #tpu.memory_space<semaphore_mem>>
      %dma_start3A_788 = tpu.memref_slice %arg10[%add3A_669] : memref<262144xf32, #tpu.memory_space<vmem_shared>> -> memref<1024xf32, #tpu.memory_space<vmem_shared>>
      %dma_start3A_789 = tpu.memref_slice %arg10[%add3A_669] : memref<262144xf32, #tpu.memory_space<vmem_shared>> -> memref<1024xf32, #tpu.memory_space<vmem_shared>>
      tpu.enqueue_dma source(%dma_start3A_789 : memref<1024xf32, #tpu.memory_space<vmem_shared>>) target(%arg9 : memref<1024xf32, #tpu.memory_space<vmem>>) target_semaphore(%run_scoped3A : memref<!tpu.dma_semaphore, #tpu.memory_space<semaphore_mem>>)
      %dma_wait3A_790 = tpu.memref_slice %arg10[%add3A_669] : memref<262144xf32, #tpu.memory_space<vmem_shared>> -> memref<1024xf32, #tpu.memory_space<vmem_shared>>
      %dma_wait3A_791 = tpu.memref_slice %arg10[%add3A_669] : memref<262144xf32, #tpu.memory_space<vmem_shared>> -> memref<1024xf32, #tpu.memory_space<vmem_shared>>
      tpu.wait_dma2 semaphore(%run_scoped3A : memref<!tpu.dma_semaphore, #tpu.memory_space<semaphore_mem>>) src(%dma_wait3A_791 : memref<1024xf32, #tpu.memory_space<vmem_shared>>) dst(%arg9 : memref<1024xf32, #tpu.memory_space<vmem>>)
      tpu.yield
    }) : () -> ()
    %scan3A_670 = arith.constant 0 : i32
    %scan3A_671 = arith.constant 0 : i32
    %scan3A_672 = arith.constant 64 : i32
    %scan3A_673 = arith.addi %scan3A_671, %scan3A_672 : i32
    %scan3A_674 = arith.constant 1 : i32
    scf.for %scan3A_788 = %scan3A_671 to %scan3A_673 step %scan3A_674  : i32 {
      %mul3A_789 = arith.constant 16 : i32
      %mul3A_790 = arith.muli %scan3A_788, %mul3A_789 : i32
      %get3A_791 = arith.index_cast %mul3A_790 : i32 to index
      %get3A_792 = tpu.vector_load %arg8[%get3A_791] {strides = array<i32>} : memref<1024xf32, #tpu.memory_space<vmem>>, vector<16xf32>,
      %get3A_793 = arith.index_cast %mul3A_790 : i32 to index
      %get3A_794 = tpu.vector_load %arg9[%get3A_793] {strides = array<i32>} : memref<1024xf32, #tpu.memory_space<vmem>>, vector<16xf32>,
      %add3A_795 = arith.addf %get3A_792, %get3A_794 : vector<16xf32>
      %swap3A = arith.index_cast %mul3A_790 : i32 to index
      %swap3A_796 = tpu.vector_load %arg8[%swap3A] {strides = array<i32>} : memref<1024xf32, #tpu.memory_space<vmem>>, vector<16xf32>,
      tpu.vector_store %arg8[%swap3A], %add3A_795 {strides = array<i32>} : memref<1024xf32, #tpu.memory_space<vmem>>, vector<16xf32>,
    }
    %scan3A_675 = arith.constant 64 : i32
    %mul3A_676 = arith.constant 1024 : i32
    %mul3A_677 = arith.muli %arg1, %mul3A_676 : i32
    %add3A_678 = arith.constant 81920 : i32
    %add3A_679 = arith.addi %add3A_678, %mul3A_677 : i32
    "tpu.region"() ({
      %run_scoped3A = tpu.sem_alloc : memref<!tpu.dma_semaphore, #tpu.memory_space<semaphore_mem>>
      %dma_start3A_788 = tpu.memref_slice %arg10[%add3A_679] : memref<262144xf32, #tpu.memory_space<vmem_shared>> -> memref<1024xf32, #tpu.memory_space<vmem_shared>>
      %dma_start3A_789 = tpu.memref_slice %arg10[%add3A_679] : memref<262144xf32, #tpu.memory_space<vmem_shared>> -> memref<1024xf32, #tpu.memory_space<vmem_shared>>
      tpu.enqueue_dma source(%dma_start3A_789 : memref<1024xf32, #tpu.memory_space<vmem_shared>>) target(%arg9 : memref<1024xf32, #tpu.memory_space<vmem>>) target_semaphore(%run_scoped3A : memref<!tpu.dma_semaphore, #tpu.memory_space<semaphore_mem>>)
      %dma_wait3A_790 = tpu.memref_slice %arg10[%add3A_679] : memref<262144xf32, #tpu.memory_space<vmem_shared>> -> memref<1024xf32, #tpu.memory_space<vmem_shared>>
      %dma_wait3A_791 = tpu.memref_slice %arg10[%add3A_679] : memref<262144xf32, #tpu.memory_space<vmem_shared>> -> memref<1024xf32, #tpu.memory_space<vmem_shared>>
      tpu.wait_dma2 semaphore(%run_scoped3A : memref<!tpu.dma_semaphore, #tpu.memory_space<semaphore_mem>>) src(%dma_wait3A_791 : memref<1024xf32, #tpu.memory_space<vmem_shared>>) dst(%arg9 : memref<1024xf32, #tpu.memory_space<vmem>>)
      tpu.yield
    }) : () -> ()
    %scan3A_680 = arith.constant 0 : i32
    %scan3A_681 = arith.constant 0 : i32
    %scan3A_682 = arith.constant 64 : i32
    %scan3A_683 = arith.addi %scan3A_681, %scan3A_682 : i32
    %scan3A_684 = arith.constant 1 : i32
    scf.for %scan3A_788 = %scan3A_681 to %scan3A_683 step %scan3A_684  : i32 {
      %mul3A_789 = arith.constant 16 : i32
      %mul3A_790 = arith.muli %scan3A_788, %mul3A_789 : i32
      %get3A_791 = arith.index_cast %mul3A_790 : i32 to index
      %get3A_792 = tpu.vector_load %arg8[%get3A_791] {strides = array<i32>} : memref<1024xf32, #tpu.memory_space<vmem>>, vector<16xf32>,
      %get3A_793 = arith.index_cast %mul3A_790 : i32 to index
      %get3A_794 = tpu.vector_load %arg9[%get3A_793] {strides = array<i32>} : memref<1024xf32, #tpu.memory_space<vmem>>, vector<16xf32>,
      %add3A_795 = arith.addf %get3A_792, %get3A_794 : vector<16xf32>
      %swap3A = arith.index_cast %mul3A_790 : i32 to index
      %swap3A_796 = tpu.vector_load %arg8[%swap3A] {strides = array<i32>} : memref<1024xf32, #tpu.memory_space<vmem>>, vector<16xf32>,
      tpu.vector_store %arg8[%swap3A], %add3A_795 {strides = array<i32>} : memref<1024xf32, #tpu.memory_space<vmem>>, vector<16xf32>,
    }
    %scan3A_685 = arith.constant 64 : i32
    %mul3A_686 = arith.constant 1024 : i32
    %mul3A_687 = arith.muli %arg1, %mul3A_686 : i32
    %add3A_688 = arith.constant 98304 : i32
    %add3A_689 = arith.addi %add3A_688, %mul3A_687 : i32
    "tpu.region"() ({
      %run_scoped3A = tpu.sem_alloc : memref<!tpu.dma_semaphore, #tpu.memory_space<semaphore_mem>>
      %dma_start3A_788 = tpu.memref_slice %arg10[%add3A_689] : memref<262144xf32, #tpu.memory_space<vmem_shared>> -> memref<1024xf32, #tpu.memory_space<vmem_shared>>
      %dma_start3A_789 = tpu.memref_slice %arg10[%add3A_689] : memref<262144xf32, #tpu.memory_space<vmem_shared>> -> memref<1024xf32, #tpu.memory_space<vmem_shared>>
      tpu.enqueue_dma source(%dma_start3A_789 : memref<1024xf32, #tpu.memory_space<vmem_shared>>) target(%arg9 : memref<1024xf32, #tpu.memory_space<vmem>>) target_semaphore(%run_scoped3A : memref<!tpu.dma_semaphore, #tpu.memory_space<semaphore_mem>>)
      %dma_wait3A_790 = tpu.memref_slice %arg10[%add3A_689] : memref<262144xf32, #tpu.memory_space<vmem_shared>> -> memref<1024xf32, #tpu.memory_space<vmem_shared>>
      %dma_wait3A_791 = tpu.memref_slice %arg10[%add3A_689] : memref<262144xf32, #tpu.memory_space<vmem_shared>> -> memref<1024xf32, #tpu.memory_space<vmem_shared>>
      tpu.wait_dma2 semaphore(%run_scoped3A : memref<!tpu.dma_semaphore, #tpu.memory_space<semaphore_mem>>) src(%dma_wait3A_791 : memref<1024xf32, #tpu.memory_space<vmem_shared>>) dst(%arg9 : memref<1024xf32, #tpu.memory_space<vmem>>)
      tpu.yield
    }) : () -> ()
    %scan3A_690 = arith.constant 0 : i32
    %scan3A_691 = arith.constant 0 : i32
    %scan3A_692 = arith.constant 64 : i32
    %scan3A_693 = arith.addi %scan3A_691, %scan3A_692 : i32
    %scan3A_694 = arith.constant 1 : i32
    scf.for %scan3A_788 = %scan3A_691 to %scan3A_693 step %scan3A_694  : i32 {
      %mul3A_789 = arith.constant 16 : i32
      %mul3A_790 = arith.muli %scan3A_788, %mul3A_789 : i32
      %get3A_791 = arith.index_cast %mul3A_790 : i32 to index
      %get3A_792 = tpu.vector_load %arg8[%get3A_791] {strides = array<i32>} : memref<1024xf32, #tpu.memory_space<vmem>>, vector<16xf32>,
      %get3A_793 = arith.index_cast %mul3A_790 : i32 to index
      %get3A_794 = tpu.vector_load %arg9[%get3A_793] {strides = array<i32>} : memref<1024xf32, #tpu.memory_space<vmem>>, vector<16xf32>,
      %add3A_795 = arith.addf %get3A_792, %get3A_794 : vector<16xf32>
      %swap3A = arith.index_cast %mul3A_790 : i32 to index
      %swap3A_796 = tpu.vector_load %arg8[%swap3A] {strides = array<i32>} : memref<1024xf32, #tpu.memory_space<vmem>>, vector<16xf32>,
      tpu.vector_store %arg8[%swap3A], %add3A_795 {strides = array<i32>} : memref<1024xf32, #tpu.memory_space<vmem>>, vector<16xf32>,
    }
    %scan3A_695 = arith.constant 64 : i32
    %mul3A_696 = arith.constant 1024 : i32
    %mul3A_697 = arith.muli %arg1, %mul3A_696 : i32
    %add3A_698 = arith.constant 114688 : i32
    %add3A_699 = arith.addi %add3A_698, %mul3A_697 : i32
    "tpu.region"() ({
      %run_scoped3A = tpu.sem_alloc : memref<!tpu.dma_semaphore, #tpu.memory_space<semaphore_mem>>
      %dma_start3A_788 = tpu.memref_slice %arg10[%add3A_699] : memref<262144xf32, #tpu.memory_space<vmem_shared>> -> memref<1024xf32, #tpu.memory_space<vmem_shared>>
      %dma_start3A_789 = tpu.memref_slice %arg10[%add3A_699] : memref<262144xf32, #tpu.memory_space<vmem_shared>> -> memref<1024xf32, #tpu.memory_space<vmem_shared>>
      tpu.enqueue_dma source(%dma_start3A_789 : memref<1024xf32, #tpu.memory_space<vmem_shared>>) target(%arg9 : memref<1024xf32, #tpu.memory_space<vmem>>) target_semaphore(%run_scoped3A : memref<!tpu.dma_semaphore, #tpu.memory_space<semaphore_mem>>)
      %dma_wait3A_790 = tpu.memref_slice %arg10[%add3A_699] : memref<262144xf32, #tpu.memory_space<vmem_shared>> -> memref<1024xf32, #tpu.memory_space<vmem_shared>>
      %dma_wait3A_791 = tpu.memref_slice %arg10[%add3A_699] : memref<262144xf32, #tpu.memory_space<vmem_shared>> -> memref<1024xf32, #tpu.memory_space<vmem_shared>>
      tpu.wait_dma2 semaphore(%run_scoped3A : memref<!tpu.dma_semaphore, #tpu.memory_space<semaphore_mem>>) src(%dma_wait3A_791 : memref<1024xf32, #tpu.memory_space<vmem_shared>>) dst(%arg9 : memref<1024xf32, #tpu.memory_space<vmem>>)
      tpu.yield
    }) : () -> ()
    %scan3A_700 = arith.constant 0 : i32
    %scan3A_701 = arith.constant 0 : i32
    %scan3A_702 = arith.constant 64 : i32
    %scan3A_703 = arith.addi %scan3A_701, %scan3A_702 : i32
    %scan3A_704 = arith.constant 1 : i32
    scf.for %scan3A_788 = %scan3A_701 to %scan3A_703 step %scan3A_704  : i32 {
      %mul3A_789 = arith.constant 16 : i32
      %mul3A_790 = arith.muli %scan3A_788, %mul3A_789 : i32
      %get3A_791 = arith.index_cast %mul3A_790 : i32 to index
      %get3A_792 = tpu.vector_load %arg8[%get3A_791] {strides = array<i32>} : memref<1024xf32, #tpu.memory_space<vmem>>, vector<16xf32>,
      %get3A_793 = arith.index_cast %mul3A_790 : i32 to index
      %get3A_794 = tpu.vector_load %arg9[%get3A_793] {strides = array<i32>} : memref<1024xf32, #tpu.memory_space<vmem>>, vector<16xf32>,
      %add3A_795 = arith.addf %get3A_792, %get3A_794 : vector<16xf32>
      %swap3A = arith.index_cast %mul3A_790 : i32 to index
      %swap3A_796 = tpu.vector_load %arg8[%swap3A] {strides = array<i32>} : memref<1024xf32, #tpu.memory_space<vmem>>, vector<16xf32>,
      tpu.vector_store %arg8[%swap3A], %add3A_795 {strides = array<i32>} : memref<1024xf32, #tpu.memory_space<vmem>>, vector<16xf32>,
    }
    %scan3A_705 = arith.constant 64 : i32
    %mul3A_706 = arith.constant 1024 : i32
    %mul3A_707 = arith.muli %arg1, %mul3A_706 : i32
    %add3A_708 = arith.constant 131072 : i32
    %add3A_709 = arith.addi %add3A_708, %mul3A_707 : i32
    "tpu.region"() ({
      %run_scoped3A = tpu.sem_alloc : memref<!tpu.dma_semaphore, #tpu.memory_space<semaphore_mem>>
      %dma_start3A_788 = tpu.memref_slice %arg10[%add3A_709] : memref<262144xf32, #tpu.memory_space<vmem_shared>> -> memref<1024xf32, #tpu.memory_space<vmem_shared>>
      %dma_start3A_789 = tpu.memref_slice %arg10[%add3A_709] : memref<262144xf32, #tpu.memory_space<vmem_shared>> -> memref<1024xf32, #tpu.memory_space<vmem_shared>>
      tpu.enqueue_dma source(%dma_start3A_789 : memref<1024xf32, #tpu.memory_space<vmem_shared>>) target(%arg9 : memref<1024xf32, #tpu.memory_space<vmem>>) target_semaphore(%run_scoped3A : memref<!tpu.dma_semaphore, #tpu.memory_space<semaphore_mem>>)
      %dma_wait3A_790 = tpu.memref_slice %arg10[%add3A_709] : memref<262144xf32, #tpu.memory_space<vmem_shared>> -> memref<1024xf32, #tpu.memory_space<vmem_shared>>
      %dma_wait3A_791 = tpu.memref_slice %arg10[%add3A_709] : memref<262144xf32, #tpu.memory_space<vmem_shared>> -> memref<1024xf32, #tpu.memory_space<vmem_shared>>
      tpu.wait_dma2 semaphore(%run_scoped3A : memref<!tpu.dma_semaphore, #tpu.memory_space<semaphore_mem>>) src(%dma_wait3A_791 : memref<1024xf32, #tpu.memory_space<vmem_shared>>) dst(%arg9 : memref<1024xf32, #tpu.memory_space<vmem>>)
      tpu.yield
    }) : () -> ()
    %scan3A_710 = arith.constant 0 : i32
    %scan3A_711 = arith.constant 0 : i32
    %scan3A_712 = arith.constant 64 : i32
    %scan3A_713 = arith.addi %scan3A_711, %scan3A_712 : i32
    %scan3A_714 = arith.constant 1 : i32
    scf.for %scan3A_788 = %scan3A_711 to %scan3A_713 step %scan3A_714  : i32 {
      %mul3A_789 = arith.constant 16 : i32
      %mul3A_790 = arith.muli %scan3A_788, %mul3A_789 : i32
      %get3A_791 = arith.index_cast %mul3A_790 : i32 to index
      %get3A_792 = tpu.vector_load %arg8[%get3A_791] {strides = array<i32>} : memref<1024xf32, #tpu.memory_space<vmem>>, vector<16xf32>,
      %get3A_793 = arith.index_cast %mul3A_790 : i32 to index
      %get3A_794 = tpu.vector_load %arg9[%get3A_793] {strides = array<i32>} : memref<1024xf32, #tpu.memory_space<vmem>>, vector<16xf32>,
      %add3A_795 = arith.addf %get3A_792, %get3A_794 : vector<16xf32>
      %swap3A = arith.index_cast %mul3A_790 : i32 to index
      %swap3A_796 = tpu.vector_load %arg8[%swap3A] {strides = array<i32>} : memref<1024xf32, #tpu.memory_space<vmem>>, vector<16xf32>,
      tpu.vector_store %arg8[%swap3A], %add3A_795 {strides = array<i32>} : memref<1024xf32, #tpu.memory_space<vmem>>, vector<16xf32>,
    }
    %scan3A_715 = arith.constant 64 : i32
    %mul3A_716 = arith.constant 1024 : i32
    %mul3A_717 = arith.muli %arg1, %mul3A_716 : i32
    %add3A_718 = arith.constant 147456 : i32
    %add3A_719 = arith.addi %add3A_718, %mul3A_717 : i32
    "tpu.region"() ({
      %run_scoped3A = tpu.sem_alloc : memref<!tpu.dma_semaphore, #tpu.memory_space<semaphore_mem>>
      %dma_start3A_788 = tpu.memref_slice %arg10[%add3A_719] : memref<262144xf32, #tpu.memory_space<vmem_shared>> -> memref<1024xf32, #tpu.memory_space<vmem_shared>>
      %dma_start3A_789 = tpu.memref_slice %arg10[%add3A_719] : memref<262144xf32, #tpu.memory_space<vmem_shared>> -> memref<1024xf32, #tpu.memory_space<vmem_shared>>
      tpu.enqueue_dma source(%dma_start3A_789 : memref<1024xf32, #tpu.memory_space<vmem_shared>>) target(%arg9 : memref<1024xf32, #tpu.memory_space<vmem>>) target_semaphore(%run_scoped3A : memref<!tpu.dma_semaphore, #tpu.memory_space<semaphore_mem>>)
      %dma_wait3A_790 = tpu.memref_slice %arg10[%add3A_719] : memref<262144xf32, #tpu.memory_space<vmem_shared>> -> memref<1024xf32, #tpu.memory_space<vmem_shared>>
      %dma_wait3A_791 = tpu.memref_slice %arg10[%add3A_719] : memref<262144xf32, #tpu.memory_space<vmem_shared>> -> memref<1024xf32, #tpu.memory_space<vmem_shared>>
      tpu.wait_dma2 semaphore(%run_scoped3A : memref<!tpu.dma_semaphore, #tpu.memory_space<semaphore_mem>>) src(%dma_wait3A_791 : memref<1024xf32, #tpu.memory_space<vmem_shared>>) dst(%arg9 : memref<1024xf32, #tpu.memory_space<vmem>>)
      tpu.yield
    }) : () -> ()
    %scan3A_720 = arith.constant 0 : i32
    %scan3A_721 = arith.constant 0 : i32
    %scan3A_722 = arith.constant 64 : i32
    %scan3A_723 = arith.addi %scan3A_721, %scan3A_722 : i32
    %scan3A_724 = arith.constant 1 : i32
    scf.for %scan3A_788 = %scan3A_721 to %scan3A_723 step %scan3A_724  : i32 {
      %mul3A_789 = arith.constant 16 : i32
      %mul3A_790 = arith.muli %scan3A_788, %mul3A_789 : i32
      %get3A_791 = arith.index_cast %mul3A_790 : i32 to index
      %get3A_792 = tpu.vector_load %arg8[%get3A_791] {strides = array<i32>} : memref<1024xf32, #tpu.memory_space<vmem>>, vector<16xf32>,
      %get3A_793 = arith.index_cast %mul3A_790 : i32 to index
      %get3A_794 = tpu.vector_load %arg9[%get3A_793] {strides = array<i32>} : memref<1024xf32, #tpu.memory_space<vmem>>, vector<16xf32>,
      %add3A_795 = arith.addf %get3A_792, %get3A_794 : vector<16xf32>
      %swap3A = arith.index_cast %mul3A_790 : i32 to index
      %swap3A_796 = tpu.vector_load %arg8[%swap3A] {strides = array<i32>} : memref<1024xf32, #tpu.memory_space<vmem>>, vector<16xf32>,
      tpu.vector_store %arg8[%swap3A], %add3A_795 {strides = array<i32>} : memref<1024xf32, #tpu.memory_space<vmem>>, vector<16xf32>,
    }
    %scan3A_725 = arith.constant 64 : i32
    %mul3A_726 = arith.constant 1024 : i32
    %mul3A_727 = arith.muli %arg1, %mul3A_726 : i32
    %add3A_728 = arith.constant 163840 : i32
    %add3A_729 = arith.addi %add3A_728, %mul3A_727 : i32
    "tpu.region"() ({
      %run_scoped3A = tpu.sem_alloc : memref<!tpu.dma_semaphore, #tpu.memory_space<semaphore_mem>>
      %dma_start3A_788 = tpu.memref_slice %arg10[%add3A_729] : memref<262144xf32, #tpu.memory_space<vmem_shared>> -> memref<1024xf32, #tpu.memory_space<vmem_shared>>
      %dma_start3A_789 = tpu.memref_slice %arg10[%add3A_729] : memref<262144xf32, #tpu.memory_space<vmem_shared>> -> memref<1024xf32, #tpu.memory_space<vmem_shared>>
      tpu.enqueue_dma source(%dma_start3A_789 : memref<1024xf32, #tpu.memory_space<vmem_shared>>) target(%arg9 : memref<1024xf32, #tpu.memory_space<vmem>>) target_semaphore(%run_scoped3A : memref<!tpu.dma_semaphore, #tpu.memory_space<semaphore_mem>>)
      %dma_wait3A_790 = tpu.memref_slice %arg10[%add3A_729] : memref<262144xf32, #tpu.memory_space<vmem_shared>> -> memref<1024xf32, #tpu.memory_space<vmem_shared>>
      %dma_wait3A_791 = tpu.memref_slice %arg10[%add3A_729] : memref<262144xf32, #tpu.memory_space<vmem_shared>> -> memref<1024xf32, #tpu.memory_space<vmem_shared>>
      tpu.wait_dma2 semaphore(%run_scoped3A : memref<!tpu.dma_semaphore, #tpu.memory_space<semaphore_mem>>) src(%dma_wait3A_791 : memref<1024xf32, #tpu.memory_space<vmem_shared>>) dst(%arg9 : memref<1024xf32, #tpu.memory_space<vmem>>)
      tpu.yield
    }) : () -> ()
    %scan3A_730 = arith.constant 0 : i32
    %scan3A_731 = arith.constant 0 : i32
    %scan3A_732 = arith.constant 64 : i32
    %scan3A_733 = arith.addi %scan3A_731, %scan3A_732 : i32
    %scan3A_734 = arith.constant 1 : i32
    scf.for %scan3A_788 = %scan3A_731 to %scan3A_733 step %scan3A_734  : i32 {
      %mul3A_789 = arith.constant 16 : i32
      %mul3A_790 = arith.muli %scan3A_788, %mul3A_789 : i32
      %get3A_791 = arith.index_cast %mul3A_790 : i32 to index
      %get3A_792 = tpu.vector_load %arg8[%get3A_791] {strides = array<i32>} : memref<1024xf32, #tpu.memory_space<vmem>>, vector<16xf32>,
      %get3A_793 = arith.index_cast %mul3A_790 : i32 to index
      %get3A_794 = tpu.vector_load %arg9[%get3A_793] {strides = array<i32>} : memref<1024xf32, #tpu.memory_space<vmem>>, vector<16xf32>,
      %add3A_795 = arith.addf %get3A_792, %get3A_794 : vector<16xf32>
      %swap3A = arith.index_cast %mul3A_790 : i32 to index
      %swap3A_796 = tpu.vector_load %arg8[%swap3A] {strides = array<i32>} : memref<1024xf32, #tpu.memory_space<vmem>>, vector<16xf32>,
      tpu.vector_store %arg8[%swap3A], %add3A_795 {strides = array<i32>} : memref<1024xf32, #tpu.memory_space<vmem>>, vector<16xf32>,
    }
    %scan3A_735 = arith.constant 64 : i32
    %mul3A_736 = arith.constant 1024 : i32
    %mul3A_737 = arith.muli %arg1, %mul3A_736 : i32
    %add3A_738 = arith.constant 180224 : i32
    %add3A_739 = arith.addi %add3A_738, %mul3A_737 : i32
    "tpu.region"() ({
      %run_scoped3A = tpu.sem_alloc : memref<!tpu.dma_semaphore, #tpu.memory_space<semaphore_mem>>
      %dma_start3A_788 = tpu.memref_slice %arg10[%add3A_739] : memref<262144xf32, #tpu.memory_space<vmem_shared>> -> memref<1024xf32, #tpu.memory_space<vmem_shared>>
      %dma_start3A_789 = tpu.memref_slice %arg10[%add3A_739] : memref<262144xf32, #tpu.memory_space<vmem_shared>> -> memref<1024xf32, #tpu.memory_space<vmem_shared>>
      tpu.enqueue_dma source(%dma_start3A_789 : memref<1024xf32, #tpu.memory_space<vmem_shared>>) target(%arg9 : memref<1024xf32, #tpu.memory_space<vmem>>) target_semaphore(%run_scoped3A : memref<!tpu.dma_semaphore, #tpu.memory_space<semaphore_mem>>)
      %dma_wait3A_790 = tpu.memref_slice %arg10[%add3A_739] : memref<262144xf32, #tpu.memory_space<vmem_shared>> -> memref<1024xf32, #tpu.memory_space<vmem_shared>>
      %dma_wait3A_791 = tpu.memref_slice %arg10[%add3A_739] : memref<262144xf32, #tpu.memory_space<vmem_shared>> -> memref<1024xf32, #tpu.memory_space<vmem_shared>>
      tpu.wait_dma2 semaphore(%run_scoped3A : memref<!tpu.dma_semaphore, #tpu.memory_space<semaphore_mem>>) src(%dma_wait3A_791 : memref<1024xf32, #tpu.memory_space<vmem_shared>>) dst(%arg9 : memref<1024xf32, #tpu.memory_space<vmem>>)
      tpu.yield
    }) : () -> ()
    %scan3A_740 = arith.constant 0 : i32
    %scan3A_741 = arith.constant 0 : i32
    %scan3A_742 = arith.constant 64 : i32
    %scan3A_743 = arith.addi %scan3A_741, %scan3A_742 : i32
    %scan3A_744 = arith.constant 1 : i32
    scf.for %scan3A_788 = %scan3A_741 to %scan3A_743 step %scan3A_744  : i32 {
      %mul3A_789 = arith.constant 16 : i32
      %mul3A_790 = arith.muli %scan3A_788, %mul3A_789 : i32
      %get3A_791 = arith.index_cast %mul3A_790 : i32 to index
      %get3A_792 = tpu.vector_load %arg8[%get3A_791] {strides = array<i32>} : memref<1024xf32, #tpu.memory_space<vmem>>, vector<16xf32>,
      %get3A_793 = arith.index_cast %mul3A_790 : i32 to index
      %get3A_794 = tpu.vector_load %arg9[%get3A_793] {strides = array<i32>} : memref<1024xf32, #tpu.memory_space<vmem>>, vector<16xf32>,
      %add3A_795 = arith.addf %get3A_792, %get3A_794 : vector<16xf32>
      %swap3A = arith.index_cast %mul3A_790 : i32 to index
      %swap3A_796 = tpu.vector_load %arg8[%swap3A] {strides = array<i32>} : memref<1024xf32, #tpu.memory_space<vmem>>, vector<16xf32>,
      tpu.vector_store %arg8[%swap3A], %add3A_795 {strides = array<i32>} : memref<1024xf32, #tpu.memory_space<vmem>>, vector<16xf32>,
    }
    %scan3A_745 = arith.constant 64 : i32
    %mul3A_746 = arith.constant 1024 : i32
    %mul3A_747 = arith.muli %arg1, %mul3A_746 : i32
    %add3A_748 = arith.constant 196608 : i32
    %add3A_749 = arith.addi %add3A_748, %mul3A_747 : i32
    "tpu.region"() ({
      %run_scoped3A = tpu.sem_alloc : memref<!tpu.dma_semaphore, #tpu.memory_space<semaphore_mem>>
      %dma_start3A_788 = tpu.memref_slice %arg10[%add3A_749] : memref<262144xf32, #tpu.memory_space<vmem_shared>> -> memref<1024xf32, #tpu.memory_space<vmem_shared>>
      %dma_start3A_789 = tpu.memref_slice %arg10[%add3A_749] : memref<262144xf32, #tpu.memory_space<vmem_shared>> -> memref<1024xf32, #tpu.memory_space<vmem_shared>>
      tpu.enqueue_dma source(%dma_start3A_789 : memref<1024xf32, #tpu.memory_space<vmem_shared>>) target(%arg9 : memref<1024xf32, #tpu.memory_space<vmem>>) target_semaphore(%run_scoped3A : memref<!tpu.dma_semaphore, #tpu.memory_space<semaphore_mem>>)
      %dma_wait3A_790 = tpu.memref_slice %arg10[%add3A_749] : memref<262144xf32, #tpu.memory_space<vmem_shared>> -> memref<1024xf32, #tpu.memory_space<vmem_shared>>
      %dma_wait3A_791 = tpu.memref_slice %arg10[%add3A_749] : memref<262144xf32, #tpu.memory_space<vmem_shared>> -> memref<1024xf32, #tpu.memory_space<vmem_shared>>
      tpu.wait_dma2 semaphore(%run_scoped3A : memref<!tpu.dma_semaphore, #tpu.memory_space<semaphore_mem>>) src(%dma_wait3A_791 : memref<1024xf32, #tpu.memory_space<vmem_shared>>) dst(%arg9 : memref<1024xf32, #tpu.memory_space<vmem>>)
      tpu.yield
    }) : () -> ()
    %scan3A_750 = arith.constant 0 : i32
    %scan3A_751 = arith.constant 0 : i32
    %scan3A_752 = arith.constant 64 : i32
    %scan3A_753 = arith.addi %scan3A_751, %scan3A_752 : i32
    %scan3A_754 = arith.constant 1 : i32
    scf.for %scan3A_788 = %scan3A_751 to %scan3A_753 step %scan3A_754  : i32 {
      %mul3A_789 = arith.constant 16 : i32
      %mul3A_790 = arith.muli %scan3A_788, %mul3A_789 : i32
      %get3A_791 = arith.index_cast %mul3A_790 : i32 to index
      %get3A_792 = tpu.vector_load %arg8[%get3A_791] {strides = array<i32>} : memref<1024xf32, #tpu.memory_space<vmem>>, vector<16xf32>,
      %get3A_793 = arith.index_cast %mul3A_790 : i32 to index
      %get3A_794 = tpu.vector_load %arg9[%get3A_793] {strides = array<i32>} : memref<1024xf32, #tpu.memory_space<vmem>>, vector<16xf32>,
      %add3A_795 = arith.addf %get3A_792, %get3A_794 : vector<16xf32>
      %swap3A = arith.index_cast %mul3A_790 : i32 to index
      %swap3A_796 = tpu.vector_load %arg8[%swap3A] {strides = array<i32>} : memref<1024xf32, #tpu.memory_space<vmem>>, vector<16xf32>,
      tpu.vector_store %arg8[%swap3A], %add3A_795 {strides = array<i32>} : memref<1024xf32, #tpu.memory_space<vmem>>, vector<16xf32>,
    }
    %scan3A_755 = arith.constant 64 : i32
    %mul3A_756 = arith.constant 1024 : i32
    %mul3A_757 = arith.muli %arg1, %mul3A_756 : i32
    %add3A_758 = arith.constant 212992 : i32
    %add3A_759 = arith.addi %add3A_758, %mul3A_757 : i32
    "tpu.region"() ({
      %run_scoped3A = tpu.sem_alloc : memref<!tpu.dma_semaphore, #tpu.memory_space<semaphore_mem>>
      %dma_start3A_788 = tpu.memref_slice %arg10[%add3A_759] : memref<262144xf32, #tpu.memory_space<vmem_shared>> -> memref<1024xf32, #tpu.memory_space<vmem_shared>>
      %dma_start3A_789 = tpu.memref_slice %arg10[%add3A_759] : memref<262144xf32, #tpu.memory_space<vmem_shared>> -> memref<1024xf32, #tpu.memory_space<vmem_shared>>
      tpu.enqueue_dma source(%dma_start3A_789 : memref<1024xf32, #tpu.memory_space<vmem_shared>>) target(%arg9 : memref<1024xf32, #tpu.memory_space<vmem>>) target_semaphore(%run_scoped3A : memref<!tpu.dma_semaphore, #tpu.memory_space<semaphore_mem>>)
      %dma_wait3A_790 = tpu.memref_slice %arg10[%add3A_759] : memref<262144xf32, #tpu.memory_space<vmem_shared>> -> memref<1024xf32, #tpu.memory_space<vmem_shared>>
      %dma_wait3A_791 = tpu.memref_slice %arg10[%add3A_759] : memref<262144xf32, #tpu.memory_space<vmem_shared>> -> memref<1024xf32, #tpu.memory_space<vmem_shared>>
      tpu.wait_dma2 semaphore(%run_scoped3A : memref<!tpu.dma_semaphore, #tpu.memory_space<semaphore_mem>>) src(%dma_wait3A_791 : memref<1024xf32, #tpu.memory_space<vmem_shared>>) dst(%arg9 : memref<1024xf32, #tpu.memory_space<vmem>>)
      tpu.yield
    }) : () -> ()
    %scan3A_760 = arith.constant 0 : i32
    %scan3A_761 = arith.constant 0 : i32
    %scan3A_762 = arith.constant 64 : i32
    %scan3A_763 = arith.addi %scan3A_761, %scan3A_762 : i32
    %scan3A_764 = arith.constant 1 : i32
    scf.for %scan3A_788 = %scan3A_761 to %scan3A_763 step %scan3A_764  : i32 {
      %mul3A_789 = arith.constant 16 : i32
      %mul3A_790 = arith.muli %scan3A_788, %mul3A_789 : i32
      %get3A_791 = arith.index_cast %mul3A_790 : i32 to index
      %get3A_792 = tpu.vector_load %arg8[%get3A_791] {strides = array<i32>} : memref<1024xf32, #tpu.memory_space<vmem>>, vector<16xf32>,
      %get3A_793 = arith.index_cast %mul3A_790 : i32 to index
      %get3A_794 = tpu.vector_load %arg9[%get3A_793] {strides = array<i32>} : memref<1024xf32, #tpu.memory_space<vmem>>, vector<16xf32>,
      %add3A_795 = arith.addf %get3A_792, %get3A_794 : vector<16xf32>
      %swap3A = arith.index_cast %mul3A_790 : i32 to index
      %swap3A_796 = tpu.vector_load %arg8[%swap3A] {strides = array<i32>} : memref<1024xf32, #tpu.memory_space<vmem>>, vector<16xf32>,
      tpu.vector_store %arg8[%swap3A], %add3A_795 {strides = array<i32>} : memref<1024xf32, #tpu.memory_space<vmem>>, vector<16xf32>,
    }
    %scan3A_765 = arith.constant 64 : i32
    %mul3A_766 = arith.constant 1024 : i32
    %mul3A_767 = arith.muli %arg1, %mul3A_766 : i32
    %add3A_768 = arith.constant 229376 : i32
    %add3A_769 = arith.addi %add3A_768, %mul3A_767 : i32
    "tpu.region"() ({
      %run_scoped3A = tpu.sem_alloc : memref<!tpu.dma_semaphore, #tpu.memory_space<semaphore_mem>>
      %dma_start3A_788 = tpu.memref_slice %arg10[%add3A_769] : memref<262144xf32, #tpu.memory_space<vmem_shared>> -> memref<1024xf32, #tpu.memory_space<vmem_shared>>
      %dma_start3A_789 = tpu.memref_slice %arg10[%add3A_769] : memref<262144xf32, #tpu.memory_space<vmem_shared>> -> memref<1024xf32, #tpu.memory_space<vmem_shared>>
      tpu.enqueue_dma source(%dma_start3A_789 : memref<1024xf32, #tpu.memory_space<vmem_shared>>) target(%arg9 : memref<1024xf32, #tpu.memory_space<vmem>>) target_semaphore(%run_scoped3A : memref<!tpu.dma_semaphore, #tpu.memory_space<semaphore_mem>>)
      %dma_wait3A_790 = tpu.memref_slice %arg10[%add3A_769] : memref<262144xf32, #tpu.memory_space<vmem_shared>> -> memref<1024xf32, #tpu.memory_space<vmem_shared>>
      %dma_wait3A_791 = tpu.memref_slice %arg10[%add3A_769] : memref<262144xf32, #tpu.memory_space<vmem_shared>> -> memref<1024xf32, #tpu.memory_space<vmem_shared>>
      tpu.wait_dma2 semaphore(%run_scoped3A : memref<!tpu.dma_semaphore, #tpu.memory_space<semaphore_mem>>) src(%dma_wait3A_791 : memref<1024xf32, #tpu.memory_space<vmem_shared>>) dst(%arg9 : memref<1024xf32, #tpu.memory_space<vmem>>)
      tpu.yield
    }) : () -> ()
    %scan3A_770 = arith.constant 0 : i32
    %scan3A_771 = arith.constant 0 : i32
    %scan3A_772 = arith.constant 64 : i32
    %scan3A_773 = arith.addi %scan3A_771, %scan3A_772 : i32
    %scan3A_774 = arith.constant 1 : i32
    scf.for %scan3A_788 = %scan3A_771 to %scan3A_773 step %scan3A_774  : i32 {
      %mul3A_789 = arith.constant 16 : i32
      %mul3A_790 = arith.muli %scan3A_788, %mul3A_789 : i32
      %get3A_791 = arith.index_cast %mul3A_790 : i32 to index
      %get3A_792 = tpu.vector_load %arg8[%get3A_791] {strides = array<i32>} : memref<1024xf32, #tpu.memory_space<vmem>>, vector<16xf32>,
      %get3A_793 = arith.index_cast %mul3A_790 : i32 to index
      %get3A_794 = tpu.vector_load %arg9[%get3A_793] {strides = array<i32>} : memref<1024xf32, #tpu.memory_space<vmem>>, vector<16xf32>,
      %add3A_795 = arith.addf %get3A_792, %get3A_794 : vector<16xf32>
      %swap3A = arith.index_cast %mul3A_790 : i32 to index
      %swap3A_796 = tpu.vector_load %arg8[%swap3A] {strides = array<i32>} : memref<1024xf32, #tpu.memory_space<vmem>>, vector<16xf32>,
      tpu.vector_store %arg8[%swap3A], %add3A_795 {strides = array<i32>} : memref<1024xf32, #tpu.memory_space<vmem>>, vector<16xf32>,
    }
    %scan3A_775 = arith.constant 64 : i32
    %mul3A_776 = arith.constant 1024 : i32
    %mul3A_777 = arith.muli %arg1, %mul3A_776 : i32
    %add3A_778 = arith.constant 245760 : i32
    %add3A_779 = arith.addi %add3A_778, %mul3A_777 : i32
    "tpu.region"() ({
      %run_scoped3A = tpu.sem_alloc : memref<!tpu.dma_semaphore, #tpu.memory_space<semaphore_mem>>
      %dma_start3A_788 = tpu.memref_slice %arg10[%add3A_779] : memref<262144xf32, #tpu.memory_space<vmem_shared>> -> memref<1024xf32, #tpu.memory_space<vmem_shared>>
      %dma_start3A_789 = tpu.memref_slice %arg10[%add3A_779] : memref<262144xf32, #tpu.memory_space<vmem_shared>> -> memref<1024xf32, #tpu.memory_space<vmem_shared>>
      tpu.enqueue_dma source(%dma_start3A_789 : memref<1024xf32, #tpu.memory_space<vmem_shared>>) target(%arg9 : memref<1024xf32, #tpu.memory_space<vmem>>) target_semaphore(%run_scoped3A : memref<!tpu.dma_semaphore, #tpu.memory_space<semaphore_mem>>)
      %dma_wait3A_790 = tpu.memref_slice %arg10[%add3A_779] : memref<262144xf32, #tpu.memory_space<vmem_shared>> -> memref<1024xf32, #tpu.memory_space<vmem_shared>>
      %dma_wait3A_791 = tpu.memref_slice %arg10[%add3A_779] : memref<262144xf32, #tpu.memory_space<vmem_shared>> -> memref<1024xf32, #tpu.memory_space<vmem_shared>>
      tpu.wait_dma2 semaphore(%run_scoped3A : memref<!tpu.dma_semaphore, #tpu.memory_space<semaphore_mem>>) src(%dma_wait3A_791 : memref<1024xf32, #tpu.memory_space<vmem_shared>>) dst(%arg9 : memref<1024xf32, #tpu.memory_space<vmem>>)
      tpu.yield
    }) : () -> ()
    %scan3A_780 = arith.constant 0 : i32
    %scan3A_781 = arith.constant 0 : i32
    %scan3A_782 = arith.constant 64 : i32
    %scan3A_783 = arith.addi %scan3A_781, %scan3A_782 : i32
    %scan3A_784 = arith.constant 1 : i32
    scf.for %scan3A_788 = %scan3A_781 to %scan3A_783 step %scan3A_784  : i32 {
      %mul3A_789 = arith.constant 16 : i32
      %mul3A_790 = arith.muli %scan3A_788, %mul3A_789 : i32
      %get3A_791 = arith.index_cast %mul3A_790 : i32 to index
      %get3A_792 = tpu.vector_load %arg8[%get3A_791] {strides = array<i32>} : memref<1024xf32, #tpu.memory_space<vmem>>, vector<16xf32>,
      %get3A_793 = arith.index_cast %mul3A_790 : i32 to index
      %get3A_794 = tpu.vector_load %arg9[%get3A_793] {strides = array<i32>} : memref<1024xf32, #tpu.memory_space<vmem>>, vector<16xf32>,
      %add3A_795 = arith.addf %get3A_792, %get3A_794 : vector<16xf32>
      %swap3A = arith.index_cast %mul3A_790 : i32 to index
      %swap3A_796 = tpu.vector_load %arg8[%swap3A] {strides = array<i32>} : memref<1024xf32, #tpu.memory_space<vmem>>, vector<16xf32>,
      tpu.vector_store %arg8[%swap3A], %add3A_795 {strides = array<i32>} : memref<1024xf32, #tpu.memory_space<vmem>>, vector<16xf32>,
    }
    %scan3A_785 = arith.constant 64 : i32
    %mul3A_786 = arith.constant 1024 : i32
    %mul3A_787 = arith.muli %arg1, %mul3A_786 : i32
    "tpu.region"() ({
      %run_scoped3A = tpu.sem_alloc : memref<!tpu.dma_semaphore, #tpu.memory_space<semaphore_mem>>
      %dma_start3A_788 = tpu.memref_slice %arg4[%arg0, %mul3A_787] : memref<2x16384xf32, #tpu.memory_space<hbm>> -> memref<1x1024xf32, #tpu.memory_space<hbm>>
      %dma_start3A_789 = tpu.memref_squeeze %dma_start3A_788 : memref<1x1024xf32, #tpu.memory_space<hbm>> -> memref<1024xf32, #tpu.memory_space<hbm>>
      %dma_start3A_790 = tpu.memref_slice %arg4[%arg0, %mul3A_787] : memref<2x16384xf32, #tpu.memory_space<hbm>> -> memref<1x1024xf32, #tpu.memory_space<hbm>>
      %dma_start3A_791 = tpu.memref_squeeze %dma_start3A_790 : memref<1x1024xf32, #tpu.memory_space<hbm>> -> memref<1024xf32, #tpu.memory_space<hbm>>
      tpu.enqueue_dma source(%arg8 : memref<1024xf32, #tpu.memory_space<vmem>>) target(%dma_start3A_791 : memref<1024xf32, #tpu.memory_space<hbm>>) target_semaphore(%run_scoped3A : memref<!tpu.dma_semaphore, #tpu.memory_space<semaphore_mem>>)
      %dma_wait3A_792 = tpu.memref_slice %arg4[%arg0, %mul3A_787] : memref<2x16384xf32, #tpu.memory_space<hbm>> -> memref<1x1024xf32, #tpu.memory_space<hbm>>
      %dma_wait3A_793 = tpu.memref_squeeze %dma_wait3A_792 : memref<1x1024xf32, #tpu.memory_space<hbm>> -> memref<1024xf32, #tpu.memory_space<hbm>>
      %dma_wait3A_794 = tpu.memref_slice %arg4[%arg0, %mul3A_787] : memref<2x16384xf32, #tpu.memory_space<hbm>> -> memref<1x1024xf32, #tpu.memory_space<hbm>>
      %dma_wait3A_795 = tpu.memref_squeeze %dma_wait3A_794 : memref<1x1024xf32, #tpu.memory_space<hbm>> -> memref<1024xf32, #tpu.memory_space<hbm>>
      tpu.wait_dma2 semaphore(%run_scoped3A : memref<!tpu.dma_semaphore, #tpu.memory_space<semaphore_mem>>) src(%arg8 : memref<1024xf32, #tpu.memory_space<vmem>>) dst(%dma_wait3A_795 : memref<1024xf32, #tpu.memory_space<hbm>>)
      tpu.yield
    }) : () -> ()
    return
  }
}

module attributes {stable_mosaic.version = 14 : i64} {
  func.func @_fin_body(%arg0: memref<128x128xf32, #tpu.memory_space<vmem>>, %arg1: memref<128x128xf32, #tpu.memory_space<vmem>>, %arg2: memref<128x128xi32, #tpu.memory_space<vmem>>, %arg3: memref<128x128xf32, #tpu.memory_space<vmem>>, %arg4: memref<128x128xf32, #tpu.memory_space<vmem>>, %arg5: memref<128x128xf32, #tpu.memory_space<vmem>>, %arg6: memref<128x128xf32, #tpu.memory_space<vmem>>, %arg7: memref<128x128xf32, #tpu.memory_space<vmem>>) attributes {dimension_semantics = [], scalar_prefetch = 0 : i64, scratch_operands = 0 : i64, tpu.core_type = #tpu.core_type<tc>} {
    %get3A = arith.constant 0 : index
    %get3A_0 = arith.constant 0 : index
    %get3A_1 = vector.load %arg2[%get3A, %get3A_0] : memref<128x128xi32, #tpu.memory_space<vmem>>, vector<128x128xi32>
    %convert_element_type3A = arith.sitofp %get3A_1 : vector<128x128xi32> to vector<128x128xf32>
    %get3A_2 = arith.constant 0 : index
    %get3A_3 = arith.constant 0 : index
    %get3A_4 = vector.load %arg0[%get3A_2, %get3A_3] : memref<128x128xf32, #tpu.memory_space<vmem>>, vector<128x128xf32>
    %get3A_5 = arith.constant 0 : index
    %get3A_6 = arith.constant 0 : index
    %get3A_7 = vector.load %arg1[%get3A_5, %get3A_6] : memref<128x128xf32, #tpu.memory_space<vmem>>, vector<128x128xf32>
    %add3A = arith.addf %get3A_4, %get3A_7 : vector<128x128xf32>
    %mul3A = arith.constant 3.000000e+00 : f32
    %mul3A_8 = vector.broadcast %mul3A : f32 to vector<128x128xf32>
    %mul3A_9 = arith.mulf %mul3A_8, %convert_element_type3A : vector<128x128xf32>
    %div3A = arith.divf %add3A, %mul3A_9 : vector<128x128xf32>
    %get3A_10 = arith.constant 0 : index
    %get3A_11 = arith.constant 0 : index
    %get3A_12 = vector.load %arg3[%get3A_10, %get3A_11] : memref<128x128xf32, #tpu.memory_space<vmem>>, vector<128x128xf32>
    %get3A_13 = arith.constant 0 : index
    %get3A_14 = arith.constant 0 : index
    %get3A_15 = vector.load %arg4[%get3A_13, %get3A_14] : memref<128x128xf32, #tpu.memory_space<vmem>>, vector<128x128xf32>
    %sub3A = arith.subf %get3A_12, %get3A_15 : vector<128x128xf32>
    %mul3A_16 = arith.mulf %sub3A, %sub3A : vector<128x128xf32>
    %div3A_17 = arith.divf %mul3A_16, %convert_element_type3A : vector<128x128xf32>
    %mul3A_18 = arith.constant 9.990000e-01 : f32
    %mul3A_19 = vector.broadcast %mul3A_18 : f32 to vector<128x128xf32>
    %mul3A_20 = arith.mulf %mul3A_19, %div3A : vector<128x128xf32>
    %mul3A_21 = arith.constant 1.000000e-03 : f32
    %mul3A_22 = vector.broadcast %mul3A_21 : f32 to vector<128x128xf32>
    %mul3A_23 = arith.mulf %mul3A_22, %div3A_17 : vector<128x128xf32>
    %add3A_24 = arith.addf %mul3A_20, %mul3A_23 : vector<128x128xf32>
    %swap3A = arith.constant 0 : index
    %swap3A_25 = arith.constant 0 : index
    %swap3A_26 = vector.load %arg5[%swap3A, %swap3A_25] : memref<128x128xf32, #tpu.memory_space<vmem>>, vector<128x128xf32>
    tpu.vector_store %arg5[%swap3A, %swap3A_25], %add3A_24 {strides = array<i32>} : memref<128x128xf32, #tpu.memory_space<vmem>>, vector<128x128xf32>,
    %swap3A_27 = arith.constant 0 : index
    %swap3A_28 = arith.constant 0 : index
    %swap3A_29 = vector.load %arg6[%swap3A_27, %swap3A_28] : memref<128x128xf32, #tpu.memory_space<vmem>>, vector<128x128xf32>
    tpu.vector_store %arg6[%swap3A_27, %swap3A_28], %div3A {strides = array<i32>} : memref<128x128xf32, #tpu.memory_space<vmem>>, vector<128x128xf32>,
    %swap3A_30 = arith.constant 0 : index
    %swap3A_31 = arith.constant 0 : index
    %swap3A_32 = vector.load %arg7[%swap3A_30, %swap3A_31] : memref<128x128xf32, #tpu.memory_space<vmem>>, vector<128x128xf32>
    tpu.vector_store %arg7[%swap3A_30, %swap3A_31], %div3A_17 {strides = array<i32>} : memref<128x128xf32, #tpu.memory_space<vmem>>, vector<128x128xf32>,
    return
  }
}

</mosaic_0001>

<sc_bundles>
// kernel: kernel.4.cloned.1.call-start
scs
__scs_entry_jumppad:
0x0: {  	(pc) =	sbr.rel $0x88, $3  }
0x1: {  	(tag) =	ssettag $0x0;
	lr =	simm.s32 $0x1  }
0x2: {  	[smem:$0x3F9B] =	sst lr;
	_ =	strace $0xD0000000  }
0x3: {  	_ = 	snop  }
0x4: {  	_ = 	snop  }
0x5: {  	_ = 	snop  }
0x6: {  	_ = 	snop  }
0x7: {  	_ = 	snop  }
__scs_overlays_trampoline_lowered:
0x8: {  	[smem:$0x3FAA] =	sst s0  }
0x9: {  	[smem:$0x3FAB] =	sst s1  }
0xa: {  	[smem:$0x3FAC] =	sst s2  }
0xb: {  	[smem:$0x3FAD] =	sst s3  }
0xc: {  	[smem:$0x3FAE] =	sst s4  }
0xd: {  	[smem:$0x3FAF] =	sst s5  }
0xe: {  	[smem:$0x3FB0] =	sst s6  }
0xf: {  	[smem:$0x3FB1] =	sst s7  }
0x10: {  	[smem:$0x3FB2] =	sst s8  }
0x11: {  	[smem:$0x3FB3] =	sst s9;
	s0 =	simm.s32 @!p0 $0x0  }
0x12: {  	s1 =	sld [smem:$0x3F99];
	s0 =	simm.s32 @p0 $0x1  }
0x13: {  	[smem:$0x3FB4] =	sst s0;
	s0 =	simm.s32 @!p1 $0x0  }
0x14: {  	s2 =	sld [smem:$0x3F98];
	s0 =	simm.s32 @p1 $0x1  }
0x15: {  	[smem:$0x3FB5] =	sst s0;
	s0 =	simm.s32 @!p2 $0x0  }
0x16: {  	s3 =	sld [smem:$0x3FDB];
	s0 =	simm.s32 @p2 $0x1  }
0x17: {  	s4 =	simm.s32 $0x1BF5;
	[smem:$0x3FB7] =	sst s0  }
0x18: {  	s0 =	sld [smem:$0x3F9A];
	_ =	swait.ge [sflag:s4], $0x0  }
0x19: {  	s7 =	sld [smem:$0x3F9B]  }
0x1a: {  	s8 =	sadd.s32 $0xFFFFE003, lr  }
0x1b: {  	s9 =	sadd.s32 $0xFFFFFEF7, lr;
	s5 =	simm.s32 $0xFFFFFFFF;
	p2 =	slt.u32 s8, $0xFFFFF086  }
0x1c: {  	p1 =	slt.u32 s9, $0xF7A;
	s5 =	simm.s32 @!p2 $0x0  }
0x1d: {  	s5 =	simm.s32 @p1 $0x1;
	p0 =	seq.s32 s7, s2  }
0x1e: {  	s7 =	smul.u32 @!p0 $0xF7A, s2;
	p2 =	seq.s32 @!p0 s5, $0x0  }
0x1f: {  	s9 =	smul.u32 $0xF7A, s1;
	s8 =	simm.s32 @!p0 $0x1BF5;
	p2 =	por !p2, p0  }
0x20: {  	[sflag:s8] =	ssyncset.s32 @!p0 $0xFFFFF086;
	s6 =	sadd.s32 @!p0 s3, s7;
	s7 =	simm.s32 @!p0 $0x108  }
0x21: {  	s3 =	sadd.s32 s3, s9;
	s6 =	sadd.s32 @!p0 $0x88, s6;
	s7 =	simm.s32 @p2 $0x1082  }
0x22: {  	[simem:s7], [sflag:s8] =	dma.local @!p0 [hbm:s6], $0xF7A  }
0x23: {  	s9 =	sor.u32 $0xD0000000, s2;
	s6 =	simm.s32 $0x108;
	_ =	swait.ge @!p0 [sflag:s8], $0x0  }
0x24: {  	s3 =	sadd.s32 $0x88, s3;
	s6 =	simm.s32 @!p1 $0x1082;
	[sflag:s4] =	ssyncset.s32 $0xFFFFF086  }
0x25: {  	[simem:s6], [sflag:s4] =	dma.local [hbm:s3], $0xF7A  }
0x26: {  	[smem:$0x3F9B] =	sst s1;
	(tag) =	ssettag s2;
	_ =	strace s9  }
0x27: {  	s1 =	sld [smem:$0x3FAB]  }
0x28: {  	s2 =	sld [smem:$0x3FAC]  }
0x29: {  	s4 =	sld [smem:$0x3FAE]  }
0x2a: {  	p0 =	seq.s32 s5, $0x0;
	s5 =	sld [smem:$0x3FAF]  }
0x2b: {  	s6 =	sld [smem:$0x3FB0]  }
0x2c: {  	s7 =	sld [smem:$0x3FB1]  }
0x2d: {  	s3 =	simm.s32 $0x108;
	s8 =	sld [smem:$0x3FB2]  }
0x2e: {  	s3 =	simm.s32 @!p0 $0x1082;
	s9 =	sld [smem:$0x3FB3]  }
0x2f: {  	lr =	sadd.s32 s0, s3;
	s0 =	sld [smem:$0x3FAA]  }
0x30: {  	s3 =	sld [smem:$0x3FAD]  }
0x31: {  	[smem:$0x3FB6] =	sst s10  }
0x32: {  	s10 =	sld [smem:$0x3FB4];
	_ =	sdelay $0x3  }
0x33: {  	p0 =	seq.s32 s10, $0x1;
	s10 =	sld [smem:$0x3FB6];
	_ =	sdelay $0x3  }
0x34: {  	[smem:$0x3FB6] =	sst s10  }
0x35: {  	s10 =	sld [smem:$0x3FB5];
	_ =	sdelay $0x3  }
0x36: {  	p1 =	seq.s32 s10, $0x1;
	s10 =	sld [smem:$0x3FB6];
	_ =	sdelay $0x3  }
0x37: {  	[smem:$0x3FB6] =	sst s10  }
0x38: {  	s10 =	sld [smem:$0x3FB7]  }
0x39: {  	_ = 	snop;
	(pc) =	sbr.ind lr, $3  }
0x3a: {  	_ = 	snop  }
0x3b: {  	_ = 	snop  }
0x3c: {  	p2 =	seq.s32 s10, $0x1;
	s10 =	sld [smem:$0x3FB6]  }
0x3d: {  	_ =	shalt  }
0x3e: {  	_ =	shalt  }
0x3f: {  	_ =	shalt  }
0x40: {  	_ =	shalt  }
0x41: {  	_ =	shalt  }
0x42: {  	_ =	shalt  }
0x43: {  	_ =	shalt  }
0x44: {  	_ =	shalt  }
0x45: {  	_ =	shalt  }
0x46: {  	_ =	shalt  }
0x47: {  	_ =	shalt  }
0x48: {  	_ =	shalt  }
0x49: {  	_ =	shalt  }
0x4a: {  	_ =	shalt  }
0x4b: {  	_ =	shalt  }
0x4c: {  	_ =	shalt  }
0x4d: {  	_ =	shalt  }
0x4e: {  	_ =	shalt  }
0x4f: {  	_ =	shalt  }
0x50: {  	_ =	shalt  }
0x51: {  	_ =	shalt  }
0x52: {  	_ =	shalt  }
0x53: {  	_ =	shalt  }
0x54: {  	_ =	shalt  }
0x55: {  	_ =	shalt  }
0x56: {  	_ =	shalt  }
0x57: {  	_ =	shalt  }
0x58: {  	_ =	shalt  }
0x59: {  	_ =	shalt  }
0x5a: {  	_ =	shalt  }
0x5b: {  	_ =	shalt  }
0x5c: {  	_ =	shalt  }
0x5d: {  	_ =	shalt  }
0x5e: {  	_ =	shalt  }
0x5f: {  	_ =	shalt  }
0x60: {  	_ =	shalt  }
0x61: {  	_ =	shalt  }
0x62: {  	_ =	shalt  }
0x63: {  	_ =	shalt  }
0x64: {  	_ =	shalt  }
0x65: {  	_ =	shalt  }
0x66: {  	_ =	shalt  }
0x67: {  	_ =	shalt  }
0x68: {  	_ =	shalt  }
0x69: {  	_ =	shalt  }
0x6a: {  	_ =	shalt  }
0x6b: {  	_ =	shalt  }
0x6c: {  	_ =	shalt  }
0x6d: {  	_ =	shalt  }
0x6e: {  	_ =	shalt  }
0x6f: {  	_ =	shalt  }
0x70: {  	_ =	shalt  }
0x71: {  	_ =	shalt  }
0x72: {  	_ =	shalt  }
0x73: {  	_ =	shalt  }
0x74: {  	_ =	shalt  }
0x75: {  	_ =	shalt  }
0x76: {  	_ =	shalt  }
0x77: {  	_ =	shalt  }
0x78: {  	_ =	shalt  }
0x79: {  	_ =	shalt  }
0x7a: {  	_ =	shalt  }
0x7b: {  	_ =	shalt  }
0x7c: {  	_ =	shalt  }
0x7d: {  	_ =	shalt  }
0x7e: {  	_ =	shalt  }
0x7f: {  	_ =	shalt  }
0x80: {  	_ =	shalt  }
0x81: {  	_ =	shalt  }
0x82: {  	_ =	shalt  }
0x83: {  	_ =	shalt  }
0x84: {  	_ =	shalt  }
0x85: {  	_ =	shalt  }
0x86: {  	_ =	shalt  }
0x87: {  	_ =	shalt  }
.Lfunc_end0:
.L_simem_size_0:
called_computation_lowered:
.L_overlay_start_0:
0x88: {  	s2 =	sld [smem:$0x3FD9]  }
0x89: {  	s3 =	sld [smem:$0x3FFE];
	_ =	sdelay $0x1  }
0x8a: {  	s1 =	srdreg.scid  }
0x8b: {  	s0 =	sand.u32 $0x1, s1  }
0x8c: {  	s17 =	sshll.u32 s0, $0xA;
	s2 =	sadd.s32 s3, s2  }
0x8d: {  	s2 =	sadd.s32 s2, s17  }
0x8e: {  	[smem:$0x3FC2] =	sst s2  }
0x8f: {  	_ = 	snop  }
0x90: {  	s2 =	sld [smem:$0x3FC5];
	(tm) =	ssettm $0x1  }
0x91: {  	s18 =	sld [smem:$0x3FFB];
	_ =	sdelay $0x3  }
0x92: {  	_ =	strace s18  }
0x93: {  	s3 =	sld [smem:$0x3FFC];
	_ =	sdelay $0x3  }
0x94: {  	_ =	strace s3  }
0x95: {  	s3 =	sld [smem:$0x3FFD];
	_ =	sdelay $0x3  }
0x96: {  	_ =	strace s3  }
0x97: {  	_ =	strace $0x8FFFFFFF  }
0x98: {  	s19 =	sld [smem:$0x3FDB];
	_ =	sdelay $0x1  }
0x99: {  	s4 =	simm.s32 $_scs_section_size  }
0x9a: {  	s5 =	simm.s32 $_size__tile_overlayer_lowered;
	s6 =	simm.s32 $_tile_overlayer_lowered  }
0x9b: {  	s22 =	simm.s32 $0x1BFF;
	s21 =	sshll.u32 s6, $0x1;
	s3 =	sadd.s32 s4, s19  }
0x9c: {  	s7 =	simm.s32 $0x0;
	s20 =	sshll.u32 s5, $0x1;
	s5 =	sadd.s32 s21, s3  }
0x9d: {  	[timem:s7], [sflag:s22] =	dma.local [hbm:s5], s20  }
0x9e: {  	_ =	swait.ge [sflag:s22], s20  }
0x9f: {  	s4 =	ssub.s32 $0x0, s20;
	[sflag:s22] =	ssyncset.done $0x0  }
0xa0: {  	[sflag:s22] =	ssyncadd.s32 s4;
	_ =	sdelay $0x1  }
0xa1: {  	s23 =	simm.s32 $0x1B8B  }
0xa2: {  	_ =	swait.ge [sflag:s23], $0x1  }
0xa3: {  	[sflag:s23] =	ssyncset.done $0x0  }
0xa4: {  	s25 =	simm.s32 $0x1B8E;
	s24 =	sld [smem:$0x3FFE];
	[sflag:s23] =	ssyncadd.s32 $0xFFFFFFFF  }
0xa5: {  	s26 =	simm.s32 $execute0_lowered;
	[smem:$0x3FD2] =	sst s25  }
0xa6: {  	s5 =	sshll.u32 s26, $0x1;
	_ =	strace $0x80000046;
	[dreg:$0x1] =	wrdreg $0xFFFFFFFF  }
0xa7: {  	s28 =	simm.s32 $_size_execute0_lowered;
	s3 =	sadd.s32 s3, s5;
	[dreg:$0x0] =	wrdreg $0x0  }
0xa8: {  	s5 =	sshll.u32 s28, $0x1;
	[dreg:$0x2] =	wrdreg s3  }
0xa9: {  	[dreg:$0x3] =	wrdreg s5  }
0xaa: {  	[dreg:$0x4] =	wrdreg $0xC0  }
0xab: {  	_ =	task [dreg:s7], $0x5FFFF  }
0xac: {  	[dreg:$0x1] =	wrdreg $0xFFFFFFFF  }
0xad: {  	[dreg:$0x0] =	wrdreg $0x60  }
0xae: {  	[dreg:$0x2] =	wrdreg s24  }
0xaf: {  	[dreg:$0x3] =	wrdreg s2  }
0xb0: {  	[dreg:$0x4] =	wrdreg $0x188000  }
0xb1: {  	[dreg:$0x5] =	wrdreg $0x9  }
0xb2: {  	_ =	task.clear_ibuf [dreg:s7], $0x6FFFF;
	_ =	strace $0x90000046  }
0xb3: {  	s29 =	simm.s32 $0x9;
	_ =	strace $0x80000048  }
0xb4: {  	_ =	swait.ge [sflag:s29], $0x1  }
0xb5: {  	[sflag:s29] =	ssyncadd.s32 $0xFFFFFFFF  }
0xb6: {  	_ =	strace $0x90000048  }
0xb7: {  	_ =	sfence  }
0xb8: {  	s30 =	sld [smem:$0x0];
	_ =	sdelay $0x2  }
0xb9: {  	s31 =	sshll.u32 s1, $0xD;
	s1 =	sshrl.u32 s1, $0x2  }
0xba: {  	s3 =	sand.u32 $0x4000, s31;
	s1 =	sadd.s32 s1, s30  }
0xbb: {  	s0 =	sor.u32 s3, s0;
	s1 =	sshll.u32 s1, $0x11  }
0xbc: {  	s0 =	sor.u32 s1, s0  }
0xbd: {  	s0 =	sadd.s32 $0x8F2B, s0  }
0xbe: {  	[sflag:s0] =	ssyncadd.remote.s32 $0x1  }
0xbf: {  	_ =	sfence.sel $0xFFFF  }
0xc0: {  	[dreg:$0x0] =	wrdreg $0xFFFFFFFF;
	(pc) =	sbr.abs _section_cstart, $3  }
0xc1: {  	[dreg:$0x1] =	wrdreg $0xFFFFFFFF  }
0xc2: {  	_ =	task.clear_ibuf [dreg:s7], $0x2FFFF;
	_ =	strace $0x9FFFFFFF  }
0xc3: {  	(tm) =	ssettm $0x7FFFFFFF  }
tec
execute0_lowered:
.L_overlay_start_1:
0x0: {  	(tag) =	ssettag $0x1  }
0x1: {  	s0 =	rddreg [dreg:$0x0]  }
0x2: {  	s3 =	rddreg [dreg:$0x1]  }
0x3: {  	s1 =	srdreg.scid;
	s5 =	rddreg [dreg:$0x2]  }
0x4: {  	s12 =	stileid.u32;
	s2 =	simm.s32 $0x0;
	s1 =	sand.u32 $0x1, s1  }
0x5: {  	[smem:$0x7FF] =	sst s2;
	s8 =	sadd.s32 $0xE00, s0;
	s4 =	sshll.u32 s1, $0x4  }
0x6: {  	s18 =	sshll.u32 s12, $0xA;
	s20 =	sshll.u32 s12, $0xE;
	s6 =	sor.u32 s12, s4  }
0x7: {  	_ =	strace $0x80000047;
	s1 =	ssub.s32 $0x2, s1;
	s7 =	smul.u32 $0xC800, s6  }
0x8: {  	s21 =	sadd.s32 s20, s5;
	s0 =	sadd.s32 s4, s0;
	s9 =	smul.u32 $0x4B00, s6  }
0x9: {  	s23 =	sshrl.u32 s1, $0x1;
	[dreg:$0xd] =	wrdreg s21;
	s6 =	smul.u32 $0x25800, s6  }
0xa: {  	s1 =	ssub.s32 s1, s23;
	s10 =	sadd.s32 $0x2800, s7;
	s24 =	sshrl.u32 s7, $0x3  }
0xb: {  	s25 =	sadd.s32 s8, s9;
	s13 =	sadd.s32 $0x16800, s6;
	s11 =	smul.u32 $0x3, s10  }
0xc: {  	[dreg:$0x4] =	wrdreg s25;
	s4 =	sadd.s32 s3, s24;
	s9 =	sshrl.u32 s10, $0x3  }
0xd: {  	s10 =	sadd.s32 $0xF000, s6;
	s14 =	sshrl.u32 s13, $0x3;
	s6 =	sadd.s32 $0x1E000, s6  }
0xe: {  	s13 =	sadd.s32 s18, s5;
	s5 =	simm.s32 $0x7800;
	s3 =	sadd.s32 s3, s9  }
0xf: {  	s15 =	sadd.s32 $0xA00, s4;
	s16 =	sshrl.u32 s6, $0x3;
	s17 =	sadd.s32 $0xF00, s4  }
0x10: {  	s19 =	sadd.s32 $0x1400, s4;
	s22 =	sadd.s32 $0x4000, s13;
	[dreg:$0x6] =	wrdreg s3  }
0x11: {  	s23 =	sadd.s32 $0x8000, s13;
	s24 =	sadd.s32 $0xC000, s13;
	[dreg:$0x8] =	wrdreg s15  }
0x12: {  	s25 =	sadd.s32 $0x10000, s13;
	s20 =	sadd.s32 $0x18000, s13;
	[dreg:$0xa] =	wrdreg s17  }
0x13: {  	s21 =	sadd.s32 $0x1C000, s13;
	s28 =	sadd.s32 $0x2C000, s13;
	[dreg:$0xc] =	wrdreg s19  }
0x14: {  	s29 =	sadd.s32 $0x30000, s13;
	s30 =	sadd.s32 $0x34000, s13;
	[dreg:$0xe] =	wrdreg s22  }
0x15: {  	s31 =	sadd.s32 $0x38000, s13;
	s6 =	simm.s32 $0x11800;
	[dreg:$0xf] =	wrdreg s23  }
0x16: {  	s9 =	simm.s32 $0x18000;
	s26 =	sshrl.u32 s11, $0x3;
	[dreg:$0x10] =	wrdreg s24  }
0x17: {  	s11 =	sshrl.u32 s10, $0x3;
	[dreg:$0x11] =	wrdreg s25;
	s19 =	sadd.s32 $0x14000, s13  }
0x18: {  	v0 =	vimm.s32 $0xEDCBA987;
	v1 =	vimm.s32 $0x65432100;
	s22 =	sadd.s32 $0x20000, s13;
	s23 =	sadd.s32 $0x24000, s13;
	s25 =	smax.u32 s1, $0x1  }
0x19: {  	v2 =	vimm.s32 $0xFFEDCBA9;
	v3 =	vimm.s32 $0x87654321;
	v0 =	vunpack.c.l.s4.s8 v0;
	s1 =	simm.s32 $0xF000;
	s10 =	simm.s32 $0x18400;
	s7 =	sadd.s32 s8, s26  }
0x1a: {  	v1 =	vunpack.c.l.s4.s8 v1;
	v2 =	vunpack.c.l.s4.s8 v2;
	v3 =	vunpack.c.l.s4.s8 v3;
	s3 =	sadd.s32 s8, s11;
	s26 =	sshll.u32 s12, $0x8;
	[dreg:$0x5] =	wrdreg s7  }
0x1b: {  	vm0 =	vmmov $0x7fff;
	v4 =	vunpack.c.0.s8.s32 v0;
	v0 =	vimm.f32 $0.0e+00;
	[dreg:$0x7] =	wrdreg s3;
	s3 =	sadd.s32 s8, s14;
	s0 =	sadd.s32 s26, s0  }
0x1c: {  	v1 =	vunpack.c.0.s8.s32 v1;
	v5 =	vunpack.c.0.s8.s32 v2;
	v6 =	vunpack.c.0.s8.s32 v3;
	s26 =	sadd.s32 $0x28000, s13;
	s7 =	simm.s32 $0x14000;
	[dreg:$0x9] =	wrdreg s3  }
0x1d: {  	v2 =	vlaneseq.u32;
	v3 =	vimm.s32 $0xF;
	v4 =	vand.u32 $0xF, v4;
	s3 =	sadd.s32 s8, s16;
	s24 =	sadd.s32 $0x96E00, s0;
	s0 =	sadd.s32 $0x3C000, s13  }
0x1e: {  	v1 =	vcombine.low v1, v4;
	v4 =	vcombine.low v6, v5;
	v5 =	vimm.s32 $0x0;
	s8 =	simm.s32 $0x2;
	[dreg:$0xb] =	wrdreg s3;
	s3 =	simm.s32 $0x1  }
.LBB2_1:
0x1f: {  	s11 =	simm.s32 $0x40;
	s12 =	simm.s32 $0x0  }
.LBB2_2:
0x20: {  	p0 =	sne.s32 s11, $0xFFC0;
	[tilespmem:s12+$0x14000] =	vst v0;
	s12 =	smov.u32 s11;
	s11 =	sadd.s32 $0x40, s11  }
.Ltmp0:
0x21: {  	(pc) =	sbr.rel @p0 .LBB2_2-.Ltmp0, $2  }
0x22: {  	_ =	sdelay $0x2  }
0x23: {  	s12 =	sshra.s32 s12, $0x2  }
0x24: {  	[tilespmem:s12+$0x14000] =	vst v0;
	s11 =	simm.s32 $0x0;
	s15 =	rddreg [dreg:$0x4]  }
0x25: {  	[tilespmem:s11], [sflag:$0x1] =	stream.linear.gather [hbm4b:s15+s11], $0x7800, $0x38;
	[tilespmem:$0x1C800] =	vst v63  }
0x26: {  	_ = 	snop  }
0x27: {  	[tilespmem:s1], [sflag:$0x1] =	stream.linear.gather [hbm4b:s4+s11], $0x2800, $0x38;
	[tilespmem:$0x1C800] =	vst v63  }
0x28: {  	_ =	swait.ge [sflag:s3], $0x7800  }
0x29: {  	[sflag:s3] =	ssyncset.done $0x0  }
0x2a: {  	[sflag:s3] =	ssyncadd.s32 $0xFFFF8800  }
0x2b: {  	_ =	swait.ge [sflag:s3], $0x2800  }
0x2c: {  	[sflag:s3] =	ssyncset.done $0x0  }
0x2d: {  	s18 =	sand.u32 $0xFF00, s11;
	s16 =	rddreg [dreg:$0x5];
	[sflag:s3] =	ssyncadd.s32 $0xFFFFD800  }
0x2e: {  	[tilespmem:s5], [sflag:$0x1] =	stream.linear.gather [hbm4b:s16+s11], $0x7800, $0x38;
	[tilespmem:$0x1C800] =	vst v63  }
0x2f: {  	s12 =	sadd.s32 $0x0, s18;
	s17 =	rddreg [dreg:$0x6]  }
0x30: {  	[tilespmem:s6], [sflag:$0x1] =	stream.linear.gather [hbm4b:s17+s11], $0x2800, $0x38;
	[tilespmem:$0x1C800] =	vst v63  }
0x31: {  	s12 =	sand.u32 $0xFF80, s12;
	s11 =	sand.u32 $0x70, s11  }
0x32: {  	s11 =	sor.u32 s11, s12  }
0x33: {  	v6 =	vld [tilespmem:s11+$0x0]  }
0x34: {  	v7 =	vld [tilespmem:s11+$0x80];
	_ =	sdelay $0x1  }
0x35: {  	v8 =	vld [tilespmem:s11+$0x100];
	_ =	sdelay $0x2  }
0x36: {  	v6 =	vmul.f32 v6, v6;
	v7 =	vmul.f32 v7, v7;
	_ =	sdelay $0x1  }
0x37: {  	s14 =	simm.s32 $0x20;
	v6 =	vadd.f32 v7, v6;
	v7 =	vmul.f32 v8, v8  }
0x38: {  	s11 =	sand.u32 $0xFF00, s14  }
0x39: {  	s15 =	simm.s32 $0x10;
	s11 =	sadd.s32 $0x10, s11;
	v6 =	vadd.f32 v7, v6  }
0x3a: {  	s12 =	sand.u32 $0x70, s15;
	s11 =	sand.u32 $0xFF80, s11  }
0x3b: {  	s11 =	sor.u32 s12, s11;
	(xrf2) =	vadd.scan.msk.f32 $0xffff, v6  }
0x3c: {  	v8 =	vld [tilespmem:s11+$0x80]  }
0x3d: {  	v7 =	vld [tilespmem:s11+$0x0];
	_ =	sdelay $0x1  }
0x3e: {  	v9 =	vld [tilespmem:s11+$0x100]  }
0x3f: {  	s16 =	simm.s32 $0xF001  }
0x40: {  	v10 =	vld [tilespmem:s16+$0x0]  }
0x41: {  	v6 =	vld [tilespmem:s16+$0xFFFFFFFF];
	v8 =	vmul.f32 v8, v8;
	v7 =	vmul.f32 v7, v7;
	_ =	sdelay $0x1  }
0x42: {  	s17 =	simm.s32 $0x40;
	v7 =	vadd.f32 v8, v7;
	v8 =	vmul.f32 v9, v9  }
0x43: {  	s11 =	sand.u32 $0xFF00, s17;
	v9 =	vimm.f32 $0.0e+00;
	v11, _, _ =	vpop (xrf2)  }
0x44: {  	s18 =	simm.s32 $0x20;
	s11 =	sadd.s32 $0x20, s11;
	v8 =	vadd.f32 v8, v7;
	v7 =	vadd.f32 v11, v9  }
0x45: {  	s12 =	sand.u32 $0x70, s18;
	s11 =	sand.u32 $0xFF80, s11;
	vm1 =	vne.s32 v6, v10  }
0x46: {  	s11 =	sor.u32 s12, s11;
	(xrf2) =	vadd.scan.msk.f32 $0xffff, v8;
	v8 =	vnsel vm1, $0x0, v7  }
0x47: {  	v9 =	vld [tilespmem:s11+$0x0];
	(xrf0) =	vmax.scan.msk.f32 $0xffff, v8  }
0x48: {  	v8 =	vld [tilespmem:s11+$0x80];
	_ =	sdelay $0x3  }
0x49: {  	v12 =	vld [tilespmem:s11+$0x100]  }
0x4a: {  	s11 =	simm.s32 $0xF011;
	v9 =	vmul.f32 v9, v9;
	v10 =	vmul.f32 v8, v8;
	v8, _, _ =	vpop (xrf0)  }
0x4b: {  	v15 =	vperm.xlane v8, v3;
	v16 =	vperm.xlane v8, v1;
	v8 =	vld [tilespmem:s11+$0xFFFFFFFF]  }
0x4c: {  	v14 =	vperm.xlane v7, v3;
	v11 =	vadd.f32 v10, v9;
	v10 =	vld [tilespmem:s11+$0x0]  }
0x4d: {  	vm2 =	vmmov vm1  }
0x4e: {  	s14 =	simm.s32 $0x60;
	v12 =	vmul.f32 v12, v12;
	vm1 =	veq.s32 v2, $0x0;
	v14 =	vsub.f32 v14, v15  }
0x4f: {  	s15 =	simm.s32 $0x40;
	s16 =	sand.u32 $0xFF00, s14;
	s12 =	simm.s32 $0x30;
	v13, _, _ =	vpop (xrf2);
	v9 =	vsel vm1, $0x0, v16  }
.LBB2_4:
0x50: {  	p0 =	sne.s32 s15, $0x27E0;
	s16 =	sadd.s32 s16, s12;
	v11 =	vadd.f32 v12, v11;
	v12 =	vadd.f32 v13, v14  }
0x51: {  	s17 =	sand.u32 $0x70, s12;
	v9 =	vsub.f32 v7, v9;
	s12 =	smov.u32 s15;
	s16 =	sand.u32 $0xFF80, s16;
	vm3 =	vne.s32 v8, v10  }
0x52: {  	s16 =	sor.u32 s17, s16;
	(xrf2) =	vadd.scan.msk.f32 $0xffff, v11;
	v10 =	vnsel vm3, $0x0, v12;
	v7 =	vmov v12  }
0x53: {  	v11 =	vld [tilespmem:s16+$0x0];
	(xrf0) =	vmax.scan.msk.f32 $0xffff, v10  }
0x54: {  	v10 =	vld [tilespmem:s16+$0x80]  }
0x55: {  	[tilespmem:v6+s7+$0x0] =	vst.idx.add.f32.msk vm2, v9;
	v6 =	vmov v8;
	vm2 =	vmmov vm3;
	_ =	sdelay $0x1  }
0x56: {  	v9 =	vld [tilespmem:s16+$0x100]  }
0x57: {  	s11 =	sadd.s32 $0x10, s11  }
.Ltmp1:
0x58: {  	v11 =	vmul.f32 v11, v11;
	v12 =	vmul.f32 v10, v10;
	v8 =	vld [tilespmem:s11+$0xFFFFFFFF];
	v13, _, _ =	vpop (xrf0);
	(pc) =	sbr.rel @p0 .LBB2_4-.Ltmp1, $4  }
0x59: {  	v14 =	vperm.xlane v7, v3;
	v10 =	vld [tilespmem:s11+$0x0];
	v15 =	vperm.xlane v13, v3  }
0x5a: {  	v16 =	vperm.xlane v13, v1  }
0x5b: {  	s14 =	sadd.s32 $0x20, s14;
	v11 =	vadd.f32 v12, v11;
	v12 =	vmul.f32 v9, v9;
	v13, _, _ =	vpop (xrf2);
	v14 =	vsub.f32 v14, v15  }
0x5c: {  	s15 =	sadd.s32 $0x10, s15;
	s16 =	sand.u32 $0xFF00, s14;
	v9 =	vsel vm1, $0x0, v16  }
0x5d: {  	v11 =	vadd.f32 v12, v11;
	v12 =	vadd.f32 v13, v14  }
0x5e: {  	s14 =	sadd.s32 s16, s12;
	vm1 =	vne.s32 v8, v10  }
0x5f: {  	s16 =	sand.u32 $0x70, s12;
	s14 =	sand.u32 $0xFF80, s14;
	(xrf2) =	vadd.scan.msk.f32 $0xffff, v11;
	v10 =	vnsel vm1, $0x0, v12  }
0x60: {  	s12 =	sor.u32 s16, s14;
	(xrf0) =	vmax.scan.msk.f32 $0xffff, v10  }
0x61: {  	v11 =	vld [tilespmem:s12+$0x0]  }
0x62: {  	v10 =	vld [tilespmem:s12+$0x80];
	_ =	sdelay $0x1  }
0x63: {  	v13 =	vld [tilespmem:s12+$0x100]  }
0x64: {  	s11 =	sadd.s32 $0x10, s11  }
0x65: {  	v14 =	vld [tilespmem:s11+$0xFFFFFFFF];
	v17 =	vperm.xlane v12, v3;
	v11 =	vmul.f32 v11, v11;
	v15, _, _ =	vpop (xrf0)  }
0x66: {  	v16 =	vld [tilespmem:s11+$0x0];
	v10 =	vmul.f32 v10, v10;
	v18 =	vperm.xlane v15, v3;
	_ =	sdelay $0x1  }
0x67: {  	v10 =	vadd.f32 v10, v11;
	v11 =	vmul.f32 v13, v13;
	v13 =	vsub.f32 v17, v18  }
0x68: {  	v60, _, _ =	vpop (xrf2)  }
0x69: {  	v10 =	vadd.f32 v11, v10;
	v11 =	vadd.f32 v60, v13  }
0x6a: {  	vm3 =	vne.s32 v14, v16  }
0x6b: {  	(xrf2) =	vadd.scan.msk.f32 $0xffff, v10;
	v10 =	vnsel vm3, $0x0, v11  }
0x6c: {  	(xrf0) =	vmax.scan.msk.f32 $0xffff, v10;
	_ =	sdelay $0x4  }
0x6d: {  	s11 =	sadd.s32 $0x10, s11  }
0x6e: {  	v61 =	vld [tilespmem:s11+$0x0];
	v13, _, _ =	vpop (xrf0)  }
0x6f: {  	v17 =	vperm.xlane v11, v3;
	v10 =	vld [tilespmem:s11+$0xFFFFFFFF];
	v62 =	vperm.xlane v13, v3;
	_ =	sdelay $0x1  }
0x70: {  	v17 =	vsub.f32 v17, v62  }
0x71: {  	v63, _, _ =	vpop (xrf2)  }
0x72: {  	v17 =	vadd.f32 v63, v17  }
0x73: {  	vm4 =	vne.s32 v10, v61  }
0x74: {  	v16 =	vnsel vm4, $0x0, v17  }
0x75: {  	(xrf0) =	vmax.scan.msk.f32 $0xffff, v16;
	_ =	sdelay $0x3  }
0x76: {  	vm5 =	vmmov vm1  }
0x77: {  	v15 =	vperm.xlane v15, v1;
	vm3 =	vmmov vm3  }
0x78: {  	vm1 =	veq.s32 v2, $0x0;
	v13 =	vperm.xlane v13, v1;
	vm4 =	vmmov vm4;
	v16, _, _ =	vpop (xrf0)  }
0x79: {  	v7 =	vsub.f32 v7, v9;
	v9 =	vsel vm1, $0x0, v15;
	v15 =	vperm.xlane v16, v1  }
0x7a: {  	v9 =	vsub.f32 v12, v9;
	v12 =	vsel vm1, $0x0, v13  }
0x7b: {  	[tilespmem:v6+s7+$0x0] =	vst.idx.add.f32.msk vm2, v7;
	v6 =	vsub.f32 v11, v12;
	v7 =	vsel vm1, $0x0, v15  }
0x7c: {  	[tilespmem:v8+s7+$0x0] =	vst.idx.add.f32.msk vm5, v9;
	v7 =	vsub.f32 v17, v7  }
0x7d: {  	[tilespmem:v14+s7+$0x0] =	vst.idx.add.f32.msk vm3, v6  }
0x7e: {  	[tilespmem:v10+s7+$0x0] =	vst.idx.add.f32.msk vm4, v7  }
0x7f: {  	v6 =	vld [tilespmem:$0x117F0];
	_ =	swait.ge [sflag:s3], $0x7800  }
0x80: {  	[sflag:s3] =	ssyncset.done $0x0  }
0x81: {  	[sflag:s3] =	ssyncadd.s32 $0xFFFF8800  }
0x82: {  	_ =	swait.ge [sflag:s3], $0x2800  }
0x83: {  	[sflag:s3] =	ssyncset.done $0x0  }
0x84: {  	[sflag:s3] =	ssyncadd.s32 $0xFFFFD800  }
0x85: {  	v7 =	vld [tilespmem:$0x76F0]  }
0x86: {  	v8 =	vld [tilespmem:$0x7770];
	_ =	sdelay $0x1  }
0x87: {  	v9 =	vld [tilespmem:$0x77F0];
	_ =	sdelay $0x2  }
0x88: {  	v7 =	vmul.f32 v7, v7;
	v8 =	vmul.f32 v8, v8;
	_ =	sdelay $0x1  }
0x89: {  	v7 =	vadd.f32 v8, v7;
	v8 =	vmul.f32 v9, v9;
	_ =	sdelay $0x1  }
0x8a: {  	v7 =	vadd.f32 v8, v7;
	_ =	sdelay $0x1  }
0x8b: {  	(xrf2) =	vadd.scan.msk.f32 $0xffff, v7;
	_ =	sdelay $0x3  }
0x8c: {  	v7 =	vld [tilespmem:$0x11800];
	_ =	sdelay $0x2  }
0x8d: {  	v9 =	vperm.xlane v16, v3;
	v8 =	vperm.xlane v17, v3;
	_ =	sdelay $0x1  }
0x8e: {  	v8 =	vsub.f32 v8, v9;
	v9 =	vperm.xlane v6, v4;
	v7 =	vperm.xlane v7, v5  }
0x8f: {  	v10, _, _ =	vpop (xrf2)  }
0x90: {  	v7 =	vsel vm0, v9, v7;
	v8 =	vadd.f32 v10, v8  }
0x91: {  	vm2 =	vne.s32 v6, v7  }
0x92: {  	v7 =	vnsel vm2, $0x0, v8  }
0x93: {  	(xrf0) =	vmax.scan.msk.f32 $0xffff, v7;
	_ =	sdelay $0x5  }
0x94: {  	v7, _, _ =	vpop (xrf0)  }
0x95: {  	v9 =	vperm.xlane v7, v1  }
0x96: {  	s11 =	simm.s32 $0x0  }
0x97: {  	s14 =	sand.u32 $0x1FF00, s11;
	v9 =	vsel vm1, $0x0, v9  }
0x98: {  	s12 =	sadd.s32 $0x0, s14;
	v9 =	vsub.f32 v8, v9  }
0x99: {  	s12 =	sadd.s32 $0x7800, s12  }
0x9a: {  	s15 =	sand.u32 $0x70, s11;
	s12 =	sand.u32 $0x1FF80, s12;
	s17 =	rddreg [dreg:$0x7];
	[tilespmem:v6+s7+$0x0] =	vst.idx.add.f32.msk vm2, v9  }
0x9b: {  	[tilespmem:s11], [sflag:$0x1] =	stream.linear.gather [hbm4b:s17+s11], $0x7800, $0x38;
	[tilespmem:$0x1C800] =	vst v63  }
0x9c: {  	s12 =	sor.u32 s15, s12;
	s18 =	rddreg [dreg:$0x8]  }
0x9d: {  	[tilespmem:s1], [sflag:$0x1] =	stream.linear.gather [hbm4b:s18+s11], $0x2800, $0x38;
	[tilespmem:$0x1C800] =	vst v63  }
0x9e: {  	v6 =	vld [tilespmem:s12+$0x0]  }
0x9f: {  	v9 =	vld [tilespmem:s12+$0x80];
	_ =	sdelay $0x1  }
0xa0: {  	v10 =	vld [tilespmem:s12+$0x100];
	_ =	sdelay $0x2  }
0xa1: {  	v6 =	vmul.f32 v6, v6;
	v9 =	vmul.f32 v9, v9  }
0xa2: {  	s16 =	simm.s32 $0x20  }
0xa3: {  	s12 =	sand.u32 $0x1FF00, s16;
	v6 =	vadd.f32 v9, v6;
	v9 =	vmul.f32 v10, v10  }
0xa4: {  	s12 =	sadd.s32 $0x10, s12  }
0xa5: {  	s15 =	simm.s32 $0x10;
	s12 =	sadd.s32 $0x7800, s12;
	v6 =	vadd.f32 v9, v6  }
0xa6: {  	s17 =	sand.u32 $0x70, s15;
	s12 =	sand.u32 $0x1FF80, s12  }
0xa7: {  	s12 =	sor.u32 s17, s12;
	(xrf2) =	vadd.scan.msk.f32 $0xffff, v6  }
0xa8: {  	v9 =	vld [tilespmem:s12+$0x80]  }
0xa9: {  	v6 =	vld [tilespmem:s12+$0x0];
	_ =	sdelay $0x1  }
0xaa: {  	v10 =	vld [tilespmem:s12+$0x100]  }
0xab: {  	s18 =	simm.s32 $0x11801  }
0xac: {  	v7 =	vperm.xlane v7, v3;
	v8 =	vperm.xlane v8, v3;
	s11 =	sand.u32 $0x3FF0, s11;
	v11 =	vld [tilespmem:s18+$0x0]  }
0xad: {  	v9 =	vmul.f32 v9, v9;
	v12 =	vmul.f32 v6, v6;
	v6 =	vld [tilespmem:s11+$0x11800]  }
0xae: {  	s14 =	simm.s32 $0x40  }
0xaf: {  	v7 =	vsub.f32 v8, v7;
	s11 =	sand.u32 $0x1FF00, s14;
	v8 =	vadd.f32 v9, v12;
	v9 =	vmul.f32 v10, v10  }
0xb0: {  	s16 =	sadd.s32 $0x20, s11;
	v10, _, _ =	vpop (xrf2)  }
0xb1: {  	s11 =	simm.s32 $0x20;
	s12 =	sadd.s32 $0x7800, s16;
	v8 =	vadd.f32 v9, v8;
	v7 =	vadd.f32 v10, v7  }
0xb2: {  	s17 =	sand.u32 $0x70, s11;
	s12 =	sand.u32 $0x1FF80, s12;
	vm2 =	vne.s32 v6, v11  }
0xb3: {  	s12 =	sor.u32 s17, s12;
	(xrf2) =	vadd.scan.msk.f32 $0xffff, v8;
	v8 =	vnsel vm2, $0x0, v7  }
0xb4: {  	(xrf0) =	vmax.scan.msk.f32 $0xffff, v8;
	v8 =	vld [tilespmem:s12+$0x80]  }
0xb5: {  	v9 =	vld [tilespmem:s12+$0x0];
	_ =	sdelay $0x2  }
0xb6: {  	v12 =	vld [tilespmem:s12+$0x100]  }
0xb7: {  	s14 =	simm.s32 $0x11811;
	v13 =	vmul.f32 v8, v8  }
0xb8: {  	s18 =	sand.u32 $0x3FF0, s15;
	v10 =	vld [tilespmem:s14+$0x0];
	v14 =	vperm.xlane v7, v3;
	v11 =	vmul.f32 v9, v9;
	v8, _, _ =	vpop (xrf0)  }
0xb9: {  	v15 =	vperm.xlane v8, v3;
	v9 =	vperm.xlane v8, v1;
	v8 =	vld [tilespmem:s18+$0x11800]  }
0xba: {  	s15 =	simm.s32 $0x60;
	vm2 =	vmmov vm2  }
0xbb: {  	s16 =	simm.s32 $0x40;
	s17 =	sand.u32 $0x1FF00, s15;
	s12 =	simm.s32 $0x30;
	v12 =	vmul.f32 v12, v12;
	v11 =	vadd.f32 v13, v11;
	v13, _, _ =	vpop (xrf2);
	v14 =	vsub.f32 v14, v15  }
.LBB2_6:
0xbc: {  	p0 =	sne.s32 s16, $0x27E0;
	s17 =	sadd.s32 s12, s17;
	v9 =	vsel vm1, $0x0, v9  }
0xbd: {  	s17 =	sadd.s32 $0x7800, s17;
	v11 =	vadd.f32 v12, v11;
	v12 =	vadd.f32 v13, v14  }
0xbe: {  	s18 =	sand.u32 $0x70, s12;
	v9 =	vsub.f32 v7, v9;
	s17 =	sand.u32 $0x1FF80, s17;
	vm3 =	vne.s32 v8, v10  }
0xbf: {  	s17 =	sor.u32 s18, s17;
	(xrf2) =	vadd.scan.msk.f32 $0xffff, v11;
	v10 =	vnsel vm3, $0x0, v12;
	v7 =	vmov v12  }
0xc0: {  	v11 =	vld [tilespmem:s17+$0x0];
	(xrf0) =	vmax.scan.msk.f32 $0xffff, v10  }
0xc1: {  	v10 =	vld [tilespmem:s17+$0x80]  }
0xc2: {  	[tilespmem:v6+s7+$0x0] =	vst.idx.add.f32.msk vm2, v9;
	v6 =	vmov v8;
	vm2 =	vmmov vm3;
	_ =	sdelay $0x1  }
0xc3: {  	v12 =	vld [tilespmem:s17+$0x100]  }
.Ltmp2:
0xc4: {  	s14 =	sadd.s32 $0x10, s14;
	(pc) =	sbr.rel @p0 .LBB2_6-.Ltmp2, $4  }
0xc5: {  	s17 =	sand.u32 $0x3FF0, s11;
	s11 =	smov.u32 s12;
	s12 =	smov.u32 s16;
	v11 =	vmul.f32 v11, v11;
	v16 =	vmul.f32 v10, v10;
	v10 =	vld [tilespmem:s14+$0x0];
	v9, _, _ =	vpop (xrf0)  }
0xc6: {  	v14 =	vperm.xlane v7, v3;
	v8 =	vld [tilespmem:s17+$0x11800];
	v15 =	vperm.xlane v9, v3  }
0xc7: {  	s15 =	sadd.s32 $0x20, s15;
	v9 =	vperm.xlane v9, v1  }
0xc8: {  	s16 =	sadd.s32 $0x10, s16;
	s17 =	sand.u32 $0x1FF00, s15;
	v11 =	vadd.f32 v16, v11;
	v12 =	vmul.f32 v12, v12;
	v13, _, _ =	vpop (xrf2);
	v14 =	vsub.f32 v14, v15  }
0xc9: {  	_ = 	snop  }
0xca: {  	s15 =	sadd.s32 s12, s17;
	v11 =	vadd.f32 v12, v11;
	v12 =	vadd.f32 v13, v14  }
0xcb: {  	s15 =	sadd.s32 $0x7800, s15;
	vm3 =	vne.s32 v8, v10  }
0xcc: {  	s16 =	sand.u32 $0x70, s12;
	s15 =	sand.u32 $0x1FF80, s15;
	(xrf2) =	vadd.scan.msk.f32 $0xffff, v11;
	v10 =	vnsel vm3, $0x0, v12  }
0xcd: {  	s15 =	sor.u32 s16, s15;
	(xrf0) =	vmax.scan.msk.f32 $0xffff, v10  }
0xce: {  	v11 =	vld [tilespmem:s15+$0x0]  }
0xcf: {  	v10 =	vld [tilespmem:s15+$0x80];
	_ =	sdelay $0x1  }
0xd0: {  	v13 =	vld [tilespmem:s15+$0x100]  }
0xd1: {  	s14 =	sadd.s32 $0x10, s14  }
0xd2: {  	s11 =	sand.u32 $0x3FF0, s11;
	v14 =	vld [tilespmem:s14+$0x0];
	v17 =	vperm.xlane v12, v3;
	v11 =	vmul.f32 v11, v11;
	v15, _, _ =	vpop (xrf0)  }
0xd3: {  	v16 =	vld [tilespmem:s11+$0x11800];
	v10 =	vmul.f32 v10, v10;
	v18 =	vperm.xlane v15, v3;
	_ =	sdelay $0x1  }
0xd4: {  	v10 =	vadd.f32 v10, v11;
	v11 =	vmul.f32 v13, v13;
	v13 =	vsub.f32 v17, v18  }
0xd5: {  	v60, _, _ =	vpop (xrf2)  }
0xd6: {  	v10 =	vadd.f32 v11, v10;
	v11 =	vadd.f32 v60, v13  }
0xd7: {  	vm4 =	vne.s32 v16, v14  }
0xd8: {  	(xrf2) =	vadd.scan.msk.f32 $0xffff, v10;
	v10 =	vnsel vm4, $0x0, v11  }
0xd9: {  	(xrf0) =	vmax.scan.msk.f32 $0xffff, v10;
	_ =	sdelay $0x4  }
0xda: {  	s18 =	sadd.s32 $0x10, s14;
	s14 =	sand.u32 $0x3FF0, s12  }
0xdb: {  	v14 =	vld [tilespmem:s14+$0x11800];
	v13, _, _ =	vpop (xrf0)  }
0xdc: {  	v17 =	vperm.xlane v11, v3;
	v10 =	vld [tilespmem:s18+$0x0];
	v61 =	vperm.xlane v13, v3;
	_ =	sdelay $0x1  }
0xdd: {  	v17 =	vsub.f32 v17, v61  }
0xde: {  	v62, _, _ =	vpop (xrf2)  }
0xdf: {  	v17 =	vadd.f32 v62, v17  }
0xe0: {  	vm5 =	vne.s32 v14, v10  }
0xe1: {  	v10 =	vnsel vm5, $0x0, v17  }
0xe2: {  	(xrf0) =	vmax.scan.msk.f32 $0xffff, v10;
	_ =	sdelay $0x3  }
0xe3: {  	vm3 =	vmmov vm3  }
0xe4: {  	v9 =	vsel vm1, $0x0, v9;
	vm4 =	vmmov vm4;
	v10 =	vperm.xlane v15, v1  }
0xe5: {  	vm1 =	veq.s32 v2, $0x0;
	v13 =	vperm.xlane v13, v1;
	vm5 =	vmmov vm5;
	v15, _, _ =	vpop (xrf0)  }
0xe6: {  	v7 =	vsub.f32 v7, v9;
	v9 =	vsel vm1, $0x0, v10;
	v10 =	vperm.xlane v15, v1  }
0xe7: {  	v9 =	vsub.f32 v12, v9;
	v12 =	vsel vm1, $0x0, v13  }
0xe8: {  	[tilespmem:v6+s7+$0x0] =	vst.idx.add.f32.msk vm2, v7;
	v6 =	vsub.f32 v11, v12;
	v7 =	vsel vm1, $0x0, v10  }
0xe9: {  	[tilespmem:v8+s7+$0x0] =	vst.idx.add.f32.msk vm3, v9;
	v7 =	vsub.f32 v17, v7  }
0xea: {  	[tilespmem:v16+s7+$0x0] =	vst.idx.add.f32.msk vm4, v6  }
0xeb: {  	[tilespmem:v14+s7+$0x0] =	vst.idx.add.f32.msk vm5, v7  }
0xec: {  	v6 =	vld [tilespmem:$0x13FF0];
	_ =	swait.ge [sflag:s3], $0x7800  }
0xed: {  	[sflag:s3] =	ssyncset.done $0x0  }
0xee: {  	[sflag:s3] =	ssyncadd.s32 $0xFFFF8800  }
0xef: {  	_ =	swait.ge [sflag:s3], $0x2800  }
0xf0: {  	[sflag:s3] =	ssyncset.done $0x0  }
0xf1: {  	[sflag:s3] =	ssyncadd.s32 $0xFFFFD800  }
0xf2: {  	v7 =	vld [tilespmem:$0xEEF0]  }
0xf3: {  	v8 =	vld [tilespmem:$0xEF70];
	_ =	sdelay $0x1  }
0xf4: {  	v9 =	vld [tilespmem:$0xEFF0];
	_ =	sdelay $0x2  }
0xf5: {  	v7 =	vmul.f32 v7, v7;
	v8 =	vmul.f32 v8, v8;
	_ =	sdelay $0x1  }
0xf6: {  	v7 =	vadd.f32 v8, v7;
	v8 =	vmul.f32 v9, v9;
	_ =	sdelay $0x1  }
0xf7: {  	v7 =	vadd.f32 v8, v7;
	_ =	sdelay $0x1  }
0xf8: {  	(xrf2) =	vadd.scan.msk.f32 $0xffff, v7;
	_ =	sdelay $0x3  }
0xf9: {  	v7 =	vld [tilespmem:$0xF000];
	_ =	sdelay $0x2  }
0xfa: {  	v9 =	vperm.xlane v15, v3;
	v8 =	vperm.xlane v17, v3;
	_ =	sdelay $0x1  }
0xfb: {  	v8 =	vsub.f32 v8, v9;
	v9 =	vperm.xlane v6, v4;
	v7 =	vperm.xlane v7, v5  }
0xfc: {  	v10, _, _ =	vpop (xrf2)  }
0xfd: {  	v7 =	vsel vm0, v9, v7;
	v8 =	vadd.f32 v10, v8  }
0xfe: {  	vm2 =	vne.s32 v6, v7  }
0xff: {  	v7 =	vnsel vm2, $0x0, v8  }
0x100: {  	(xrf0) =	vmax.scan.msk.f32 $0xffff, v7;
	_ =	sdelay $0x5  }
0x101: {  	v7, _, _ =	vpop (xrf0)  }
0x102: {  	v9 =	vperm.xlane v7, v1;
	_ =	sdelay $0x1  }
0x103: {  	s15 =	simm.s32 $0x0;
	v9 =	vsel vm1, $0x0, v9  }
0x104: {  	s18 =	sand.u32 $0xFF00, s15;
	v9 =	vsub.f32 v8, v9  }
0x105: {  	s12 =	sadd.s32 $0x0, s18  }
0x106: {  	s11 =	sand.u32 $0x70, s15;
	s12 =	sand.u32 $0xFF80, s12;
	s16 =	rddreg [dreg:$0x9];
	[tilespmem:v6+s7+$0x0] =	vst.idx.add.f32.msk vm2, v9  }
0x107: {  	[tilespmem:s5], [sflag:$0x1] =	stream.linear.gather [hbm4b:s16+s15], $0x7800, $0x38;
	[tilespmem:$0x1C800] =	vst v63  }
0x108: {  	s11 =	sor.u32 s11, s12;
	s17 =	rddreg [dreg:$0xa]  }
0x109: {  	[tilespmem:s6], [sflag:$0x1] =	stream.linear.gather [hbm4b:s17+s15], $0x2800, $0x38;
	[tilespmem:$0x1C800] =	vst v63  }
0x10a: {  	v6 =	vld [tilespmem:s11+$0x0]  }
0x10b: {  	v9 =	vld [tilespmem:s11+$0x80];
	_ =	sdelay $0x1  }
0x10c: {  	v10 =	vld [tilespmem:s11+$0x100];
	_ =	sdelay $0x2  }
0x10d: {  	v6 =	vmul.f32 v6, v6;
	v9 =	vmul.f32 v9, v9;
	_ =	sdelay $0x1  }
0x10e: {  	s14 =	simm.s32 $0x20;
	v6 =	vadd.f32 v9, v6;
	v9 =	vmul.f32 v10, v10  }
0x10f: {  	s11 =	sand.u32 $0xFF00, s14  }
0x110: {  	s15 =	simm.s32 $0x10;
	s11 =	sadd.s32 $0x10, s11;
	v6 =	vadd.f32 v9, v6  }
0x111: {  	s12 =	sand.u32 $0x70, s15;
	s11 =	sand.u32 $0xFF80, s11  }
0x112: {  	s11 =	sor.u32 s12, s11;
	(xrf2) =	vadd.scan.msk.f32 $0xffff, v6  }
0x113: {  	v10 =	vld [tilespmem:s11+$0x80]  }
0x114: {  	v9 =	vld [tilespmem:s11+$0x0];
	_ =	sdelay $0x1  }
0x115: {  	v11 =	vld [tilespmem:s11+$0x100]  }
0x116: {  	s16 =	simm.s32 $0xF001  }
0x117: {  	v7 =	vperm.xlane v7, v3;
	v12 =	vld [tilespmem:s16+$0x0];
	v10 =	vmul.f32 v10, v10  }
0x118: {  	v8 =	vperm.xlane v8, v3;
	v6 =	vld [tilespmem:s16+$0xFFFFFFFF];
	v9 =	vmul.f32 v9, v9;
	_ =	sdelay $0x1  }
0x119: {  	v7 =	vsub.f32 v8, v7;
	s17 =	simm.s32 $0x40;
	v8 =	vadd.f32 v10, v9;
	v9 =	vmul.f32 v11, v11  }
0x11a: {  	s11 =	sand.u32 $0xFF00, s17;
	v10, _, _ =	vpop (xrf2)  }
0x11b: {  	s18 =	simm.s32 $0x20;
	s11 =	sadd.s32 $0x20, s11;
	v8 =	vadd.f32 v9, v8;
	v7 =	vadd.f32 v10, v7  }
0x11c: {  	s12 =	sand.u32 $0x70, s18;
	s11 =	sand.u32 $0xFF80, s11;
	vm2 =	vne.s32 v6, v12  }
0x11d: {  	s11 =	sor.u32 s12, s11;
	(xrf2) =	vadd.scan.msk.f32 $0xffff, v8;
	v8 =	vnsel vm2, $0x0, v7  }
0x11e: {  	v9 =	vld [tilespmem:s11+$0x0];
	(xrf0) =	vmax.scan.msk.f32 $0xffff, v8  }
0x11f: {  	v8 =	vld [tilespmem:s11+$0x80];
	_ =	sdelay $0x3  }
0x120: {  	v12 =	vld [tilespmem:s11+$0x100]  }
0x121: {  	v9 =	vmul.f32 v9, v9;
	s11 =	simm.s32 $0xF011;
	v10 =	vmul.f32 v8, v8;
	v8, _, _ =	vpop (xrf0)  }
0x122: {  	v15 =	vperm.xlane v8, v3;
	v63 =	vperm.xlane v8, v1;
	v8 =	vld [tilespmem:s11+$0xFFFFFFFF]  }
0x123: {  	v14 =	vperm.xlane v7, v3;
	v11 =	vadd.f32 v10, v9;
	v10 =	vld [tilespmem:s11+$0x0];
	_ =	sdelay $0x1  }
0x124: {  	s14 =	simm.s32 $0x60;
	v12 =	vmul.f32 v12, v12;
	v14 =	vsub.f32 v14, v15  }
0x125: {  	s15 =	simm.s32 $0x40;
	s16 =	sand.u32 $0xFF00, s14;
	s12 =	simm.s32 $0x30;
	vm2 =	vmmov vm2;
	v13, _, _ =	vpop (xrf2);
	v9 =	vsel vm1, $0x0, v63  }
.LBB2_8:
0x126: {  	p0 =	sne.s32 s15, $0x27E0;
	s16 =	sadd.s32 s16, s12;
	v11 =	vadd.f32 v12, v11;
	v12 =	vadd.f32 v13, v14  }
0x127: {  	s17 =	sand.u32 $0x70, s12;
	v9 =	vsub.f32 v7, v9;
	s12 =	smov.u32 s15;
	s16 =	sand.u32 $0xFF80, s16;
	vm3 =	vne.s32 v8, v10  }
0x128: {  	s16 =	sor.u32 s17, s16;
	(xrf2) =	vadd.scan.msk.f32 $0xffff, v11;
	v10 =	vnsel vm3, $0x0, v12;
	v7 =	vmov v12  }
0x129: {  	v11 =	vld [tilespmem:s16+$0x0];
	(xrf0) =	vmax.scan.msk.f32 $0xffff, v10  }
0x12a: {  	v10 =	vld [tilespmem:s16+$0x80]  }
0x12b: {  	[tilespmem:v6+s7+$0x0] =	vst.idx.add.f32.msk vm2, v9;
	v6 =	vmov v8;
	vm2 =	vmmov vm3;
	_ =	sdelay $0x1  }
0x12c: {  	v9 =	vld [tilespmem:s16+$0x100]  }
0x12d: {  	s11 =	sadd.s32 $0x10, s11  }
.Ltmp3:
0x12e: {  	v11 =	vmul.f32 v11, v11;
	v12 =	vmul.f32 v10, v10;
	v8 =	vld [tilespmem:s11+$0xFFFFFFFF];
	v13, _, _ =	vpop (xrf0);
	(pc) =	sbr.rel @p0 .LBB2_8-.Ltmp3, $4  }
0x12f: {  	v14 =	vperm.xlane v7, v3;
	v10 =	vld [tilespmem:s11+$0x0];
	v15 =	vperm.xlane v13, v3  }
0x130: {  	v16 =	vperm.xlane v13, v1  }
0x131: {  	s14 =	sadd.s32 $0x20, s14;
	v11 =	vadd.f32 v12, v11;
	v12 =	vmul.f32 v9, v9;
	v13, _, _ =	vpop (xrf2);
	v14 =	vsub.f32 v14, v15  }
0x132: {  	s15 =	sadd.s32 $0x10, s15;
	s16 =	sand.u32 $0xFF00, s14;
	v9 =	vsel vm1, $0x0, v16  }
0x133: {  	v11 =	vadd.f32 v12, v11;
	v12 =	vadd.f32 v13, v14  }
0x134: {  	s14 =	sadd.s32 s16, s12;
	vm1 =	vne.s32 v8, v10  }
0x135: {  	s16 =	sand.u32 $0x70, s12;
	s14 =	sand.u32 $0xFF80, s14;
	(xrf2) =	vadd.scan.msk.f32 $0xffff, v11;
	v10 =	vnsel vm1, $0x0, v12  }
0x136: {  	s12 =	sor.u32 s16, s14;
	(xrf0) =	vmax.scan.msk.f32 $0xffff, v10  }
0x137: {  	v11 =	vld [tilespmem:s12+$0x0]  }
0x138: {  	v10 =	vld [tilespmem:s12+$0x80];
	_ =	sdelay $0x1  }
0x139: {  	v13 =	vld [tilespmem:s12+$0x100]  }
0x13a: {  	s11 =	sadd.s32 $0x10, s11  }
0x13b: {  	v14 =	vld [tilespmem:s11+$0xFFFFFFFF];
	v17 =	vperm.xlane v12, v3;
	v11 =	vmul.f32 v11, v11;
	v15, _, _ =	vpop (xrf0)  }
0x13c: {  	v16 =	vld [tilespmem:s11+$0x0];
	v10 =	vmul.f32 v10, v10;
	v18 =	vperm.xlane v15, v3;
	_ =	sdelay $0x1  }
0x13d: {  	v10 =	vadd.f32 v10, v11;
	v11 =	vmul.f32 v13, v13;
	v13 =	vsub.f32 v17, v18  }
0x13e: {  	v60, _, _ =	vpop (xrf2)  }
0x13f: {  	v10 =	vadd.f32 v11, v10;
	v11 =	vadd.f32 v60, v13  }
0x140: {  	vm3 =	vne.s32 v14, v16  }
0x141: {  	(xrf2) =	vadd.scan.msk.f32 $0xffff, v10;
	v10 =	vnsel vm3, $0x0, v11  }
0x142: {  	(xrf0) =	vmax.scan.msk.f32 $0xffff, v10;
	_ =	sdelay $0x4  }
0x143: {  	s11 =	sadd.s32 $0x10, s11  }
0x144: {  	v61 =	vld [tilespmem:s11+$0x0];
	v13, _, _ =	vpop (xrf0)  }
0x145: {  	v17 =	vperm.xlane v11, v3;
	v10 =	vld [tilespmem:s11+$0xFFFFFFFF];
	v62 =	vperm.xlane v13, v3;
	_ =	sdelay $0x1  }
0x146: {  	v17 =	vsub.f32 v17, v62  }
0x147: {  	v63, _, _ =	vpop (xrf2)  }
0x148: {  	v17 =	vadd.f32 v63, v17  }
0x149: {  	vm4 =	vne.s32 v10, v61  }
0x14a: {  	v16 =	vnsel vm4, $0x0, v17  }
0x14b: {  	(xrf0) =	vmax.scan.msk.f32 $0xffff, v16;
	_ =	sdelay $0x3  }
0x14c: {  	vm5 =	vmmov vm1  }
0x14d: {  	v15 =	vperm.xlane v15, v1;
	vm3 =	vmmov vm3  }
0x14e: {  	vm1 =	veq.s32 v2, $0x0;
	v13 =	vperm.xlane v13, v1;
	vm4 =	vmmov vm4;
	v16, _, _ =	vpop (xrf0)  }
0x14f: {  	v7 =	vsub.f32 v7, v9;
	v9 =	vsel vm1, $0x0, v15;
	v15 =	vperm.xlane v16, v1  }
0x150: {  	v9 =	vsub.f32 v12, v9;
	v12 =	vsel vm1, $0x0, v13  }
0x151: {  	[tilespmem:v6+s7+$0x0] =	vst.idx.add.f32.msk vm2, v7;
	v6 =	vsub.f32 v11, v12;
	v7 =	vsel vm1, $0x0, v15  }
0x152: {  	[tilespmem:v8+s7+$0x0] =	vst.idx.add.f32.msk vm5, v9;
	v7 =	vsub.f32 v17, v7  }
0x153: {  	[tilespmem:v14+s7+$0x0] =	vst.idx.add.f32.msk vm3, v6  }
0x154: {  	[tilespmem:v10+s7+$0x0] =	vst.idx.add.f32.msk vm4, v7  }
0x155: {  	v6 =	vld [tilespmem:$0x117F0];
	_ =	swait.ge [sflag:s3], $0x7800  }
0x156: {  	[sflag:s3] =	ssyncset.done $0x0  }
0x157: {  	[sflag:s3] =	ssyncadd.s32 $0xFFFF8800  }
0x158: {  	_ =	swait.ge [sflag:s3], $0x2800  }
0x159: {  	[sflag:s3] =	ssyncset.done $0x0  }
0x15a: {  	[sflag:s3] =	ssyncadd.s32 $0xFFFFD800  }
0x15b: {  	v7 =	vld [tilespmem:$0x76F0]  }
0x15c: {  	v8 =	vld [tilespmem:$0x7770];
	_ =	sdelay $0x1  }
0x15d: {  	v9 =	vld [tilespmem:$0x77F0];
	_ =	sdelay $0x2  }
0x15e: {  	v7 =	vmul.f32 v7, v7;
	v8 =	vmul.f32 v8, v8;
	_ =	sdelay $0x1  }
0x15f: {  	v7 =	vadd.f32 v8, v7;
	v8 =	vmul.f32 v9, v9;
	_ =	sdelay $0x1  }
0x160: {  	v7 =	vadd.f32 v8, v7;
	_ =	sdelay $0x1  }
0x161: {  	(xrf2) =	vadd.scan.msk.f32 $0xffff, v7;
	_ =	sdelay $0x3  }
0x162: {  	v7 =	vld [tilespmem:$0x11800];
	_ =	sdelay $0x2  }
0x163: {  	v9 =	vperm.xlane v16, v3;
	v8 =	vperm.xlane v17, v3;
	_ =	sdelay $0x1  }
0x164: {  	v8 =	vsub.f32 v8, v9;
	v9 =	vperm.xlane v6, v4;
	v7 =	vperm.xlane v7, v5  }
0x165: {  	v10, _, _ =	vpop (xrf2)  }
0x166: {  	v7 =	vsel vm0, v9, v7;
	v8 =	vadd.f32 v10, v8  }
0x167: {  	vm2 =	vne.s32 v6, v7  }
0x168: {  	v7 =	vnsel vm2, $0x0, v8  }
0x169: {  	(xrf0) =	vmax.scan.msk.f32 $0xffff, v7;
	_ =	sdelay $0x5  }
0x16a: {  	v7, _, _ =	vpop (xrf0)  }
0x16b: {  	v9 =	vperm.xlane v7, v1  }
0x16c: {  	s11 =	simm.s32 $0x0  }
0x16d: {  	s14 =	sand.u32 $0x1FF00, s11;
	v9 =	vsel vm1, $0x0, v9  }
0x16e: {  	s12 =	sadd.s32 $0x0, s14;
	v9 =	vsub.f32 v8, v9  }
0x16f: {  	s12 =	sadd.s32 $0x7800, s12  }
0x170: {  	s15 =	sand.u32 $0x70, s11;
	s12 =	sand.u32 $0x1FF80, s12;
	s17 =	rddreg [dreg:$0xb];
	[tilespmem:v6+s7+$0x0] =	vst.idx.add.f32.msk vm2, v9  }
0x171: {  	[tilespmem:s11], [sflag:$0x1] =	stream.linear.gather [hbm4b:s17+s11], $0x7800, $0x38;
	[tilespmem:$0x1C800] =	vst v63  }
0x172: {  	s12 =	sor.u32 s15, s12;
	s18 =	rddreg [dreg:$0xc]  }
0x173: {  	[tilespmem:s1], [sflag:$0x1] =	stream.linear.gather [hbm4b:s18+s11], $0x2800, $0x38;
	[tilespmem:$0x1C800] =	vst v63  }
0x174: {  	v6 =	vld [tilespmem:s12+$0x0]  }
0x175: {  	v9 =	vld [tilespmem:s12+$0x80];
	_ =	sdelay $0x1  }
0x176: {  	v10 =	vld [tilespmem:s12+$0x100];
	_ =	sdelay $0x2  }
0x177: {  	v6 =	vmul.f32 v6, v6;
	v9 =	vmul.f32 v9, v9  }
0x178: {  	s16 =	simm.s32 $0x20  }
0x179: {  	s12 =	sand.u32 $0x1FF00, s16;
	v6 =	vadd.f32 v9, v6;
	v9 =	vmul.f32 v10, v10  }
0x17a: {  	s12 =	sadd.s32 $0x10, s12  }
0x17b: {  	s15 =	simm.s32 $0x10;
	s12 =	sadd.s32 $0x7800, s12;
	v6 =	vadd.f32 v9, v6  }
0x17c: {  	s17 =	sand.u32 $0x70, s15;
	s12 =	sand.u32 $0x1FF80, s12  }
0x17d: {  	s12 =	sor.u32 s17, s12;
	(xrf2) =	vadd.scan.msk.f32 $0xffff, v6  }
0x17e: {  	v9 =	vld [tilespmem:s12+$0x80]  }
0x17f: {  	v6 =	vld [tilespmem:s12+$0x0];
	_ =	sdelay $0x1  }
0x180: {  	v10 =	vld [tilespmem:s12+$0x100]  }
0x181: {  	s18 =	simm.s32 $0x11801  }
0x182: {  	v7 =	vperm.xlane v7, v3;
	v8 =	vperm.xlane v8, v3;
	s11 =	sand.u32 $0x3FF0, s11;
	v11 =	vld [tilespmem:s18+$0x0]  }
0x183: {  	v9 =	vmul.f32 v9, v9;
	v12 =	vmul.f32 v6, v6;
	v6 =	vld [tilespmem:s11+$0x11800]  }
0x184: {  	s14 =	simm.s32 $0x40  }
0x185: {  	v7 =	vsub.f32 v8, v7;
	s11 =	sand.u32 $0x1FF00, s14;
	v8 =	vadd.f32 v9, v12;
	v9 =	vmul.f32 v10, v10  }
0x186: {  	s16 =	sadd.s32 $0x20, s11;
	v10, _, _ =	vpop (xrf2)  }
0x187: {  	s11 =	simm.s32 $0x20;
	s12 =	sadd.s32 $0x7800, s16;
	v8 =	vadd.f32 v9, v8;
	v7 =	vadd.f32 v10, v7  }
0x188: {  	s17 =	sand.u32 $0x70, s11;
	s12 =	sand.u32 $0x1FF80, s12;
	vm2 =	vne.s32 v6, v11  }
0x189: {  	s12 =	sor.u32 s17, s12;
	(xrf2) =	vadd.scan.msk.f32 $0xffff, v8;
	v8 =	vnsel vm2, $0x0, v7  }
0x18a: {  	(xrf0) =	vmax.scan.msk.f32 $0xffff, v8;
	v8 =	vld [tilespmem:s12+$0x80]  }
0x18b: {  	v9 =	vld [tilespmem:s12+$0x0];
	_ =	sdelay $0x2  }
0x18c: {  	v12 =	vld [tilespmem:s12+$0x100]  }
0x18d: {  	s14 =	simm.s32 $0x11811;
	v13 =	vmul.f32 v8, v8  }
0x18e: {  	s18 =	sand.u32 $0x3FF0, s15;
	v10 =	vld [tilespmem:s14+$0x0];
	v14 =	vperm.xlane v7, v3;
	v11 =	vmul.f32 v9, v9;
	v8, _, _ =	vpop (xrf0)  }
0x18f: {  	v15 =	vperm.xlane v8, v3;
	v9 =	vperm.xlane v8, v1;
	v8 =	vld [tilespmem:s18+$0x11800]  }
0x190: {  	s15 =	simm.s32 $0x60;
	vm2 =	vmmov vm2  }
0x191: {  	s16 =	simm.s32 $0x40;
	s17 =	sand.u32 $0x1FF00, s15;
	s12 =	simm.s32 $0x30;
	v12 =	vmul.f32 v12, v12;
	v11 =	vadd.f32 v13, v11;
	v13, _, _ =	vpop (xrf2);
	v14 =	vsub.f32 v14, v15  }
.LBB2_10:
0x192: {  	p0 =	sne.s32 s16, $0x27E0;
	s17 =	sadd.s32 s12, s17;
	v9 =	vsel vm1, $0x0, v9  }
0x193: {  	s17 =	sadd.s32 $0x7800, s17;
	v11 =	vadd.f32 v12, v11;
	v12 =	vadd.f32 v13, v14  }
0x194: {  	s18 =	sand.u32 $0x70, s12;
	v9 =	vsub.f32 v7, v9;
	s17 =	sand.u32 $0x1FF80, s17;
	vm3 =	vne.s32 v8, v10  }
0x195: {  	s17 =	sor.u32 s18, s17;
	(xrf2) =	vadd.scan.msk.f32 $0xffff, v11;
	v10 =	vnsel vm3, $0x0, v12;
	v7 =	vmov v12  }
0x196: {  	v11 =	vld [tilespmem:s17+$0x0];
	(xrf0) =	vmax.scan.msk.f32 $0xffff, v10  }
0x197: {  	v10 =	vld [tilespmem:s17+$0x80]  }
0x198: {  	[tilespmem:v6+s7+$0x0] =	vst.idx.add.f32.msk vm2, v9;
	v6 =	vmov v8;
	vm2 =	vmmov vm3;
	_ =	sdelay $0x1  }
0x199: {  	v12 =	vld [tilespmem:s17+$0x100]  }
.Ltmp4:
0x19a: {  	s14 =	sadd.s32 $0x10, s14;
	(pc) =	sbr.rel @p0 .LBB2_10-.Ltmp4, $4  }
0x19b: {  	s17 =	sand.u32 $0x3FF0, s11;
	s11 =	smov.u32 s12;
	s12 =	smov.u32 s16;
	v11 =	vmul.f32 v11, v11;
	v16 =	vmul.f32 v10, v10;
	v10 =	vld [tilespmem:s14+$0x0];
	v9, _, _ =	vpop (xrf0)  }
0x19c: {  	v14 =	vperm.xlane v7, v3;
	v8 =	vld [tilespmem:s17+$0x11800];
	v15 =	vperm.xlane v9, v3  }
0x19d: {  	s15 =	sadd.s32 $0x20, s15;
	v9 =	vperm.xlane v9, v1  }
0x19e: {  	s16 =	sadd.s32 $0x10, s16;
	s17 =	sand.u32 $0x1FF00, s15;
	v11 =	vadd.f32 v16, v11;
	v12 =	vmul.f32 v12, v12;
	v13, _, _ =	vpop (xrf2);
	v14 =	vsub.f32 v14, v15  }
0x19f: {  	_ = 	snop  }
0x1a0: {  	s15 =	sadd.s32 s12, s17;
	v11 =	vadd.f32 v12, v11;
	v12 =	vadd.f32 v13, v14  }
0x1a1: {  	s15 =	sadd.s32 $0x7800, s15;
	vm3 =	vne.s32 v8, v10  }
0x1a2: {  	s16 =	sand.u32 $0x70, s12;
	s15 =	sand.u32 $0x1FF80, s15;
	(xrf2) =	vadd.scan.msk.f32 $0xffff, v11;
	v10 =	vnsel vm3, $0x0, v12  }
0x1a3: {  	s15 =	sor.u32 s16, s15;
	(xrf0) =	vmax.scan.msk.f32 $0xffff, v10  }
0x1a4: {  	v11 =	vld [tilespmem:s15+$0x0]  }
0x1a5: {  	v10 =	vld [tilespmem:s15+$0x80];
	_ =	sdelay $0x1  }
0x1a6: {  	v13 =	vld [tilespmem:s15+$0x100]  }
0x1a7: {  	s14 =	sadd.s32 $0x10, s14  }
0x1a8: {  	s11 =	sand.u32 $0x3FF0, s11;
	v14 =	vld [tilespmem:s14+$0x0];
	v17 =	vperm.xlane v12, v3;
	v11 =	vmul.f32 v11, v11;
	v15, _, _ =	vpop (xrf0)  }
0x1a9: {  	v16 =	vld [tilespmem:s11+$0x11800];
	v10 =	vmul.f32 v10, v10;
	v18 =	vperm.xlane v15, v3;
	_ =	sdelay $0x1  }
0x1aa: {  	v10 =	vadd.f32 v10, v11;
	v11 =	vmul.f32 v13, v13;
	v13 =	vsub.f32 v17, v18  }
0x1ab: {  	v60, _, _ =	vpop (xrf2)  }
0x1ac: {  	v10 =	vadd.f32 v11, v10;
	v11 =	vadd.f32 v60, v13  }
0x1ad: {  	vm4 =	vne.s32 v16, v14  }
0x1ae: {  	(xrf2) =	vadd.scan.msk.f32 $0xffff, v10;
	v10 =	vnsel vm4, $0x0, v11  }
0x1af: {  	(xrf0) =	vmax.scan.msk.f32 $0xffff, v10;
	_ =	sdelay $0x4  }
0x1b0: {  	s16 =	sand.u32 $0x3FF0, s12  }
0x1b1: {  	s15 =	sadd.s32 $0x10, s14;
	v14 =	vld [tilespmem:s16+$0x11800];
	v13, _, _ =	vpop (xrf0)  }
0x1b2: {  	v17 =	vperm.xlane v11, v3;
	v10 =	vld [tilespmem:s15+$0x0];
	v61 =	vperm.xlane v13, v3;
	_ =	sdelay $0x1  }
0x1b3: {  	v17 =	vsub.f32 v17, v61  }
0x1b4: {  	v62, _, _ =	vpop (xrf2)  }
0x1b5: {  	v17 =	vadd.f32 v62, v17  }
0x1b6: {  	vm5 =	vne.s32 v14, v10  }
0x1b7: {  	v10 =	vnsel vm5, $0x0, v17  }
0x1b8: {  	(xrf0) =	vmax.scan.msk.f32 $0xffff, v10;
	_ =	sdelay $0x3  }
0x1b9: {  	vm3 =	vmmov vm3  }
0x1ba: {  	v9 =	vsel vm1, $0x0, v9;
	vm4 =	vmmov vm4;
	v10 =	vperm.xlane v15, v1  }
0x1bb: {  	vm1 =	veq.s32 v2, $0x0;
	v13 =	vperm.xlane v13, v1;
	vm5 =	vmmov vm5;
	v15, _, _ =	vpop (xrf0)  }
0x1bc: {  	v7 =	vsub.f32 v7, v9;
	v9 =	vsel vm1, $0x0, v10;
	v10 =	vperm.xlane v15, v1  }
0x1bd: {  	v9 =	vsub.f32 v12, v9;
	v12 =	vsel vm1, $0x0, v13  }
0x1be: {  	[tilespmem:v6+s7+$0x0] =	vst.idx.add.f32.msk vm2, v7;
	v6 =	vsub.f32 v11, v12;
	v7 =	vsel vm1, $0x0, v10  }
0x1bf: {  	[tilespmem:v8+s7+$0x0] =	vst.idx.add.f32.msk vm3, v9;
	v7 =	vsub.f32 v17, v7  }
0x1c0: {  	[tilespmem:v16+s7+$0x0] =	vst.idx.add.f32.msk vm4, v6  }
0x1c1: {  	[tilespmem:v14+s7+$0x0] =	vst.idx.add.f32.msk vm5, v7  }
0x1c2: {  	v6 =	vld [tilespmem:$0x13FF0];
	_ =	swait.ge [sflag:s3], $0x7800  }
0x1c3: {  	[sflag:s3] =	ssyncset.done $0x0  }
0x1c4: {  	[sflag:s3] =	ssyncadd.s32 $0xFFFF8800  }
0x1c5: {  	_ =	swait.ge [sflag:s3], $0x2800  }
0x1c6: {  	[sflag:s3] =	ssyncset.done $0x0  }
0x1c7: {  	[sflag:s3] =	ssyncadd.s32 $0xFFFFD800  }
0x1c8: {  	v7 =	vld [tilespmem:$0xEEF0]  }
0x1c9: {  	v8 =	vld [tilespmem:$0xEF70];
	_ =	sdelay $0x1  }
0x1ca: {  	v9 =	vld [tilespmem:$0xEFF0];
	_ =	sdelay $0x2  }
0x1cb: {  	v7 =	vmul.f32 v7, v7;
	v8 =	vmul.f32 v8, v8;
	_ =	sdelay $0x1  }
0x1cc: {  	v7 =	vadd.f32 v8, v7;
	v8 =	vmul.f32 v9, v9;
	_ =	sdelay $0x1  }
0x1cd: {  	v7 =	vadd.f32 v8, v7;
	_ =	sdelay $0x1  }
0x1ce: {  	(xrf2) =	vadd.scan.msk.f32 $0xffff, v7;
	_ =	sdelay $0x3  }
0x1cf: {  	v7 =	vld [tilespmem:$0xF000];
	_ =	sdelay $0x2  }
0x1d0: {  	v9 =	vperm.xlane v15, v3;
	v8 =	vperm.xlane v17, v3;
	_ =	sdelay $0x1  }
0x1d1: {  	v8 =	vsub.f32 v8, v9;
	v9 =	vperm.xlane v6, v4;
	v7 =	vperm.xlane v7, v5  }
0x1d2: {  	v10, _, _ =	vpop (xrf2)  }
0x1d3: {  	v7 =	vsel vm0, v9, v7;
	v8 =	vadd.f32 v10, v8  }
0x1d4: {  	vm2 =	vne.s32 v6, v7  }
0x1d5: {  	v7 =	vnsel vm2, $0x0, v8  }
0x1d6: {  	(xrf0) =	vmax.scan.msk.f32 $0xffff, v7;
	_ =	sdelay $0x5  }
0x1d7: {  	v7, _, _ =	vpop (xrf0)  }
0x1d8: {  	v9 =	vperm.xlane v7, v1  }
0x1d9: {  	s17 =	simm.s32 $0x0  }
0x1da: {  	s18 =	sand.u32 $0xFF00, s17;
	v9 =	vsel vm1, $0x0, v9  }
0x1db: {  	s12 =	sadd.s32 $0x0, s18;
	v9 =	vsub.f32 v8, v9  }
0x1dc: {  	s11 =	sand.u32 $0x70, s17;
	s12 =	sand.u32 $0xFF80, s12  }
0x1dd: {  	s11 =	sor.u32 s11, s12;
	[tilespmem:v6+s7+$0x0] =	vst.idx.add.f32.msk vm2, v9  }
0x1de: {  	v6 =	vld [tilespmem:s11+$0x0]  }
0x1df: {  	v9 =	vld [tilespmem:s11+$0x80];
	_ =	sdelay $0x1  }
0x1e0: {  	v10 =	vld [tilespmem:s11+$0x100];
	_ =	sdelay $0x2  }
0x1e1: {  	v6 =	vmul.f32 v6, v6;
	v9 =	vmul.f32 v9, v9;
	_ =	sdelay $0x1  }
0x1e2: {  	s14 =	simm.s32 $0x20;
	v6 =	vadd.f32 v9, v6;
	v9 =	vmul.f32 v10, v10  }
0x1e3: {  	s11 =	sand.u32 $0xFF00, s14  }
0x1e4: {  	s15 =	simm.s32 $0x10;
	s11 =	sadd.s32 $0x10, s11;
	v6 =	vadd.f32 v9, v6  }
0x1e5: {  	s12 =	sand.u32 $0x70, s15;
	s11 =	sand.u32 $0xFF80, s11  }
0x1e6: {  	s11 =	sor.u32 s12, s11;
	(xrf2) =	vadd.scan.msk.f32 $0xffff, v6  }
0x1e7: {  	v10 =	vld [tilespmem:s11+$0x80]  }
0x1e8: {  	v9 =	vld [tilespmem:s11+$0x0];
	_ =	sdelay $0x1  }
0x1e9: {  	v11 =	vld [tilespmem:s11+$0x100]  }
0x1ea: {  	s16 =	simm.s32 $0xF001  }
0x1eb: {  	v7 =	vperm.xlane v7, v3;
	v12 =	vld [tilespmem:s16+$0x0];
	v10 =	vmul.f32 v10, v10  }
0x1ec: {  	v8 =	vperm.xlane v8, v3;
	v6 =	vld [tilespmem:s16+$0xFFFFFFFF];
	v9 =	vmul.f32 v9, v9;
	_ =	sdelay $0x1  }
0x1ed: {  	s17 =	simm.s32 $0x40;
	v7 =	vsub.f32 v8, v7;
	v8 =	vadd.f32 v10, v9;
	v9 =	vmul.f32 v11, v11  }
0x1ee: {  	s11 =	sand.u32 $0xFF00, s17;
	v10, _, _ =	vpop (xrf2)  }
0x1ef: {  	s18 =	simm.s32 $0x20;
	s11 =	sadd.s32 $0x20, s11;
	v8 =	vadd.f32 v9, v8;
	v7 =	vadd.f32 v10, v7  }
0x1f0: {  	s12 =	sand.u32 $0x70, s18;
	s11 =	sand.u32 $0xFF80, s11;
	vm2 =	vne.s32 v6, v12  }
0x1f1: {  	s11 =	sor.u32 s12, s11;
	(xrf2) =	vadd.scan.msk.f32 $0xffff, v8;
	v8 =	vnsel vm2, $0x0, v7  }
0x1f2: {  	v9 =	vld [tilespmem:s11+$0x0];
	(xrf0) =	vmax.scan.msk.f32 $0xffff, v8  }
0x1f3: {  	v8 =	vld [tilespmem:s11+$0x80];
	_ =	sdelay $0x3  }
0x1f4: {  	v12 =	vld [tilespmem:s11+$0x100]  }
0x1f5: {  	v9 =	vmul.f32 v9, v9;
	s11 =	simm.s32 $0xF011;
	v10 =	vmul.f32 v8, v8;
	v8, _, _ =	vpop (xrf0)  }
0x1f6: {  	v15 =	vperm.xlane v8, v3;
	v63 =	vperm.xlane v8, v1;
	v8 =	vld [tilespmem:s11+$0xFFFFFFFF]  }
0x1f7: {  	v14 =	vperm.xlane v7, v3;
	v11 =	vadd.f32 v10, v9;
	v10 =	vld [tilespmem:s11+$0x0];
	_ =	sdelay $0x1  }
0x1f8: {  	s14 =	simm.s32 $0x60;
	v12 =	vmul.f32 v12, v12;
	v14 =	vsub.f32 v14, v15  }
0x1f9: {  	s15 =	simm.s32 $0x40;
	s16 =	sand.u32 $0xFF00, s14;
	s12 =	simm.s32 $0x30;
	vm2 =	vmmov vm2;
	v13, _, _ =	vpop (xrf2);
	v9 =	vsel vm1, $0x0, v63  }
.LBB2_12:
0x1fa: {  	p0 =	sne.s32 s15, $0x27E0;
	s16 =	sadd.s32 s16, s12;
	v11 =	vadd.f32 v12, v11;
	v12 =	vadd.f32 v13, v14  }
0x1fb: {  	s17 =	sand.u32 $0x70, s12;
	v9 =	vsub.f32 v7, v9;
	s12 =	smov.u32 s15;
	s16 =	sand.u32 $0xFF80, s16;
	vm3 =	vne.s32 v8, v10  }
0x1fc: {  	s16 =	sor.u32 s17, s16;
	(xrf2) =	vadd.scan.msk.f32 $0xffff, v11;
	v10 =	vnsel vm3, $0x0, v12;
	v7 =	vmov v12  }
0x1fd: {  	v11 =	vld [tilespmem:s16+$0x0];
	(xrf0) =	vmax.scan.msk.f32 $0xffff, v10  }
0x1fe: {  	v10 =	vld [tilespmem:s16+$0x80]  }
0x1ff: {  	[tilespmem:v6+s7+$0x0] =	vst.idx.add.f32.msk vm2, v9;
	v6 =	vmov v8;
	vm2 =	vmmov vm3;
	_ =	sdelay $0x1  }
0x200: {  	v9 =	vld [tilespmem:s16+$0x100]  }
0x201: {  	s11 =	sadd.s32 $0x10, s11  }
.Ltmp5:
0x202: {  	v11 =	vmul.f32 v11, v11;
	v12 =	vmul.f32 v10, v10;
	v8 =	vld [tilespmem:s11+$0xFFFFFFFF];
	v13, _, _ =	vpop (xrf0);
	(pc) =	sbr.rel @p0 .LBB2_12-.Ltmp5, $4  }
0x203: {  	v14 =	vperm.xlane v7, v3;
	v10 =	vld [tilespmem:s11+$0x0];
	v15 =	vperm.xlane v13, v3  }
0x204: {  	v16 =	vperm.xlane v13, v1  }
0x205: {  	s14 =	sadd.s32 $0x20, s14;
	v11 =	vadd.f32 v12, v11;
	v12 =	vmul.f32 v9, v9;
	v13, _, _ =	vpop (xrf2);
	v14 =	vsub.f32 v14, v15  }
0x206: {  	s15 =	sadd.s32 $0x10, s15;
	s16 =	sand.u32 $0xFF00, s14;
	v9 =	vsel vm1, $0x0, v16  }
0x207: {  	v11 =	vadd.f32 v12, v11;
	v42 =	vadd.f32 v13, v14  }
0x208: {  	s14 =	sadd.s32 s16, s12;
	vm1 =	vne.s32 v8, v10  }
0x209: {  	s16 =	sand.u32 $0x70, s12;
	s14 =	sand.u32 $0xFF80, s14;
	(xrf2) =	vadd.scan.msk.f32 $0xffff, v11;
	v10 =	vnsel vm1, $0x0, v42  }
0x20a: {  	s12 =	sor.u32 s16, s14;
	(xrf0) =	vmax.scan.msk.f32 $0xffff, v10  }
0x20b: {  	v43 =	vld [tilespmem:s12+$0x0]  }
0x20c: {  	v44 =	vld [tilespmem:s12+$0x80];
	_ =	sdelay $0x1  }
0x20d: {  	v45 =	vld [tilespmem:s12+$0x100]  }
0x20e: {  	s11 =	sadd.s32 $0x10, s11  }
0x20f: {  	v46 =	vld [tilespmem:s11+$0xFFFFFFFF];
	v17 =	vperm.xlane v42, v3;
	v11 =	vmul.f32 v43, v43;
	v15, _, _ =	vpop (xrf0)  }
0x210: {  	v16 =	vld [tilespmem:s11+$0x0];
	v10 =	vmul.f32 v44, v44;
	v18 =	vperm.xlane v15, v3;
	_ =	sdelay $0x1  }
0x211: {  	v47 =	vmul.f32 v45, v45;
	v10 =	vadd.f32 v10, v11;
	v48 =	vsub.f32 v17, v18  }
0x212: {  	v49, _, _ =	vpop (xrf2)  }
0x213: {  	v10 =	vadd.f32 v47, v10;
	v50 =	vadd.f32 v49, v48  }
0x214: {  	vm3 =	vne.s32 v46, v16  }
0x215: {  	(xrf2) =	vadd.scan.msk.f32 $0xffff, v10;
	v51 =	vnsel vm3, $0x0, v50  }
0x216: {  	(xrf0) =	vmax.scan.msk.f32 $0xffff, v51;
	_ =	sdelay $0x4  }
0x217: {  	s11 =	sadd.s32 $0x10, s11  }
0x218: {  	v52 =	vld [tilespmem:s11+$0xFFFFFFFF];
	v53, _, _ =	vpop (xrf0)  }
0x219: {  	v54 =	vld [tilespmem:s11+$0x0];
	v17 =	vperm.xlane v50, v3;
	v55 =	vperm.xlane v53, v3;
	_ =	sdelay $0x1  }
0x21a: {  	v17 =	vsub.f32 v17, v55  }
0x21b: {  	v56, _, _ =	vpop (xrf2)  }
0x21c: {  	v17 =	vadd.f32 v56, v17  }
0x21d: {  	vm4 =	vne.s32 v52, v54  }
0x21e: {  	v16 =	vnsel vm4, $0x0, v17  }
0x21f: {  	(xrf0) =	vmax.scan.msk.f32 $0xffff, v16;
	_ =	sdelay $0x3  }
0x220: {  	vm5 =	vmmov vm1  }
0x221: {  	v15 =	vperm.xlane v15, v1;
	vm3 =	vmmov vm3  }
0x222: {  	vm1 =	veq.s32 v2, $0x0;
	v13 =	vperm.xlane v53, v1;
	vm4 =	vmmov vm4;
	v16, _, _ =	vpop (xrf0)  }
0x223: {  	v7 =	vsub.f32 v7, v9;
	v57 =	vsel vm1, $0x0, v15;
	v58 =	vperm.xlane v16, v1  }
0x224: {  	v9 =	vsub.f32 v42, v57;
	v59 =	vsel vm1, $0x0, v13  }
0x225: {  	[tilespmem:v6+s7+$0x0] =	vst.idx.add.f32.msk vm2, v7;
	v6 =	vsub.f32 v50, v59;
	v7 =	vsel vm1, $0x0, v58  }
0x226: {  	[tilespmem:v8+s7+$0x0] =	vst.idx.add.f32.msk vm5, v9;
	v7 =	vsub.f32 v17, v7  }
0x227: {  	[tilespmem:v46+s7+$0x0] =	vst.idx.add.f32.msk vm3, v6  }
0x228: {  	[tilespmem:v52+s7+$0x0] =	vst.idx.add.f32.msk vm4, v7  }
0x229: {  	v6 =	vld [tilespmem:$0x76F0]  }
0x22a: {  	v7 =	vld [tilespmem:$0x7770];
	_ =	sdelay $0x1  }
0x22b: {  	v8 =	vld [tilespmem:$0x77F0];
	_ =	sdelay $0x2  }
0x22c: {  	v6 =	vmul.f32 v6, v6;
	v7 =	vmul.f32 v7, v7;
	_ =	sdelay $0x1  }
0x22d: {  	v6 =	vadd.f32 v7, v6;
	v7 =	vmul.f32 v8, v8;
	_ =	sdelay $0x1  }
0x22e: {  	v6 =	vadd.f32 v7, v6;
	_ =	sdelay $0x1  }
0x22f: {  	(xrf2) =	vadd.scan.msk.f32 $0xffff, v6;
	_ =	sdelay $0x4  }
0x230: {  	v6 =	vld [tilespmem:$0x117F0];
	_ =	sdelay $0x1  }
0x231: {  	v8 =	vperm.xlane v16, v3;
	v7 =	vperm.xlane v17, v3;
	_ =	sdelay $0x1  }
0x232: {  	v7 =	vsub.f32 v7, v8  }
0x233: {  	v8 =	vperm.xlane v6, v4;
	v60, _, _ =	vpop (xrf2)  }
0x234: {  	v7 =	vadd.f32 v60, v7  }
0x235: {  	vm2 =	vne.s32 v6, v8  }
0x236: {  	v8 =	vnsel vm2, $0x0, v7  }
0x237: {  	(xrf0) =	vmax.scan.msk.f32 $0xffff, v8;
	_ =	sdelay $0x5  }
0x238: {  	v8, _, _ =	vpop (xrf0)  }
0x239: {  	v62 =	vperm.xlane v6, v3;
	v61 =	vperm.xlane v8, v1;
	_ =	sdelay $0x1  }
0x23a: {  	v63 =	vperm.xlane v7, v3;
	v8 =	vperm.xlane v8, v3;
	v9 =	vsel vm1, $0x0, v61  }
0x23b: {  	v7 =	vsub.f32 v7, v9  }
0x23c: {  	v8 =	vsub.f32 v63, v8  }
0x23d: {  	[tilespmem:v6+s7+$0x0] =	vst.idx.add.f32.msk vm2, v7  }
0x23e: {  	s17 =	rddreg [dreg:$0xd];
	[tilespmem:v62+s7+$0x0] =	vst.idx.add.f32.msk $0x1, v8  }
0x23f: {  	[spmem:s17] =	stream.linear.scatter [tilespmem:s7], [sflag:$0x2], $0x4000, $0x38;
	[tilespmem:$0x1C800] =	vst v63  }
0x240: {  	_ =	swait.ge [sflag:s8], $0x4000  }
0x241: {  	[sflag:s8] =	ssyncset.done $0x0  }
0x242: {  	[sflag:s8] =	ssyncadd.s32 $0xFFFFC000  }
0x243: {  	[bflag:$0x0] =	sbarrier.arrive $0xFFFF  }
0x244: {  	[tilespmem:s9], [sflag:$0x2] =	stream.linear.gather [spmem:s13], $0x400, $0x38;
	[tilespmem:$0x1C800] =	vst v63  }
0x245: {  	_ =	swait.ge [sflag:s8], $0x400  }
0x246: {  	[sflag:s8] =	ssyncset.done $0x0  }
0x247: {  	s18 =	rddreg [dreg:$0xe];
	[sflag:s8] =	ssyncadd.s32 $0xFFFFFC00  }
0x248: {  	[tilespmem:s10], [sflag:$0x2] =	stream.linear.gather [spmem:s18], $0x400, $0x38;
	[tilespmem:$0x1C800] =	vst v63  }
0x249: {  	_ =	swait.ge [sflag:s8], $0x400  }
0x24a: {  	[sflag:s8] =	ssyncset.done $0x0  }
0x24b: {  	s11 =	simm.s32 $0x0;
	[sflag:s8] =	ssyncadd.s32 $0xFFFFFC00  }
0x24c: {  	s12 =	simm.s32 $0x40;
	v6 =	vld [tilespmem:s11+$0x18400]  }
.LBB2_14:
0x24d: {  	p0 =	sne.s32 s12, $0xFC0;
	v7 =	vld [tilespmem:s11+$0x18000];
	_ =	sdelay $0x2  }
.Ltmp6:
0x24e: {  	(pc) =	sbr.rel @p0 .LBB2_14-.Ltmp6, $4  }
0x24f: {  	_ = 	snop  }
0x250: {  	v7 =	vadd.f32 v6, v7  }
0x251: {  	s14 =	sshra.s32 s12, $0x2  }
0x252: {  	s12 =	sadd.s32 $0x40, s12;
	v6 =	vld [tilespmem:s14+$0x18400];
	[tilespmem:s11+$0x18000] =	vst v7;
	s11 =	smov.u32 s14  }
0x253: {  	v7 =	vld [tilespmem:s11+$0x18000];
	_ =	sdelay $0x4  }
0x254: {  	v6 =	vadd.f32 v6, v7;
	_ =	sdelay $0x1  }
0x255: {  	s18 =	rddreg [dreg:$0xf];
	[tilespmem:s11+$0x18000] =	vst v6  }
0x256: {  	[tilespmem:s10], [sflag:$0x2] =	stream.linear.gather [spmem:s18], $0x400, $0x38;
	[tilespmem:$0x1C800] =	vst v63  }
0x257: {  	_ =	swait.ge [sflag:s8], $0x400  }
0x258: {  	[sflag:s8] =	ssyncset.done $0x0  }
0x259: {  	s11 =	simm.s32 $0x0;
	[sflag:s8] =	ssyncadd.s32 $0xFFFFFC00  }
0x25a: {  	s12 =	simm.s32 $0x40;
	v6 =	vld [tilespmem:s11+$0x18400]  }
.LBB2_16:
0x25b: {  	p0 =	sne.s32 s12, $0xFC0;
	v7 =	vld [tilespmem:s11+$0x18000];
	_ =	sdelay $0x2  }
.Ltmp7:
0x25c: {  	(pc) =	sbr.rel @p0 .LBB2_16-.Ltmp7, $4  }
0x25d: {  	_ = 	snop  }
0x25e: {  	v7 =	vadd.f32 v6, v7  }
0x25f: {  	s14 =	sshra.s32 s12, $0x2  }
0x260: {  	s12 =	sadd.s32 $0x40, s12;
	v6 =	vld [tilespmem:s14+$0x18400];
	[tilespmem:s11+$0x18000] =	vst v7;
	s11 =	smov.u32 s14  }
0x261: {  	v7 =	vld [tilespmem:s11+$0x18000];
	_ =	sdelay $0x4  }
0x262: {  	v6 =	vadd.f32 v6, v7;
	_ =	sdelay $0x1  }
0x263: {  	s18 =	rddreg [dreg:$0x10];
	[tilespmem:s11+$0x18000] =	vst v6  }
0x264: {  	[tilespmem:s10], [sflag:$0x2] =	stream.linear.gather [spmem:s18], $0x400, $0x38;
	[tilespmem:$0x1C800] =	vst v63  }
0x265: {  	_ =	swait.ge [sflag:s8], $0x400  }
0x266: {  	[sflag:s8] =	ssyncset.done $0x0  }
0x267: {  	s11 =	simm.s32 $0x0;
	[sflag:s8] =	ssyncadd.s32 $0xFFFFFC00  }
0x268: {  	s12 =	simm.s32 $0x40;
	v6 =	vld [tilespmem:s11+$0x18400]  }
.LBB2_18:
0x269: {  	p0 =	sne.s32 s12, $0xFC0;
	v7 =	vld [tilespmem:s11+$0x18000];
	_ =	sdelay $0x2  }
.Ltmp8:
0x26a: {  	(pc) =	sbr.rel @p0 .LBB2_18-.Ltmp8, $4  }
0x26b: {  	_ = 	snop  }
0x26c: {  	v7 =	vadd.f32 v6, v7  }
0x26d: {  	s14 =	sshra.s32 s12, $0x2  }
0x26e: {  	s12 =	sadd.s32 $0x40, s12;
	v6 =	vld [tilespmem:s14+$0x18400];
	[tilespmem:s11+$0x18000] =	vst v7;
	s11 =	smov.u32 s14  }
0x26f: {  	v7 =	vld [tilespmem:s11+$0x18000];
	_ =	sdelay $0x4  }
0x270: {  	v6 =	vadd.f32 v6, v7;
	_ =	sdelay $0x1  }
0x271: {  	s18 =	rddreg [dreg:$0x11];
	[tilespmem:s11+$0x18000] =	vst v6  }
0x272: {  	[tilespmem:s10], [sflag:$0x2] =	stream.linear.gather [spmem:s18], $0x400, $0x38;
	[tilespmem:$0x1C800] =	vst v63  }
0x273: {  	_ =	swait.ge [sflag:s8], $0x400  }
0x274: {  	[sflag:s8] =	ssyncset.done $0x0  }
0x275: {  	s11 =	simm.s32 $0x0;
	[sflag:s8] =	ssyncadd.s32 $0xFFFFFC00  }
0x276: {  	s12 =	simm.s32 $0x40;
	v6 =	vld [tilespmem:s11+$0x18400]  }
.LBB2_20:
0x277: {  	p0 =	sne.s32 s12, $0xFC0;
	v7 =	vld [tilespmem:s11+$0x18000];
	_ =	sdelay $0x2  }
.Ltmp9:
0x278: {  	(pc) =	sbr.rel @p0 .LBB2_20-.Ltmp9, $4  }
0x279: {  	_ = 	snop  }
0x27a: {  	v7 =	vadd.f32 v6, v7  }
0x27b: {  	s14 =	sshra.s32 s12, $0x2  }
0x27c: {  	s12 =	sadd.s32 $0x40, s12;
	v6 =	vld [tilespmem:s14+$0x18400];
	[tilespmem:s11+$0x18000] =	vst v7;
	s11 =	smov.u32 s14  }
0x27d: {  	v7 =	vld [tilespmem:s11+$0x18000];
	_ =	sdelay $0x4  }
0x27e: {  	v6 =	vadd.f32 v6, v7;
	_ =	sdelay $0x1  }
0x27f: {  	[tilespmem:s11+$0x18000] =	vst v6  }
0x280: {  	[tilespmem:s10], [sflag:$0x2] =	stream.linear.gather [spmem:s19], $0x400, $0x38;
	[tilespmem:$0x1C800] =	vst v63  }
0x281: {  	_ =	swait.ge [sflag:s8], $0x400  }
0x282: {  	[sflag:s8] =	ssyncset.done $0x0  }
0x283: {  	s11 =	simm.s32 $0x0;
	[sflag:s8] =	ssyncadd.s32 $0xFFFFFC00  }
0x284: {  	s12 =	simm.s32 $0x40;
	v6 =	vld [tilespmem:s11+$0x18400]  }
.LBB2_22:
0x285: {  	p0 =	sne.s32 s12, $0xFC0;
	v7 =	vld [tilespmem:s11+$0x18000];
	_ =	sdelay $0x2  }
.Ltmp10:
0x286: {  	(pc) =	sbr.rel @p0 .LBB2_22-.Ltmp10, $4  }
0x287: {  	_ = 	snop  }
0x288: {  	v7 =	vadd.f32 v6, v7  }
0x289: {  	s14 =	sshra.s32 s12, $0x2  }
0x28a: {  	s12 =	sadd.s32 $0x40, s12;
	v6 =	vld [tilespmem:s14+$0x18400];
	[tilespmem:s11+$0x18000] =	vst v7;
	s11 =	smov.u32 s14  }
0x28b: {  	v7 =	vld [tilespmem:s11+$0x18000];
	_ =	sdelay $0x4  }
0x28c: {  	v6 =	vadd.f32 v6, v7;
	_ =	sdelay $0x1  }
0x28d: {  	[tilespmem:s11+$0x18000] =	vst v6  }
0x28e: {  	[tilespmem:s10], [sflag:$0x2] =	stream.linear.gather [spmem:s20], $0x400, $0x38;
	[tilespmem:$0x1C800] =	vst v63  }
0x28f: {  	_ =	swait.ge [sflag:s8], $0x400  }
0x290: {  	[sflag:s8] =	ssyncset.done $0x0  }
0x291: {  	s11 =	simm.s32 $0x0;
	[sflag:s8] =	ssyncadd.s32 $0xFFFFFC00  }
0x292: {  	s12 =	simm.s32 $0x40;
	v6 =	vld [tilespmem:s11+$0x18400]  }
.LBB2_24:
0x293: {  	p0 =	sne.s32 s12, $0xFC0;
	v7 =	vld [tilespmem:s11+$0x18000];
	_ =	sdelay $0x2  }
.Ltmp11:
0x294: {  	(pc) =	sbr.rel @p0 .LBB2_24-.Ltmp11, $4  }
0x295: {  	_ = 	snop  }
0x296: {  	v7 =	vadd.f32 v6, v7  }
0x297: {  	s14 =	sshra.s32 s12, $0x2  }
0x298: {  	s12 =	sadd.s32 $0x40, s12;
	v6 =	vld [tilespmem:s14+$0x18400];
	[tilespmem:s11+$0x18000] =	vst v7;
	s11 =	smov.u32 s14  }
0x299: {  	v7 =	vld [tilespmem:s11+$0x18000];
	_ =	sdelay $0x4  }
0x29a: {  	v6 =	vadd.f32 v6, v7;
	_ =	sdelay $0x1  }
0x29b: {  	[tilespmem:s11+$0x18000] =	vst v6  }
0x29c: {  	[tilespmem:s10], [sflag:$0x2] =	stream.linear.gather [spmem:s21], $0x400, $0x38;
	[tilespmem:$0x1C800] =	vst v63  }
0x29d: {  	_ =	swait.ge [sflag:s8], $0x400  }
0x29e: {  	[sflag:s8] =	ssyncset.done $0x0  }
0x29f: {  	s11 =	simm.s32 $0x0;
	[sflag:s8] =	ssyncadd.s32 $0xFFFFFC00  }
0x2a0: {  	s12 =	simm.s32 $0x40;
	v6 =	vld [tilespmem:s11+$0x18400]  }
.LBB2_26:
0x2a1: {  	p0 =	sne.s32 s12, $0xFC0;
	v7 =	vld [tilespmem:s11+$0x18000];
	_ =	sdelay $0x2  }
.Ltmp12:
0x2a2: {  	(pc) =	sbr.rel @p0 .LBB2_26-.Ltmp12, $4  }
0x2a3: {  	_ = 	snop  }
0x2a4: {  	v7 =	vadd.f32 v6, v7  }
0x2a5: {  	s14 =	sshra.s32 s12, $0x2  }
0x2a6: {  	s12 =	sadd.s32 $0x40, s12;
	v6 =	vld [tilespmem:s14+$0x18400];
	[tilespmem:s11+$0x18000] =	vst v7;
	s11 =	smov.u32 s14  }
0x2a7: {  	v7 =	vld [tilespmem:s11+$0x18000];
	_ =	sdelay $0x4  }
0x2a8: {  	v6 =	vadd.f32 v6, v7;
	_ =	sdelay $0x1  }
0x2a9: {  	[tilespmem:s11+$0x18000] =	vst v6  }
0x2aa: {  	[tilespmem:s10], [sflag:$0x2] =	stream.linear.gather [spmem:s22], $0x400, $0x38;
	[tilespmem:$0x1C800] =	vst v63  }
0x2ab: {  	_ =	swait.ge [sflag:s8], $0x400  }
0x2ac: {  	[sflag:s8] =	ssyncset.done $0x0  }
0x2ad: {  	s11 =	simm.s32 $0x0;
	[sflag:s8] =	ssyncadd.s32 $0xFFFFFC00  }
0x2ae: {  	s12 =	simm.s32 $0x40;
	v6 =	vld [tilespmem:s11+$0x18400]  }
.LBB2_28:
0x2af: {  	p0 =	sne.s32 s12, $0xFC0;
	v7 =	vld [tilespmem:s11+$0x18000];
	_ =	sdelay $0x2  }
.Ltmp13:
0x2b0: {  	(pc) =	sbr.rel @p0 .LBB2_28-.Ltmp13, $4  }
0x2b1: {  	_ = 	snop  }
0x2b2: {  	v7 =	vadd.f32 v6, v7  }
0x2b3: {  	s14 =	sshra.s32 s12, $0x2  }
0x2b4: {  	s12 =	sadd.s32 $0x40, s12;
	v6 =	vld [tilespmem:s14+$0x18400];
	[tilespmem:s11+$0x18000] =	vst v7;
	s11 =	smov.u32 s14  }
0x2b5: {  	v7 =	vld [tilespmem:s11+$0x18000];
	_ =	sdelay $0x4  }
0x2b6: {  	v6 =	vadd.f32 v6, v7;
	_ =	sdelay $0x1  }
0x2b7: {  	[tilespmem:s11+$0x18000] =	vst v6  }
0x2b8: {  	[tilespmem:s10], [sflag:$0x2] =	stream.linear.gather [spmem:s23], $0x400, $0x38;
	[tilespmem:$0x1C800] =	vst v63  }
0x2b9: {  	_ =	swait.ge [sflag:s8], $0x400  }
0x2ba: {  	[sflag:s8] =	ssyncset.done $0x0  }
0x2bb: {  	s11 =	simm.s32 $0x0;
	[sflag:s8] =	ssyncadd.s32 $0xFFFFFC00  }
0x2bc: {  	s12 =	simm.s32 $0x40;
	v6 =	vld [tilespmem:s11+$0x18400]  }
.LBB2_30:
0x2bd: {  	p0 =	sne.s32 s12, $0xFC0;
	v7 =	vld [tilespmem:s11+$0x18000];
	_ =	sdelay $0x2  }
.Ltmp14:
0x2be: {  	(pc) =	sbr.rel @p0 .LBB2_30-.Ltmp14, $4  }
0x2bf: {  	_ = 	snop  }
0x2c0: {  	v7 =	vadd.f32 v6, v7  }
0x2c1: {  	s14 =	sshra.s32 s12, $0x2  }
0x2c2: {  	s12 =	sadd.s32 $0x40, s12;
	v6 =	vld [tilespmem:s14+$0x18400];
	[tilespmem:s11+$0x18000] =	vst v7;
	s11 =	smov.u32 s14  }
0x2c3: {  	v7 =	vld [tilespmem:s11+$0x18000];
	_ =	sdelay $0x4  }
0x2c4: {  	v6 =	vadd.f32 v6, v7;
	_ =	sdelay $0x1  }
0x2c5: {  	[tilespmem:s11+$0x18000] =	vst v6  }
0x2c6: {  	[tilespmem:s10], [sflag:$0x2] =	stream.linear.gather [spmem:s26], $0x400, $0x38;
	[tilespmem:$0x1C800] =	vst v63  }
0x2c7: {  	_ =	swait.ge [sflag:s8], $0x400  }
0x2c8: {  	[sflag:s8] =	ssyncset.done $0x0  }
0x2c9: {  	s11 =	simm.s32 $0x0;
	[sflag:s8] =	ssyncadd.s32 $0xFFFFFC00  }
0x2ca: {  	s12 =	simm.s32 $0x40;
	v6 =	vld [tilespmem:s11+$0x18400]  }
.LBB2_32:
0x2cb: {  	p0 =	sne.s32 s12, $0xFC0;
	v7 =	vld [tilespmem:s11+$0x18000];
	_ =	sdelay $0x2  }
.Ltmp15:
0x2cc: {  	(pc) =	sbr.rel @p0 .LBB2_32-.Ltmp15, $4  }
0x2cd: {  	_ = 	snop  }
0x2ce: {  	v7 =	vadd.f32 v6, v7  }
0x2cf: {  	s14 =	sshra.s32 s12, $0x2  }
0x2d0: {  	s12 =	sadd.s32 $0x40, s12;
	v6 =	vld [tilespmem:s14+$0x18400];
	[tilespmem:s11+$0x18000] =	vst v7;
	s11 =	smov.u32 s14  }
0x2d1: {  	v7 =	vld [tilespmem:s11+$0x18000];
	_ =	sdelay $0x4  }
0x2d2: {  	v6 =	vadd.f32 v6, v7;
	_ =	sdelay $0x1  }
0x2d3: {  	[tilespmem:s11+$0x18000] =	vst v6  }
0x2d4: {  	[tilespmem:s10], [sflag:$0x2] =	stream.linear.gather [spmem:s28], $0x400, $0x38;
	[tilespmem:$0x1C800] =	vst v63  }
0x2d5: {  	_ =	swait.ge [sflag:s8], $0x400  }
0x2d6: {  	[sflag:s8] =	ssyncset.done $0x0  }
0x2d7: {  	s11 =	simm.s32 $0x0;
	[sflag:s8] =	ssyncadd.s32 $0xFFFFFC00  }
0x2d8: {  	s12 =	simm.s32 $0x40;
	v6 =	vld [tilespmem:s11+$0x18400]  }
.LBB2_34:
0x2d9: {  	p0 =	sne.s32 s12, $0xFC0;
	v7 =	vld [tilespmem:s11+$0x18000];
	_ =	sdelay $0x2  }
.Ltmp16:
0x2da: {  	(pc) =	sbr.rel @p0 .LBB2_34-.Ltmp16, $4  }
0x2db: {  	_ = 	snop  }
0x2dc: {  	v7 =	vadd.f32 v6, v7  }
0x2dd: {  	s14 =	sshra.s32 s12, $0x2  }
0x2de: {  	s12 =	sadd.s32 $0x40, s12;
	v6 =	vld [tilespmem:s14+$0x18400];
	[tilespmem:s11+$0x18000] =	vst v7;
	s11 =	smov.u32 s14  }
0x2df: {  	v7 =	vld [tilespmem:s11+$0x18000];
	_ =	sdelay $0x4  }
0x2e0: {  	v6 =	vadd.f32 v6, v7;
	_ =	sdelay $0x1  }
0x2e1: {  	[tilespmem:s11+$0x18000] =	vst v6  }
0x2e2: {  	[tilespmem:s10], [sflag:$0x2] =	stream.linear.gather [spmem:s29], $0x400, $0x38;
	[tilespmem:$0x1C800] =	vst v63  }
0x2e3: {  	_ =	swait.ge [sflag:s8], $0x400  }
0x2e4: {  	[sflag:s8] =	ssyncset.done $0x0  }
0x2e5: {  	s11 =	simm.s32 $0x0;
	[sflag:s8] =	ssyncadd.s32 $0xFFFFFC00  }
0x2e6: {  	s12 =	simm.s32 $0x40;
	v6 =	vld [tilespmem:s11+$0x18400]  }
.LBB2_36:
0x2e7: {  	p0 =	sne.s32 s12, $0xFC0;
	v7 =	vld [tilespmem:s11+$0x18000];
	_ =	sdelay $0x2  }
.Ltmp17:
0x2e8: {  	(pc) =	sbr.rel @p0 .LBB2_36-.Ltmp17, $4  }
0x2e9: {  	_ = 	snop  }
0x2ea: {  	v7 =	vadd.f32 v6, v7  }
0x2eb: {  	s14 =	sshra.s32 s12, $0x2  }
0x2ec: {  	s12 =	sadd.s32 $0x40, s12;
	v6 =	vld [tilespmem:s14+$0x18400];
	[tilespmem:s11+$0x18000] =	vst v7;
	s11 =	smov.u32 s14  }
0x2ed: {  	v7 =	vld [tilespmem:s11+$0x18000];
	_ =	sdelay $0x4  }
0x2ee: {  	v6 =	vadd.f32 v6, v7;
	_ =	sdelay $0x1  }
0x2ef: {  	[tilespmem:s11+$0x18000] =	vst v6  }
0x2f0: {  	[tilespmem:s10], [sflag:$0x2] =	stream.linear.gather [spmem:s30], $0x400, $0x38;
	[tilespmem:$0x1C800] =	vst v63  }
0x2f1: {  	_ =	swait.ge [sflag:s8], $0x400  }
0x2f2: {  	[sflag:s8] =	ssyncset.done $0x0  }
0x2f3: {  	s11 =	simm.s32 $0x0;
	[sflag:s8] =	ssyncadd.s32 $0xFFFFFC00  }
0x2f4: {  	s12 =	simm.s32 $0x40;
	v6 =	vld [tilespmem:s11+$0x18400]  }
.LBB2_38:
0x2f5: {  	p0 =	sne.s32 s12, $0xFC0;
	v7 =	vld [tilespmem:s11+$0x18000];
	_ =	sdelay $0x2  }
.Ltmp18:
0x2f6: {  	(pc) =	sbr.rel @p0 .LBB2_38-.Ltmp18, $4  }
0x2f7: {  	_ = 	snop  }
0x2f8: {  	v7 =	vadd.f32 v6, v7  }
0x2f9: {  	s14 =	sshra.s32 s12, $0x2  }
0x2fa: {  	s12 =	sadd.s32 $0x40, s12;
	v6 =	vld [tilespmem:s14+$0x18400];
	[tilespmem:s11+$0x18000] =	vst v7;
	s11 =	smov.u32 s14  }
0x2fb: {  	v7 =	vld [tilespmem:s11+$0x18000];
	_ =	sdelay $0x4  }
0x2fc: {  	v6 =	vadd.f32 v6, v7;
	_ =	sdelay $0x1  }
0x2fd: {  	[tilespmem:s11+$0x18000] =	vst v6  }
0x2fe: {  	[tilespmem:s10], [sflag:$0x2] =	stream.linear.gather [spmem:s31], $0x400, $0x38;
	[tilespmem:$0x1C800] =	vst v63  }
0x2ff: {  	_ =	swait.ge [sflag:s8], $0x400  }
0x300: {  	[sflag:s8] =	ssyncset.done $0x0  }
0x301: {  	s11 =	simm.s32 $0x0;
	[sflag:s8] =	ssyncadd.s32 $0xFFFFFC00  }
0x302: {  	s12 =	simm.s32 $0x40;
	v6 =	vld [tilespmem:s11+$0x18400]  }
.LBB2_40:
0x303: {  	p0 =	sne.s32 s12, $0xFC0;
	v7 =	vld [tilespmem:s11+$0x18000];
	_ =	sdelay $0x2  }
.Ltmp19:
0x304: {  	(pc) =	sbr.rel @p0 .LBB2_40-.Ltmp19, $4  }
0x305: {  	_ = 	snop  }
0x306: {  	v7 =	vadd.f32 v6, v7  }
0x307: {  	s14 =	sshra.s32 s12, $0x2  }
0x308: {  	s12 =	sadd.s32 $0x40, s12;
	v6 =	vld [tilespmem:s14+$0x18400];
	[tilespmem:s11+$0x18000] =	vst v7;
	s11 =	smov.u32 s14  }
0x309: {  	v7 =	vld [tilespmem:s11+$0x18000];
	_ =	sdelay $0x4  }
0x30a: {  	v6 =	vadd.f32 v6, v7;
	_ =	sdelay $0x1  }
0x30b: {  	[tilespmem:s11+$0x18000] =	vst v6  }
0x30c: {  	[tilespmem:s10], [sflag:$0x2] =	stream.linear.gather [spmem:s0], $0x400, $0x38;
	[tilespmem:$0x1C800] =	vst v63  }
0x30d: {  	_ =	swait.ge [sflag:s8], $0x400  }
0x30e: {  	[sflag:s8] =	ssyncset.done $0x0  }
0x30f: {  	s11 =	simm.s32 $0x0;
	[sflag:s8] =	ssyncadd.s32 $0xFFFFFC00  }
0x310: {  	s12 =	simm.s32 $0x40;
	v6 =	vld [tilespmem:s11+$0x18400]  }
.LBB2_42:
0x311: {  	p0 =	sne.s32 s12, $0xFC0;
	v7 =	vld [tilespmem:s11+$0x18000];
	_ =	sdelay $0x2  }
.Ltmp20:
0x312: {  	(pc) =	sbr.rel @p0 .LBB2_42-.Ltmp20, $4  }
0x313: {  	_ = 	snop  }
0x314: {  	v7 =	vadd.f32 v6, v7  }
0x315: {  	s14 =	sshra.s32 s12, $0x2  }
0x316: {  	s12 =	sadd.s32 $0x40, s12;
	v6 =	vld [tilespmem:s14+$0x18400];
	[tilespmem:s11+$0x18000] =	vst v7;
	s11 =	smov.u32 s14  }
0x317: {  	v7 =	vld [tilespmem:s11+$0x18000];
	_ =	sdelay $0x4  }
0x318: {  	s2 =	sadd.s32 $0x1, s2;
	v6 =	vadd.f32 v6, v7  }
0x319: {  	p0 =	sne.s32 s2, s25  }
.Ltmp21:
0x31a: {  	s18 =	simm.s32 $0x80;
	s12 =	simm.s32 $0x100;
	[tilespmem:s11+$0x18000] =	vst v6;
	(pc) =	sbr.rel @p0 .LBB2_1-.Ltmp21, $4  }
0x31b: {  	[hbm4b:s24+s18] =	stream.strided.scatter [tilespmem:s9], [sflag:$0x2], $0x400, s12, s18, $0x38;
	[tilespmem:$0x1C800] =	vst v63  }
0x31c: {  	_ =	swait.ge [sflag:s8], $0x400  }
0x31d: {  	[sflag:s8] =	ssyncset.done $0x0  }
0x31e: {  	[sflag:s8] =	ssyncadd.s32 $0xFFFFFC00  }
0x31f: {  	_ =	sfence.sel $0x180000  }
0x320: {  	[bflag:$0x0] =	sbarrier.arrive $0xFFFF  }
0x321: {  	_ =	strace $0x90000047  }
0x322: {  	s0 =	stileid.u32;
	[bflag:$0x2] =	sbarrier.arrive $0xFFFF  }
0x323: {  	p0 =	sne.s32 s0, $0x0;
	s0 =	rddreg [dreg:$0x3]  }
0x324: {  	s0 =	sadd.s32 @!p0 $0x100000, s0  }
0x325: {  	[sflag:s0] =	ssyncadd.tile.s32 @!p0 $0x1;
	_ =	shalt  }
.Lfunc_end2:
_tile_overlayer_lowered:
.L_overlay_start_2:
0x326: {  	(tag) =	ssettag $0x2  }
0x327: {  	s0 =	rddreg [dreg:$0x0];
	s2 =	stileid.u32  }
0x328: {  	s1 =	rddreg [dreg:$0x1];
	p0 =	sne.s32 s2, $0x0  }
0x329: {  	s3 =	rddreg [dreg:$0x2];
	[bflag:$0x3] =	sbarrier.arrive $0xFFFF;
	s2 =	simm.s32 @!p0 $0x1C02  }
0x32a: {  	[timem:s3], [sflag:s2] =	dma.local @!p0 [hbm:s0], s1  }
0x32b: {  	s0 =	simm.s32 @!p0 $0x2  }
0x32c: {  	_ =	swait.ge @!p0 [sflag:s0], s1  }
0x32d: {  	s1 =	ssub.s32 @!p0 $0x0, s1;
	[sflag:s0] =	ssyncset.done @!p0 $0x0  }
0x32e: {  	[sflag:s0] =	ssyncadd.s32 @!p0 s1  }
0x32f: {  	[bflag:$0x3] =	sbarrier.arrive $0xFFFF  }
0x330: {  	_ =	shalt  }

</sc_bundles>
